<compile_context>
chip_gen: v7x
topology: tpu7x:2x2x1
jax: 0.10.2.dev20260603
libtpu: 0.0.44.dev20260713+nightly
codegen_flags: <defaults>
</compile_context>

<pallas_src>
import functools

import jax
import jax.numpy as jnp
from jax import lax
from jax.experimental import pallas as pl
from jax.experimental.pallas import tpu as pltpu
from jax.experimental.pallas import tpu_sc as plsc

N = 10000
E = 320000
IN_DIM = 128
D = 64
DW = 64
NG = 128
NCLS = 10

_NC = 2
_NS = 16
_NW = _NC * _NS

_K = 128
_NB = 8
_NCH = 80
_E_PAD = _NW * _K * _NCH
_N_PAD = 10112
_RPT = _N_PAD // _NS


def _edge_agg_body(y_hbm, src_hbm, dst_hbm, zeros_hbm, out_hbm,
                   src_v, dst_v, rows, sems, ssems, acc_sh):
    cid = lax.axis_index("c")
    sid = lax.axis_index("s")
    wid = sid * _NC + cid
    pltpu.sync_copy(zeros_hbm.at[pl.ds(sid * _RPT, _RPT)],
                    acc_sh.at[pl.ds(sid * _RPT, _RPT)])
    pltpu.sync_copy(src_hbm.at[wid], src_v)
    pltpu.sync_copy(dst_hbm.at[wid], dst_v)
    plsc.subcore_barrier()

    for b in range(_NB):
        pltpu.async_copy(y_hbm.at[src_v.at[b]], rows[b], sems[b])

    @pl.loop(0, _NCH - _NB, step=_NB)
    def chunks(g):
        for b in range(_NB):
            j = g + b
            pltpu.make_async_copy(y_hbm.at[src_v.at[j]], rows[b],
                                  sems[b]).wait()
            pltpu.async_copy(rows[b], acc_sh.at[dst_v.at[j]], ssems[b],
                             add=True)
        for b in range(_NB):
            j = g + b
            pltpu.make_async_copy(rows[b], acc_sh.at[dst_v.at[j]],
                                  ssems[b]).wait()
            pltpu.async_copy(y_hbm.at[src_v.at[j + _NB]], rows[b], sems[b])

    for b in range(_NB):
        j = _NCH - _NB + b
        pltpu.make_async_copy(y_hbm.at[src_v.at[j]], rows[b], sems[b]).wait()
        pltpu.sync_copy(rows[b], acc_sh.at[dst_v.at[j]], add=True)

    plsc.subcore_barrier()
    pltpu.sync_copy(acc_sh.at[pl.ds(sid * _RPT, _RPT)],
                    out_hbm.at[cid, pl.ds(sid * _RPT, _RPT)])


@functools.cache
def _make_edge_agg():
    return pl.kernel(
        _edge_agg_body,
        out_type=jax.ShapeDtypeStruct((_NC, _N_PAD, DW), jnp.float32),
        mesh=plsc.VectorSubcoreMesh(core_axis_name="c", subcore_axis_name="s"),
        compiler_params=pltpu.CompilerParams(use_tc_tiling_on_sc=False),
        scratch_types=[
            pltpu.VMEM((_NCH, _K), jnp.int32),
            pltpu.VMEM((_NCH, _K), jnp.int32),
            tuple(pltpu.VMEM((_K, DW), jnp.float32) for _ in range(_NB)),
            tuple(pltpu.SemaphoreType.DMA for _ in range(_NB)),
            tuple(pltpu.SemaphoreType.DMA for _ in range(_NB)),
            pltpu.VMEM_SHARED((_N_PAD, DW), jnp.float32),
        ],
    )


def _edge_agg(y, srcp, dstp, zeros):
    return _make_edge_agg()(y, srcp, dstp, zeros)


def _tc1_body(x_ref, w_ref, o_ref):
    o_ref[...] = jnp.dot(x_ref[...], w_ref[...],
                         preferred_element_type=jnp.float32)


def _tc2_body(y0_ref, p0_ref, p1_ref, b0_ref, sc_ref, sh_ref, w01_ref,
              b01_ref, w10_ref, o_ref):
    pre = (y0_ref[...] + p0_ref[...] + p1_ref[...]) + b0_ref[...]
    t = jnp.maximum(pre * sc_ref[...] + sh_ref[...], 0.0)
    h = jnp.dot(t, w01_ref[...], preferred_element_type=jnp.float32)
    h = jnp.maximum(h + b01_ref[...], 0.0)
    o_ref[...] = jnp.dot(h, w10_ref[...], preferred_element_type=jnp.float32)


def _tc3_body(y1_ref, p0_ref, p1_ref, b1_ref, sc_ref, sh_ref, w11_ref,
              b11_ref, bat_ref, wc_ref, bc_ref, o_ref):
    pre = (y1_ref[...] + p0_ref[...] + p1_ref[...]) + b1_ref[...]
    v = jnp.maximum(pre * sc_ref[...] + sh_ref[...], 0.0)
    h2 = jnp.dot(v, w11_ref[...], preferred_element_type=jnp.float32)
    h2 = h2 + b11_ref[...]
    gids = lax.broadcasted_iota(jnp.int32, (NG, _N_PAD), 0)
    pt = (gids == bat_ref[...]).astype(jnp.float32)
    pooled = jnp.dot(pt, h2, preferred_element_type=jnp.float32)
    cnt = jnp.sum(pt, axis=1, keepdims=True)
    pooled = pooled / jnp.maximum(cnt, 1.0)
    o_ref[...] = jnp.dot(pooled, wc_ref[...],
                         preferred_element_type=jnp.float32) + bc_ref[...]


_tc1 = pl.pallas_call(
    _tc1_body,
    out_shape=jax.ShapeDtypeStruct((_N_PAD, DW), jnp.float32))
_tc2 = pl.pallas_call(
    _tc2_body,
    out_shape=jax.ShapeDtypeStruct((_N_PAD, DW), jnp.float32))
_tc3 = pl.pallas_call(
    _tc3_body,
    out_shape=jax.ShapeDtypeStruct((NG, NCLS), jnp.float32))


def _bn_fold(g, b, rm, rv, eps=1e-5):
    scale = g * lax.rsqrt(rv + eps)
    shift = b - rm * scale
    return scale.reshape(1, D), shift.reshape(1, D)


def kernel(x, edge_index, batch, c0_l0_W, c0_l0_b, c0_bn_g, c0_bn_b,
           c0_bn_rm, c0_bn_rv, c0_l1_W, c0_l1_b, c1_l0_W, c1_l0_b, c1_bn_g,
           c1_bn_b, c1_bn_rm, c1_bn_rv, c1_l1_W, c1_l1_b, cls_W, cls_b):
    f32 = jnp.float32
    xp = jnp.concatenate([x, jnp.zeros((_N_PAD - N, IN_DIM), f32)], axis=0)
    pad_idx = jnp.full((_E_PAD - E,), N, jnp.int32)
    srcp = jnp.concatenate([edge_index[0], pad_idx]).reshape(_NW, _NCH, _K)
    dstp = jnp.concatenate([edge_index[1], pad_idx]).reshape(_NW, _NCH, _K)
    batp = jnp.concatenate(
        [batch, jnp.full((_N_PAD - N,), -1, jnp.int32)]).reshape(1, _N_PAD)
    zeros = jnp.zeros((_N_PAD, DW), f32)
    sc0, sh0 = _bn_fold(c0_bn_g, c0_bn_b, c0_bn_rm, c0_bn_rv)
    sc1, sh1 = _bn_fold(c1_bn_g, c1_bn_b, c1_bn_rm, c1_bn_rv)

    y0 = _tc1(xp, c0_l0_W.T)
    parts0 = _edge_agg(y0, srcp, dstp, zeros)
    y1 = _tc2(y0, parts0[0], parts0[1], c0_l0_b.reshape(1, D), sc0, sh0,
              c0_l1_W.T, c0_l1_b.reshape(1, D), c1_l0_W.T)
    parts1 = _edge_agg(y1, srcp, dstp, zeros)
    out = _tc3(y1, parts1[0], parts1[1], c1_l0_b.reshape(1, D), sc1, sh1,
               c1_l1_W.T, c1_l1_b.reshape(1, D), batp,
               cls_W.T, cls_b.reshape(1, NCLS))
    return out

# --- scband reference (transcript-rebuilt; emitter-appended) ---
"""Pipeline reference for scband-gin-r-34376918237439 (READ-ONLY COPY).

The authoritative reference and input builder live on the scoring server;
editing this copy changes nothing except your own understanding.
"""

import jax, jax.numpy as jnp
import numpy as np

N = 10000
E = 320000
IN_DIM = 128
HID = 64
OUT = 64
NCLS = 10
NG = 128


def setup_inputs(seed: int = 0) -> dict:
    key = jax.random.key(seed)
    ks = jax.random.split(key, 24)
    inp = {}
    inp['x'] = jax.random.normal(ks[0], (N, IN_DIM), dtype=jnp.float32)
    inp['edge_index'] = jax.random.randint(ks[1], (2, E), 0, N, dtype=jnp.int32)
    inp['batch'] = jnp.sort(jax.random.randint(ks[2], (N,), 0, NG, dtype=jnp.int32))
    s = 0.05
    # GINConv 0: MLP([128, 64, 64]) with BatchNorm1d(64) between the two linears
    inp['c0_l0_W'] = jax.random.normal(ks[3], (HID, IN_DIM), dtype=jnp.float32) * s
    inp['c0_l0_b'] = jax.random.normal(ks[4], (HID,), dtype=jnp.float32) * s
    inp['c0_bn_g'] = jnp.ones((HID,), dtype=jnp.float32) + jax.random.normal(ks[5], (HID,), dtype=jnp.float32) * s
    inp['c0_bn_b'] = jax.random.normal(ks[6], (HID,), dtype=jnp.float32) * s
    inp['c0_bn_rm'] = jax.random.normal(ks[7], (HID,), dtype=jnp.float32) * s
    inp['c0_bn_rv'] = jax.random.uniform(ks[8], (HID,), dtype=jnp.float32, minval=0.5, maxval=1.5)
    inp['c0_l1_W'] = jax.random.normal(ks[9], (HID, HID), dtype=jnp.float32) * s
    inp['c0_l1_b'] = jax.random.normal(ks[10], (HID,), dtype=jnp.float32) * s
    # GINConv 1: MLP([64, 64, 64])
    inp['c1_l0_W'] = jax.random.normal(ks[11], (HID, HID), dtype=jnp.float32) * s
    inp['c1_l0_b'] = jax.random.normal(ks[12], (HID,), dtype=jnp.float32) * s
    inp['c1_bn_g'] = jnp.ones((HID,), dtype=jnp.float32) + jax.random.normal(ks[13], (HID,), dtype=jnp.float32) * s
    inp['c1_bn_b'] = jax.random.normal(ks[14], (HID,), dtype=jnp.float32) * s
    inp['c1_bn_rm'] = jax.random.normal(ks[15], (HID,), dtype=jnp.float32) * s
    inp['c1_bn_rv'] = jax.random.uniform(ks[16], (HID,), dtype=jnp.float32, minval=0.5, maxval=1.5)
    inp['c1_l1_W'] = jax.random.normal(ks[17], (OUT, HID), dtype=jnp.float32) * s
    inp['c1_l1_b'] = jax.random.normal(ks[18], (OUT,), dtype=jnp.float32) * s
    # Classifier Linear(out_channels -> num_cls)
    inp['cls_W'] = jax.random.normal(ks[19], (NCLS, OUT), dtype=jnp.float32) * s
    inp['cls_b'] = jax.random.normal(ks[20], (NCLS,), dtype=jnp.float32) * s
    return inp


def _linear(x, W, b):
    return x @ W.T + b


def _bn_eval(x, g, b, rm, rv, eps=1e-5):
    return (x - rm) / jnp.sqrt(rv + eps) * g + b


def _gin_conv(x, edge_index, l0W, l0b, g, bb, rm, rv, l1W, l1b):
    # GINConv with eps=0: h_i = MLP(x_i + sum_{j->i} x_j)
    msgs = x[edge_index[0]]
    agg = jax.ops.segment_sum(msgs, edge_index[1], num_segments=N)
    h = x + agg
    h = _linear(h, l0W, l0b)
    h = _bn_eval(h, g, bb, rm, rv)
    h = jax.nn.relu(h)
    h = _linear(h, l1W, l1b)
    return h


def reference(x, edge_index, batch, c0_l0_W, c0_l0_b, c0_bn_g, c0_bn_b, c0_bn_rm, c0_bn_rv, c0_l1_W, c0_l1_b, c1_l0_W, c1_l0_b, c1_bn_g, c1_bn_b, c1_bn_rm, c1_bn_rv, c1_l1_W, c1_l1_b, cls_W, cls_b):
    # GIN_Net with max_depth=2 (eval mode: dropout is identity, BN uses running stats)
    h = _gin_conv(x, edge_index, c0_l0_W, c0_l0_b, c0_bn_g, c0_bn_b, c0_bn_rm, c0_bn_rv, c0_l1_W, c0_l1_b)
    h = jax.nn.relu(h)
    h = _gin_conv(h, edge_index, c1_l0_W, c1_l0_b, c1_bn_g, c1_bn_b, c1_bn_rm, c1_bn_rv, c1_l1_W, c1_l1_b)
    # global_mean_pool over batch ids
    cnt = jax.ops.segment_sum(jnp.ones((N,), dtype=h.dtype), batch, num_segments=NG)
    pooled = jax.ops.segment_sum(h, batch, num_segments=NG) / jnp.maximum(cnt, 1.0)[:, None]
    # classifier (dropout is identity in eval)
    return _linear(pooled, cls_W, cls_b)

if __name__ == "__main__":
    import jax
    _d = setup_inputs()
    print(jax.jit(kernel)(*tuple(_d.values())))

</pallas_src>

<mosaic_0001>
#map = affine_map<(d0, d1) -> (0, 0)>
#map1 = affine_map<(d0, d1) -> (0, 0, 0)>
module attributes {stable_mosaic.version = 14 : i64} {
  func.func @_edge_agg_body(%arg0: i32, %arg1: i32, %arg2: memref<10112x64xf32, #tpu.memory_space<hbm>>, %arg3: memref<32x80x128xi32, #tpu.memory_space<hbm>>, %arg4: memref<32x80x128xi32, #tpu.memory_space<hbm>>, %arg5: memref<10112x64xf32, #tpu.memory_space<hbm>>, %arg6: memref<2x10112x64xf32, #tpu.memory_space<hbm>>, %arg7: memref<80x128xi32, #tpu.memory_space<vmem>>, %arg8: memref<80x128xi32, #tpu.memory_space<vmem>>, %arg9: memref<128x64xf32, #tpu.memory_space<vmem>>, %arg10: memref<128x64xf32, #tpu.memory_space<vmem>>, %arg11: memref<128x64xf32, #tpu.memory_space<vmem>>, %arg12: memref<128x64xf32, #tpu.memory_space<vmem>>, %arg13: memref<128x64xf32, #tpu.memory_space<vmem>>, %arg14: memref<128x64xf32, #tpu.memory_space<vmem>>, %arg15: memref<128x64xf32, #tpu.memory_space<vmem>>, %arg16: memref<128x64xf32, #tpu.memory_space<vmem>>, %arg17: memref<!tpu.dma_semaphore, #tpu.memory_space<semaphore_mem>>, %arg18: memref<!tpu.dma_semaphore, #tpu.memory_space<semaphore_mem>>, %arg19: memref<!tpu.dma_semaphore, #tpu.memory_space<semaphore_mem>>, %arg20: memref<!tpu.dma_semaphore, #tpu.memory_space<semaphore_mem>>, %arg21: memref<!tpu.dma_semaphore, #tpu.memory_space<semaphore_mem>>, %arg22: memref<!tpu.dma_semaphore, #tpu.memory_space<semaphore_mem>>, %arg23: memref<!tpu.dma_semaphore, #tpu.memory_space<semaphore_mem>>, %arg24: memref<!tpu.dma_semaphore, #tpu.memory_space<semaphore_mem>>, %arg25: memref<!tpu.dma_semaphore, #tpu.memory_space<semaphore_mem>>, %arg26: memref<!tpu.dma_semaphore, #tpu.memory_space<semaphore_mem>>, %arg27: memref<!tpu.dma_semaphore, #tpu.memory_space<semaphore_mem>>, %arg28: memref<!tpu.dma_semaphore, #tpu.memory_space<semaphore_mem>>, %arg29: memref<!tpu.dma_semaphore, #tpu.memory_space<semaphore_mem>>, %arg30: memref<!tpu.dma_semaphore, #tpu.memory_space<semaphore_mem>>, %arg31: memref<!tpu.dma_semaphore, #tpu.memory_space<semaphore_mem>>, %arg32: memref<!tpu.dma_semaphore, #tpu.memory_space<semaphore_mem>>, %arg33: memref<10112x64xf32, #tpu.memory_space<vmem_shared>>) attributes {dimension_semantics = [#tpu.dimension_semantics<core_parallel>, #tpu.dimension_semantics<subcore_parallel>], iteration_bounds = array<i64: 2, 16>, scalar_prefetch = 0 : i64, scratch_operands = 27 : i64, tpu.core_type = #tpu.core_type<sc_vector_subcore>, window_params = [{transform_indices = #map}, {transform_indices = #map1}, {transform_indices = #map1}, {transform_indices = #map}, {transform_indices = #map1}]} {
    %mul3A = arith.constant 2 : i32
    %mul3A_0 = arith.muli %arg1, %mul3A : i32
    %add3A = arith.addi %mul3A_0, %arg0 : i32
    %mul3A_1 = arith.constant 632 : i32
    %mul3A_2 = arith.muli %arg1, %mul3A_1 : i32
    %mul3A_3 = arith.constant 632 : i32
    %mul3A_4 = arith.muli %arg1, %mul3A_3 : i32
    "tpu.region"() ({
      %run_scoped3A_131 = tpu.sem_alloc : memref<!tpu.dma_semaphore, #tpu.memory_space<semaphore_mem>>
      %dma_start3A_132 = arith.constant 0 : i32
      %dma_start3A_133 = tpu.memref_slice %arg33[%mul3A_4, %dma_start3A_132] : memref<10112x64xf32, #tpu.memory_space<vmem_shared>> -> memref<632x64xf32, #tpu.memory_space<vmem_shared>>
      %dma_start3A_134 = arith.constant 0 : i32
      %dma_start3A_135 = tpu.memref_slice %arg5[%mul3A_2, %dma_start3A_134] : memref<10112x64xf32, #tpu.memory_space<hbm>> -> memref<632x64xf32, #tpu.memory_space<hbm>>
      tpu.enqueue_dma source(%dma_start3A_135 : memref<632x64xf32, #tpu.memory_space<hbm>>) target(%dma_start3A_133 : memref<632x64xf32, #tpu.memory_space<vmem_shared>>) target_semaphore(%run_scoped3A_131 : memref<!tpu.dma_semaphore, #tpu.memory_space<semaphore_mem>>)
      %dma_wait3A_136 = arith.constant 0 : i32
      %dma_wait3A_137 = tpu.memref_slice %arg33[%mul3A_4, %dma_wait3A_136] : memref<10112x64xf32, #tpu.memory_space<vmem_shared>> -> memref<632x64xf32, #tpu.memory_space<vmem_shared>>
      %dma_wait3A_138 = arith.constant 0 : i32
      %dma_wait3A_139 = tpu.memref_slice %arg5[%mul3A_2, %dma_wait3A_138] : memref<10112x64xf32, #tpu.memory_space<hbm>> -> memref<632x64xf32, #tpu.memory_space<hbm>>
      tpu.wait_dma2 semaphore(%run_scoped3A_131 : memref<!tpu.dma_semaphore, #tpu.memory_space<semaphore_mem>>) src(%dma_wait3A_139 : memref<632x64xf32, #tpu.memory_space<hbm>>) dst(%dma_wait3A_137 : memref<632x64xf32, #tpu.memory_space<vmem_shared>>)
      tpu.yield
    }) : () -> ()
    "tpu.region"() ({
      %run_scoped3A_131 = tpu.sem_alloc : memref<!tpu.dma_semaphore, #tpu.memory_space<semaphore_mem>>
      %dma_start3A_132 = arith.constant 0 : i32
      %dma_start3A_133 = arith.constant 0 : i32
      %dma_start3A_134 = tpu.memref_slice %arg3[%add3A, %dma_start3A_132, %dma_start3A_133] : memref<32x80x128xi32, #tpu.memory_space<hbm>> -> memref<1x80x128xi32, #tpu.memory_space<hbm>>
      %dma_start3A_135 = tpu.memref_squeeze %dma_start3A_134 : memref<1x80x128xi32, #tpu.memory_space<hbm>> -> memref<80x128xi32, #tpu.memory_space<hbm>>
      %dma_start3A_136 = arith.constant 0 : i32
      %dma_start3A_137 = arith.constant 0 : i32
      %dma_start3A_138 = tpu.memref_slice %arg3[%add3A, %dma_start3A_136, %dma_start3A_137] : memref<32x80x128xi32, #tpu.memory_space<hbm>> -> memref<1x80x128xi32, #tpu.memory_space<hbm>>
      %dma_start3A_139 = tpu.memref_squeeze %dma_start3A_138 : memref<1x80x128xi32, #tpu.memory_space<hbm>> -> memref<80x128xi32, #tpu.memory_space<hbm>>
      tpu.enqueue_dma source(%dma_start3A_139 : memref<80x128xi32, #tpu.memory_space<hbm>>) target(%arg7 : memref<80x128xi32, #tpu.memory_space<vmem>>) target_semaphore(%run_scoped3A_131 : memref<!tpu.dma_semaphore, #tpu.memory_space<semaphore_mem>>)
      %dma_wait3A_140 = arith.constant 0 : i32
      %dma_wait3A_141 = arith.constant 0 : i32
      %dma_wait3A_142 = tpu.memref_slice %arg3[%add3A, %dma_wait3A_140, %dma_wait3A_141] : memref<32x80x128xi32, #tpu.memory_space<hbm>> -> memref<1x80x128xi32, #tpu.memory_space<hbm>>
      %dma_wait3A_143 = tpu.memref_squeeze %dma_wait3A_142 : memref<1x80x128xi32, #tpu.memory_space<hbm>> -> memref<80x128xi32, #tpu.memory_space<hbm>>
      %dma_wait3A_144 = arith.constant 0 : i32
      %dma_wait3A_145 = arith.constant 0 : i32
      %dma_wait3A_146 = tpu.memref_slice %arg3[%add3A, %dma_wait3A_144, %dma_wait3A_145] : memref<32x80x128xi32, #tpu.memory_space<hbm>> -> memref<1x80x128xi32, #tpu.memory_space<hbm>>
      %dma_wait3A_147 = tpu.memref_squeeze %dma_wait3A_146 : memref<1x80x128xi32, #tpu.memory_space<hbm>> -> memref<80x128xi32, #tpu.memory_space<hbm>>
      tpu.wait_dma2 semaphore(%run_scoped3A_131 : memref<!tpu.dma_semaphore, #tpu.memory_space<semaphore_mem>>) src(%dma_wait3A_147 : memref<80x128xi32, #tpu.memory_space<hbm>>) dst(%arg7 : memref<80x128xi32, #tpu.memory_space<vmem>>)
      tpu.yield
    }) : () -> ()
    "tpu.region"() ({
      %run_scoped3A_131 = tpu.sem_alloc : memref<!tpu.dma_semaphore, #tpu.memory_space<semaphore_mem>>
      %dma_start3A_132 = arith.constant 0 : i32
      %dma_start3A_133 = arith.constant 0 : i32
      %dma_start3A_134 = tpu.memref_slice %arg4[%add3A, %dma_start3A_132, %dma_start3A_133] : memref<32x80x128xi32, #tpu.memory_space<hbm>> -> memref<1x80x128xi32, #tpu.memory_space<hbm>>
      %dma_start3A_135 = tpu.memref_squeeze %dma_start3A_134 : memref<1x80x128xi32, #tpu.memory_space<hbm>> -> memref<80x128xi32, #tpu.memory_space<hbm>>
      %dma_start3A_136 = arith.constant 0 : i32
      %dma_start3A_137 = arith.constant 0 : i32
      %dma_start3A_138 = tpu.memref_slice %arg4[%add3A, %dma_start3A_136, %dma_start3A_137] : memref<32x80x128xi32, #tpu.memory_space<hbm>> -> memref<1x80x128xi32, #tpu.memory_space<hbm>>
      %dma_start3A_139 = tpu.memref_squeeze %dma_start3A_138 : memref<1x80x128xi32, #tpu.memory_space<hbm>> -> memref<80x128xi32, #tpu.memory_space<hbm>>
      tpu.enqueue_dma source(%dma_start3A_139 : memref<80x128xi32, #tpu.memory_space<hbm>>) target(%arg8 : memref<80x128xi32, #tpu.memory_space<vmem>>) target_semaphore(%run_scoped3A_131 : memref<!tpu.dma_semaphore, #tpu.memory_space<semaphore_mem>>)
      %dma_wait3A_140 = arith.constant 0 : i32
      %dma_wait3A_141 = arith.constant 0 : i32
      %dma_wait3A_142 = tpu.memref_slice %arg4[%add3A, %dma_wait3A_140, %dma_wait3A_141] : memref<32x80x128xi32, #tpu.memory_space<hbm>> -> memref<1x80x128xi32, #tpu.memory_space<hbm>>
      %dma_wait3A_143 = tpu.memref_squeeze %dma_wait3A_142 : memref<1x80x128xi32, #tpu.memory_space<hbm>> -> memref<80x128xi32, #tpu.memory_space<hbm>>
      %dma_wait3A_144 = arith.constant 0 : i32
      %dma_wait3A_145 = arith.constant 0 : i32
      %dma_wait3A_146 = tpu.memref_slice %arg4[%add3A, %dma_wait3A_144, %dma_wait3A_145] : memref<32x80x128xi32, #tpu.memory_space<hbm>> -> memref<1x80x128xi32, #tpu.memory_space<hbm>>
      %dma_wait3A_147 = tpu.memref_squeeze %dma_wait3A_146 : memref<1x80x128xi32, #tpu.memory_space<hbm>> -> memref<80x128xi32, #tpu.memory_space<hbm>>
      tpu.wait_dma2 semaphore(%run_scoped3A_131 : memref<!tpu.dma_semaphore, #tpu.memory_space<semaphore_mem>>) src(%dma_wait3A_147 : memref<80x128xi32, #tpu.memory_space<hbm>>) dst(%arg8 : memref<80x128xi32, #tpu.memory_space<vmem>>)
      tpu.yield
    }) : () -> ()
    %barrier3A = arith.constant 0 : index
    tpu.barrier barrier_id(%barrier3A)
    %dma_start3A = arith.constant 0 : i32
    %dma_start3A_5 = arith.constant 0 : i32
    %dma_start3A_6 = tpu.memref_slice %arg7[%dma_start3A, %dma_start3A_5] : memref<80x128xi32, #tpu.memory_space<vmem>> -> memref<1x128xi32, #tpu.memory_space<vmem>>
    %dma_start3A_7 = tpu.memref_squeeze %dma_start3A_6 : memref<1x128xi32, #tpu.memory_space<vmem>> -> memref<128xi32, #tpu.memory_space<vmem>>
    %dma_start3A_8 = arith.constant 0 : i32
    %dma_start3A_9 = arith.constant 0 : i32
    %dma_start3A_10 = tpu.memref_slice %arg2[%dma_start3A_8, %dma_start3A_9] : memref<10112x64xf32, #tpu.memory_space<hbm>> -> memref<10112x64xf32, #tpu.memory_space<hbm>>
    tpu.enqueue_indirect_dma source(%dma_start3A_10 : memref<10112x64xf32, #tpu.memory_space<hbm>>) target(%arg9 : memref<128x64xf32, #tpu.memory_space<vmem>>) offsets(%dma_start3A_7 : memref<128xi32, #tpu.memory_space<vmem>>) semaphore(%arg17 : memref<!tpu.dma_semaphore, #tpu.memory_space<semaphore_mem>>)
    %dma_start3A_11 = arith.constant 1 : i32
    %dma_start3A_12 = arith.constant 0 : i32
    %dma_start3A_13 = tpu.memref_slice %arg7[%dma_start3A_11, %dma_start3A_12] : memref<80x128xi32, #tpu.memory_space<vmem>> -> memref<1x128xi32, #tpu.memory_space<vmem>>
    %dma_start3A_14 = tpu.memref_squeeze %dma_start3A_13 : memref<1x128xi32, #tpu.memory_space<vmem>> -> memref<128xi32, #tpu.memory_space<vmem>>
    %dma_start3A_15 = arith.constant 0 : i32
    %dma_start3A_16 = arith.constant 0 : i32
    %dma_start3A_17 = tpu.memref_slice %arg2[%dma_start3A_15, %dma_start3A_16] : memref<10112x64xf32, #tpu.memory_space<hbm>> -> memref<10112x64xf32, #tpu.memory_space<hbm>>
    tpu.enqueue_indirect_dma source(%dma_start3A_17 : memref<10112x64xf32, #tpu.memory_space<hbm>>) target(%arg10 : memref<128x64xf32, #tpu.memory_space<vmem>>) offsets(%dma_start3A_14 : memref<128xi32, #tpu.memory_space<vmem>>) semaphore(%arg18 : memref<!tpu.dma_semaphore, #tpu.memory_space<semaphore_mem>>)
    %dma_start3A_18 = arith.constant 2 : i32
    %dma_start3A_19 = arith.constant 0 : i32
    %dma_start3A_20 = tpu.memref_slice %arg7[%dma_start3A_18, %dma_start3A_19] : memref<80x128xi32, #tpu.memory_space<vmem>> -> memref<1x128xi32, #tpu.memory_space<vmem>>
    %dma_start3A_21 = tpu.memref_squeeze %dma_start3A_20 : memref<1x128xi32, #tpu.memory_space<vmem>> -> memref<128xi32, #tpu.memory_space<vmem>>
    %dma_start3A_22 = arith.constant 0 : i32
    %dma_start3A_23 = arith.constant 0 : i32
    %dma_start3A_24 = tpu.memref_slice %arg2[%dma_start3A_22, %dma_start3A_23] : memref<10112x64xf32, #tpu.memory_space<hbm>> -> memref<10112x64xf32, #tpu.memory_space<hbm>>
    tpu.enqueue_indirect_dma source(%dma_start3A_24 : memref<10112x64xf32, #tpu.memory_space<hbm>>) target(%arg11 : memref<128x64xf32, #tpu.memory_space<vmem>>) offsets(%dma_start3A_21 : memref<128xi32, #tpu.memory_space<vmem>>) semaphore(%arg19 : memref<!tpu.dma_semaphore, #tpu.memory_space<semaphore_mem>>)
    %dma_start3A_25 = arith.constant 3 : i32
    %dma_start3A_26 = arith.constant 0 : i32
    %dma_start3A_27 = tpu.memref_slice %arg7[%dma_start3A_25, %dma_start3A_26] : memref<80x128xi32, #tpu.memory_space<vmem>> -> memref<1x128xi32, #tpu.memory_space<vmem>>
    %dma_start3A_28 = tpu.memref_squeeze %dma_start3A_27 : memref<1x128xi32, #tpu.memory_space<vmem>> -> memref<128xi32, #tpu.memory_space<vmem>>
    %dma_start3A_29 = arith.constant 0 : i32
    %dma_start3A_30 = arith.constant 0 : i32
    %dma_start3A_31 = tpu.memref_slice %arg2[%dma_start3A_29, %dma_start3A_30] : memref<10112x64xf32, #tpu.memory_space<hbm>> -> memref<10112x64xf32, #tpu.memory_space<hbm>>
    tpu.enqueue_indirect_dma source(%dma_start3A_31 : memref<10112x64xf32, #tpu.memory_space<hbm>>) target(%arg12 : memref<128x64xf32, #tpu.memory_space<vmem>>) offsets(%dma_start3A_28 : memref<128xi32, #tpu.memory_space<vmem>>) semaphore(%arg20 : memref<!tpu.dma_semaphore, #tpu.memory_space<semaphore_mem>>)
    %dma_start3A_32 = arith.constant 4 : i32
    %dma_start3A_33 = arith.constant 0 : i32
    %dma_start3A_34 = tpu.memref_slice %arg7[%dma_start3A_32, %dma_start3A_33] : memref<80x128xi32, #tpu.memory_space<vmem>> -> memref<1x128xi32, #tpu.memory_space<vmem>>
    %dma_start3A_35 = tpu.memref_squeeze %dma_start3A_34 : memref<1x128xi32, #tpu.memory_space<vmem>> -> memref<128xi32, #tpu.memory_space<vmem>>
    %dma_start3A_36 = arith.constant 0 : i32
    %dma_start3A_37 = arith.constant 0 : i32
    %dma_start3A_38 = tpu.memref_slice %arg2[%dma_start3A_36, %dma_start3A_37] : memref<10112x64xf32, #tpu.memory_space<hbm>> -> memref<10112x64xf32, #tpu.memory_space<hbm>>
    tpu.enqueue_indirect_dma source(%dma_start3A_38 : memref<10112x64xf32, #tpu.memory_space<hbm>>) target(%arg13 : memref<128x64xf32, #tpu.memory_space<vmem>>) offsets(%dma_start3A_35 : memref<128xi32, #tpu.memory_space<vmem>>) semaphore(%arg21 : memref<!tpu.dma_semaphore, #tpu.memory_space<semaphore_mem>>)
    %dma_start3A_39 = arith.constant 5 : i32
    %dma_start3A_40 = arith.constant 0 : i32
    %dma_start3A_41 = tpu.memref_slice %arg7[%dma_start3A_39, %dma_start3A_40] : memref<80x128xi32, #tpu.memory_space<vmem>> -> memref<1x128xi32, #tpu.memory_space<vmem>>
    %dma_start3A_42 = tpu.memref_squeeze %dma_start3A_41 : memref<1x128xi32, #tpu.memory_space<vmem>> -> memref<128xi32, #tpu.memory_space<vmem>>
    %dma_start3A_43 = arith.constant 0 : i32
    %dma_start3A_44 = arith.constant 0 : i32
    %dma_start3A_45 = tpu.memref_slice %arg2[%dma_start3A_43, %dma_start3A_44] : memref<10112x64xf32, #tpu.memory_space<hbm>> -> memref<10112x64xf32, #tpu.memory_space<hbm>>
    tpu.enqueue_indirect_dma source(%dma_start3A_45 : memref<10112x64xf32, #tpu.memory_space<hbm>>) target(%arg14 : memref<128x64xf32, #tpu.memory_space<vmem>>) offsets(%dma_start3A_42 : memref<128xi32, #tpu.memory_space<vmem>>) semaphore(%arg22 : memref<!tpu.dma_semaphore, #tpu.memory_space<semaphore_mem>>)
    %dma_start3A_46 = arith.constant 6 : i32
    %dma_start3A_47 = arith.constant 0 : i32
    %dma_start3A_48 = tpu.memref_slice %arg7[%dma_start3A_46, %dma_start3A_47] : memref<80x128xi32, #tpu.memory_space<vmem>> -> memref<1x128xi32, #tpu.memory_space<vmem>>
    %dma_start3A_49 = tpu.memref_squeeze %dma_start3A_48 : memref<1x128xi32, #tpu.memory_space<vmem>> -> memref<128xi32, #tpu.memory_space<vmem>>
    %dma_start3A_50 = arith.constant 0 : i32
    %dma_start3A_51 = arith.constant 0 : i32
    %dma_start3A_52 = tpu.memref_slice %arg2[%dma_start3A_50, %dma_start3A_51] : memref<10112x64xf32, #tpu.memory_space<hbm>> -> memref<10112x64xf32, #tpu.memory_space<hbm>>
    tpu.enqueue_indirect_dma source(%dma_start3A_52 : memref<10112x64xf32, #tpu.memory_space<hbm>>) target(%arg15 : memref<128x64xf32, #tpu.memory_space<vmem>>) offsets(%dma_start3A_49 : memref<128xi32, #tpu.memory_space<vmem>>) semaphore(%arg23 : memref<!tpu.dma_semaphore, #tpu.memory_space<semaphore_mem>>)
    %dma_start3A_53 = arith.constant 7 : i32
    %dma_start3A_54 = arith.constant 0 : i32
    %dma_start3A_55 = tpu.memref_slice %arg7[%dma_start3A_53, %dma_start3A_54] : memref<80x128xi32, #tpu.memory_space<vmem>> -> memref<1x128xi32, #tpu.memory_space<vmem>>
    %dma_start3A_56 = tpu.memref_squeeze %dma_start3A_55 : memref<1x128xi32, #tpu.memory_space<vmem>> -> memref<128xi32, #tpu.memory_space<vmem>>
    %dma_start3A_57 = arith.constant 0 : i32
    %dma_start3A_58 = arith.constant 0 : i32
    %dma_start3A_59 = tpu.memref_slice %arg2[%dma_start3A_57, %dma_start3A_58] : memref<10112x64xf32, #tpu.memory_space<hbm>> -> memref<10112x64xf32, #tpu.memory_space<hbm>>
    tpu.enqueue_indirect_dma source(%dma_start3A_59 : memref<10112x64xf32, #tpu.memory_space<hbm>>) target(%arg16 : memref<128x64xf32, #tpu.memory_space<vmem>>) offsets(%dma_start3A_56 : memref<128xi32, #tpu.memory_space<vmem>>) semaphore(%arg24 : memref<!tpu.dma_semaphore, #tpu.memory_space<semaphore_mem>>)
    %scan3A = arith.constant 0 : i32
    %scan3A_60 = arith.constant 9 : i32
    %scan3A_61 = arith.addi %scan3A, %scan3A_60 : i32
    %scan3A_62 = arith.constant 1 : i32
    scf.for %scan3A_131 = %scan3A to %scan3A_61 step %scan3A_62  : i32 {
      %mul3A_132 = arith.constant 8 : i32
      %mul3A_133 = arith.muli %scan3A_131, %mul3A_132 : i32
      %add3A_134 = arith.constant 0 : i32
      %add3A_135 = arith.addi %add3A_134, %mul3A_133 : i32
      %add3A_136 = arith.constant 0 : i32
      %add3A_137 = arith.addi %add3A_135, %add3A_136 : i32
      %dma_wait3A_138 = arith.constant 0 : i32
      %dma_wait3A_139 = tpu.memref_slice %arg7[%add3A_137, %dma_wait3A_138] : memref<80x128xi32, #tpu.memory_space<vmem>> -> memref<1x128xi32, #tpu.memory_space<vmem>>
      %dma_wait3A_140 = tpu.memref_squeeze %dma_wait3A_139 : memref<1x128xi32, #tpu.memory_space<vmem>> -> memref<128xi32, #tpu.memory_space<vmem>>
      %dma_wait3A_141 = arith.constant 0 : i32
      %dma_wait3A_142 = arith.constant 0 : i32
      %dma_wait3A_143 = tpu.memref_slice %arg2[%dma_wait3A_141, %dma_wait3A_142] : memref<10112x64xf32, #tpu.memory_space<hbm>> -> memref<10112x64xf32, #tpu.memory_space<hbm>>
      tpu.wait_indirect_dma semaphore(%arg17 : memref<!tpu.dma_semaphore, #tpu.memory_space<semaphore_mem>>) src(%dma_wait3A_143 : memref<10112x64xf32, #tpu.memory_space<hbm>>) dst(%arg9 : memref<128x64xf32, #tpu.memory_space<vmem>>)
      %dma_start3A_144 = arith.constant 0 : i32
      %dma_start3A_145 = tpu.memref_slice %arg8[%add3A_137, %dma_start3A_144] : memref<80x128xi32, #tpu.memory_space<vmem>> -> memref<1x128xi32, #tpu.memory_space<vmem>>
      %dma_start3A_146 = tpu.memref_squeeze %dma_start3A_145 : memref<1x128xi32, #tpu.memory_space<vmem>> -> memref<128xi32, #tpu.memory_space<vmem>>
      %dma_start3A_147 = arith.constant 0 : i32
      %dma_start3A_148 = arith.constant 0 : i32
      %dma_start3A_149 = tpu.memref_slice %arg33[%dma_start3A_147, %dma_start3A_148] : memref<10112x64xf32, #tpu.memory_space<vmem_shared>> -> memref<10112x64xf32, #tpu.memory_space<vmem_shared>>
      tpu.enqueue_indirect_dma source(%arg9 : memref<128x64xf32, #tpu.memory_space<vmem>>) target(%dma_start3A_149 : memref<10112x64xf32, #tpu.memory_space<vmem_shared>>) offsets(%dma_start3A_146 : memref<128xi32, #tpu.memory_space<vmem>>) semaphore(%arg25 : memref<!tpu.dma_semaphore, #tpu.memory_space<semaphore_mem>>) {add = true}
      %add3A_150 = arith.constant 1 : i32
      %add3A_151 = arith.addi %add3A_135, %add3A_150 : i32
      %dma_wait3A_152 = arith.constant 0 : i32
      %dma_wait3A_153 = tpu.memref_slice %arg7[%add3A_151, %dma_wait3A_152] : memref<80x128xi32, #tpu.memory_space<vmem>> -> memref<1x128xi32, #tpu.memory_space<vmem>>
      %dma_wait3A_154 = tpu.memref_squeeze %dma_wait3A_153 : memref<1x128xi32, #tpu.memory_space<vmem>> -> memref<128xi32, #tpu.memory_space<vmem>>
      %dma_wait3A_155 = arith.constant 0 : i32
      %dma_wait3A_156 = arith.constant 0 : i32
      %dma_wait3A_157 = tpu.memref_slice %arg2[%dma_wait3A_155, %dma_wait3A_156] : memref<10112x64xf32, #tpu.memory_space<hbm>> -> memref<10112x64xf32, #tpu.memory_space<hbm>>
      tpu.wait_indirect_dma semaphore(%arg18 : memref<!tpu.dma_semaphore, #tpu.memory_space<semaphore_mem>>) src(%dma_wait3A_157 : memref<10112x64xf32, #tpu.memory_space<hbm>>) dst(%arg10 : memref<128x64xf32, #tpu.memory_space<vmem>>)
      %dma_start3A_158 = arith.constant 0 : i32
      %dma_start3A_159 = tpu.memref_slice %arg8[%add3A_151, %dma_start3A_158] : memref<80x128xi32, #tpu.memory_space<vmem>> -> memref<1x128xi32, #tpu.memory_space<vmem>>
      %dma_start3A_160 = tpu.memref_squeeze %dma_start3A_159 : memref<1x128xi32, #tpu.memory_space<vmem>> -> memref<128xi32, #tpu.memory_space<vmem>>
      %dma_start3A_161 = arith.constant 0 : i32
      %dma_start3A_162 = arith.constant 0 : i32
      %dma_start3A_163 = tpu.memref_slice %arg33[%dma_start3A_161, %dma_start3A_162] : memref<10112x64xf32, #tpu.memory_space<vmem_shared>> -> memref<10112x64xf32, #tpu.memory_space<vmem_shared>>
      tpu.enqueue_indirect_dma source(%arg10 : memref<128x64xf32, #tpu.memory_space<vmem>>) target(%dma_start3A_163 : memref<10112x64xf32, #tpu.memory_space<vmem_shared>>) offsets(%dma_start3A_160 : memref<128xi32, #tpu.memory_space<vmem>>) semaphore(%arg26 : memref<!tpu.dma_semaphore, #tpu.memory_space<semaphore_mem>>) {add = true}
      %add3A_164 = arith.constant 2 : i32
      %add3A_165 = arith.addi %add3A_135, %add3A_164 : i32
      %dma_wait3A_166 = arith.constant 0 : i32
      %dma_wait3A_167 = tpu.memref_slice %arg7[%add3A_165, %dma_wait3A_166] : memref<80x128xi32, #tpu.memory_space<vmem>> -> memref<1x128xi32, #tpu.memory_space<vmem>>
      %dma_wait3A_168 = tpu.memref_squeeze %dma_wait3A_167 : memref<1x128xi32, #tpu.memory_space<vmem>> -> memref<128xi32, #tpu.memory_space<vmem>>
      %dma_wait3A_169 = arith.constant 0 : i32
      %dma_wait3A_170 = arith.constant 0 : i32
      %dma_wait3A_171 = tpu.memref_slice %arg2[%dma_wait3A_169, %dma_wait3A_170] : memref<10112x64xf32, #tpu.memory_space<hbm>> -> memref<10112x64xf32, #tpu.memory_space<hbm>>
      tpu.wait_indirect_dma semaphore(%arg19 : memref<!tpu.dma_semaphore, #tpu.memory_space<semaphore_mem>>) src(%dma_wait3A_171 : memref<10112x64xf32, #tpu.memory_space<hbm>>) dst(%arg11 : memref<128x64xf32, #tpu.memory_space<vmem>>)
      %dma_start3A_172 = arith.constant 0 : i32
      %dma_start3A_173 = tpu.memref_slice %arg8[%add3A_165, %dma_start3A_172] : memref<80x128xi32, #tpu.memory_space<vmem>> -> memref<1x128xi32, #tpu.memory_space<vmem>>
      %dma_start3A_174 = tpu.memref_squeeze %dma_start3A_173 : memref<1x128xi32, #tpu.memory_space<vmem>> -> memref<128xi32, #tpu.memory_space<vmem>>
      %dma_start3A_175 = arith.constant 0 : i32
      %dma_start3A_176 = arith.constant 0 : i32
      %dma_start3A_177 = tpu.memref_slice %arg33[%dma_start3A_175, %dma_start3A_176] : memref<10112x64xf32, #tpu.memory_space<vmem_shared>> -> memref<10112x64xf32, #tpu.memory_space<vmem_shared>>
      tpu.enqueue_indirect_dma source(%arg11 : memref<128x64xf32, #tpu.memory_space<vmem>>) target(%dma_start3A_177 : memref<10112x64xf32, #tpu.memory_space<vmem_shared>>) offsets(%dma_start3A_174 : memref<128xi32, #tpu.memory_space<vmem>>) semaphore(%arg27 : memref<!tpu.dma_semaphore, #tpu.memory_space<semaphore_mem>>) {add = true}
      %add3A_178 = arith.constant 3 : i32
      %add3A_179 = arith.addi %add3A_135, %add3A_178 : i32
      %dma_wait3A_180 = arith.constant 0 : i32
      %dma_wait3A_181 = tpu.memref_slice %arg7[%add3A_179, %dma_wait3A_180] : memref<80x128xi32, #tpu.memory_space<vmem>> -> memref<1x128xi32, #tpu.memory_space<vmem>>
      %dma_wait3A_182 = tpu.memref_squeeze %dma_wait3A_181 : memref<1x128xi32, #tpu.memory_space<vmem>> -> memref<128xi32, #tpu.memory_space<vmem>>
      %dma_wait3A_183 = arith.constant 0 : i32
      %dma_wait3A_184 = arith.constant 0 : i32
      %dma_wait3A_185 = tpu.memref_slice %arg2[%dma_wait3A_183, %dma_wait3A_184] : memref<10112x64xf32, #tpu.memory_space<hbm>> -> memref<10112x64xf32, #tpu.memory_space<hbm>>
      tpu.wait_indirect_dma semaphore(%arg20 : memref<!tpu.dma_semaphore, #tpu.memory_space<semaphore_mem>>) src(%dma_wait3A_185 : memref<10112x64xf32, #tpu.memory_space<hbm>>) dst(%arg12 : memref<128x64xf32, #tpu.memory_space<vmem>>)
      %dma_start3A_186 = arith.constant 0 : i32
      %dma_start3A_187 = tpu.memref_slice %arg8[%add3A_179, %dma_start3A_186] : memref<80x128xi32, #tpu.memory_space<vmem>> -> memref<1x128xi32, #tpu.memory_space<vmem>>
      %dma_start3A_188 = tpu.memref_squeeze %dma_start3A_187 : memref<1x128xi32, #tpu.memory_space<vmem>> -> memref<128xi32, #tpu.memory_space<vmem>>
      %dma_start3A_189 = arith.constant 0 : i32
      %dma_start3A_190 = arith.constant 0 : i32
      %dma_start3A_191 = tpu.memref_slice %arg33[%dma_start3A_189, %dma_start3A_190] : memref<10112x64xf32, #tpu.memory_space<vmem_shared>> -> memref<10112x64xf32, #tpu.memory_space<vmem_shared>>
      tpu.enqueue_indirect_dma source(%arg12 : memref<128x64xf32, #tpu.memory_space<vmem>>) target(%dma_start3A_191 : memref<10112x64xf32, #tpu.memory_space<vmem_shared>>) offsets(%dma_start3A_188 : memref<128xi32, #tpu.memory_space<vmem>>) semaphore(%arg28 : memref<!tpu.dma_semaphore, #tpu.memory_space<semaphore_mem>>) {add = true}
      %add3A_192 = arith.constant 4 : i32
      %add3A_193 = arith.addi %add3A_135, %add3A_192 : i32
      %dma_wait3A_194 = arith.constant 0 : i32
      %dma_wait3A_195 = tpu.memref_slice %arg7[%add3A_193, %dma_wait3A_194] : memref<80x128xi32, #tpu.memory_space<vmem>> -> memref<1x128xi32, #tpu.memory_space<vmem>>
      %dma_wait3A_196 = tpu.memref_squeeze %dma_wait3A_195 : memref<1x128xi32, #tpu.memory_space<vmem>> -> memref<128xi32, #tpu.memory_space<vmem>>
      %dma_wait3A_197 = arith.constant 0 : i32
      %dma_wait3A_198 = arith.constant 0 : i32
      %dma_wait3A_199 = tpu.memref_slice %arg2[%dma_wait3A_197, %dma_wait3A_198] : memref<10112x64xf32, #tpu.memory_space<hbm>> -> memref<10112x64xf32, #tpu.memory_space<hbm>>
      tpu.wait_indirect_dma semaphore(%arg21 : memref<!tpu.dma_semaphore, #tpu.memory_space<semaphore_mem>>) src(%dma_wait3A_199 : memref<10112x64xf32, #tpu.memory_space<hbm>>) dst(%arg13 : memref<128x64xf32, #tpu.memory_space<vmem>>)
      %dma_start3A_200 = arith.constant 0 : i32
      %dma_start3A_201 = tpu.memref_slice %arg8[%add3A_193, %dma_start3A_200] : memref<80x128xi32, #tpu.memory_space<vmem>> -> memref<1x128xi32, #tpu.memory_space<vmem>>
      %dma_start3A_202 = tpu.memref_squeeze %dma_start3A_201 : memref<1x128xi32, #tpu.memory_space<vmem>> -> memref<128xi32, #tpu.memory_space<vmem>>
      %dma_start3A_203 = arith.constant 0 : i32
      %dma_start3A_204 = arith.constant 0 : i32
      %dma_start3A_205 = tpu.memref_slice %arg33[%dma_start3A_203, %dma_start3A_204] : memref<10112x64xf32, #tpu.memory_space<vmem_shared>> -> memref<10112x64xf32, #tpu.memory_space<vmem_shared>>
      tpu.enqueue_indirect_dma source(%arg13 : memref<128x64xf32, #tpu.memory_space<vmem>>) target(%dma_start3A_205 : memref<10112x64xf32, #tpu.memory_space<vmem_shared>>) offsets(%dma_start3A_202 : memref<128xi32, #tpu.memory_space<vmem>>) semaphore(%arg29 : memref<!tpu.dma_semaphore, #tpu.memory_space<semaphore_mem>>) {add = true}
      %add3A_206 = arith.constant 5 : i32
      %add3A_207 = arith.addi %add3A_135, %add3A_206 : i32
      %dma_wait3A_208 = arith.constant 0 : i32
      %dma_wait3A_209 = tpu.memref_slice %arg7[%add3A_207, %dma_wait3A_208] : memref<80x128xi32, #tpu.memory_space<vmem>> -> memref<1x128xi32, #tpu.memory_space<vmem>>
      %dma_wait3A_210 = tpu.memref_squeeze %dma_wait3A_209 : memref<1x128xi32, #tpu.memory_space<vmem>> -> memref<128xi32, #tpu.memory_space<vmem>>
      %dma_wait3A_211 = arith.constant 0 : i32
      %dma_wait3A_212 = arith.constant 0 : i32
      %dma_wait3A_213 = tpu.memref_slice %arg2[%dma_wait3A_211, %dma_wait3A_212] : memref<10112x64xf32, #tpu.memory_space<hbm>> -> memref<10112x64xf32, #tpu.memory_space<hbm>>
      tpu.wait_indirect_dma semaphore(%arg22 : memref<!tpu.dma_semaphore, #tpu.memory_space<semaphore_mem>>) src(%dma_wait3A_213 : memref<10112x64xf32, #tpu.memory_space<hbm>>) dst(%arg14 : memref<128x64xf32, #tpu.memory_space<vmem>>)
      %dma_start3A_214 = arith.constant 0 : i32
      %dma_start3A_215 = tpu.memref_slice %arg8[%add3A_207, %dma_start3A_214] : memref<80x128xi32, #tpu.memory_space<vmem>> -> memref<1x128xi32, #tpu.memory_space<vmem>>
      %dma_start3A_216 = tpu.memref_squeeze %dma_start3A_215 : memref<1x128xi32, #tpu.memory_space<vmem>> -> memref<128xi32, #tpu.memory_space<vmem>>
      %dma_start3A_217 = arith.constant 0 : i32
      %dma_start3A_218 = arith.constant 0 : i32
      %dma_start3A_219 = tpu.memref_slice %arg33[%dma_start3A_217, %dma_start3A_218] : memref<10112x64xf32, #tpu.memory_space<vmem_shared>> -> memref<10112x64xf32, #tpu.memory_space<vmem_shared>>
      tpu.enqueue_indirect_dma source(%arg14 : memref<128x64xf32, #tpu.memory_space<vmem>>) target(%dma_start3A_219 : memref<10112x64xf32, #tpu.memory_space<vmem_shared>>) offsets(%dma_start3A_216 : memref<128xi32, #tpu.memory_space<vmem>>) semaphore(%arg30 : memref<!tpu.dma_semaphore, #tpu.memory_space<semaphore_mem>>) {add = true}
      %add3A_220 = arith.constant 6 : i32
      %add3A_221 = arith.addi %add3A_135, %add3A_220 : i32
      %dma_wait3A_222 = arith.constant 0 : i32
      %dma_wait3A_223 = tpu.memref_slice %arg7[%add3A_221, %dma_wait3A_222] : memref<80x128xi32, #tpu.memory_space<vmem>> -> memref<1x128xi32, #tpu.memory_space<vmem>>
      %dma_wait3A_224 = tpu.memref_squeeze %dma_wait3A_223 : memref<1x128xi32, #tpu.memory_space<vmem>> -> memref<128xi32, #tpu.memory_space<vmem>>
      %dma_wait3A_225 = arith.constant 0 : i32
      %dma_wait3A_226 = arith.constant 0 : i32
      %dma_wait3A_227 = tpu.memref_slice %arg2[%dma_wait3A_225, %dma_wait3A_226] : memref<10112x64xf32, #tpu.memory_space<hbm>> -> memref<10112x64xf32, #tpu.memory_space<hbm>>
      tpu.wait_indirect_dma semaphore(%arg23 : memref<!tpu.dma_semaphore, #tpu.memory_space<semaphore_mem>>) src(%dma_wait3A_227 : memref<10112x64xf32, #tpu.memory_space<hbm>>) dst(%arg15 : memref<128x64xf32, #tpu.memory_space<vmem>>)
      %dma_start3A_228 = arith.constant 0 : i32
      %dma_start3A_229 = tpu.memref_slice %arg8[%add3A_221, %dma_start3A_228] : memref<80x128xi32, #tpu.memory_space<vmem>> -> memref<1x128xi32, #tpu.memory_space<vmem>>
      %dma_start3A_230 = tpu.memref_squeeze %dma_start3A_229 : memref<1x128xi32, #tpu.memory_space<vmem>> -> memref<128xi32, #tpu.memory_space<vmem>>
      %dma_start3A_231 = arith.constant 0 : i32
      %dma_start3A_232 = arith.constant 0 : i32
      %dma_start3A_233 = tpu.memref_slice %arg33[%dma_start3A_231, %dma_start3A_232] : memref<10112x64xf32, #tpu.memory_space<vmem_shared>> -> memref<10112x64xf32, #tpu.memory_space<vmem_shared>>
      tpu.enqueue_indirect_dma source(%arg15 : memref<128x64xf32, #tpu.memory_space<vmem>>) target(%dma_start3A_233 : memref<10112x64xf32, #tpu.memory_space<vmem_shared>>) offsets(%dma_start3A_230 : memref<128xi32, #tpu.memory_space<vmem>>) semaphore(%arg31 : memref<!tpu.dma_semaphore, #tpu.memory_space<semaphore_mem>>) {add = true}
      %add3A_234 = arith.constant 7 : i32
      %add3A_235 = arith.addi %add3A_135, %add3A_234 : i32
      %dma_wait3A_236 = arith.constant 0 : i32
      %dma_wait3A_237 = tpu.memref_slice %arg7[%add3A_235, %dma_wait3A_236] : memref<80x128xi32, #tpu.memory_space<vmem>> -> memref<1x128xi32, #tpu.memory_space<vmem>>
      %dma_wait3A_238 = tpu.memref_squeeze %dma_wait3A_237 : memref<1x128xi32, #tpu.memory_space<vmem>> -> memref<128xi32, #tpu.memory_space<vmem>>
      %dma_wait3A_239 = arith.constant 0 : i32
      %dma_wait3A_240 = arith.constant 0 : i32
      %dma_wait3A_241 = tpu.memref_slice %arg2[%dma_wait3A_239, %dma_wait3A_240] : memref<10112x64xf32, #tpu.memory_space<hbm>> -> memref<10112x64xf32, #tpu.memory_space<hbm>>
      tpu.wait_indirect_dma semaphore(%arg24 : memref<!tpu.dma_semaphore, #tpu.memory_space<semaphore_mem>>) src(%dma_wait3A_241 : memref<10112x64xf32, #tpu.memory_space<hbm>>) dst(%arg16 : memref<128x64xf32, #tpu.memory_space<vmem>>)
      %dma_start3A_242 = arith.constant 0 : i32
      %dma_start3A_243 = tpu.memref_slice %arg8[%add3A_235, %dma_start3A_242] : memref<80x128xi32, #tpu.memory_space<vmem>> -> memref<1x128xi32, #tpu.memory_space<vmem>>
      %dma_start3A_244 = tpu.memref_squeeze %dma_start3A_243 : memref<1x128xi32, #tpu.memory_space<vmem>> -> memref<128xi32, #tpu.memory_space<vmem>>
      %dma_start3A_245 = arith.constant 0 : i32
      %dma_start3A_246 = arith.constant 0 : i32
      %dma_start3A_247 = tpu.memref_slice %arg33[%dma_start3A_245, %dma_start3A_246] : memref<10112x64xf32, #tpu.memory_space<vmem_shared>> -> memref<10112x64xf32, #tpu.memory_space<vmem_shared>>
      tpu.enqueue_indirect_dma source(%arg16 : memref<128x64xf32, #tpu.memory_space<vmem>>) target(%dma_start3A_247 : memref<10112x64xf32, #tpu.memory_space<vmem_shared>>) offsets(%dma_start3A_244 : memref<128xi32, #tpu.memory_space<vmem>>) semaphore(%arg32 : memref<!tpu.dma_semaphore, #tpu.memory_space<semaphore_mem>>) {add = true}
      %add3A_248 = arith.constant 0 : i32
      %add3A_249 = arith.addi %add3A_135, %add3A_248 : i32
      %dma_wait3A_250 = arith.constant 0 : i32
      %dma_wait3A_251 = tpu.memref_slice %arg8[%add3A_249, %dma_wait3A_250] : memref<80x128xi32, #tpu.memory_space<vmem>> -> memref<1x128xi32, #tpu.memory_space<vmem>>
      %dma_wait3A_252 = tpu.memref_squeeze %dma_wait3A_251 : memref<1x128xi32, #tpu.memory_space<vmem>> -> memref<128xi32, #tpu.memory_space<vmem>>
      %dma_wait3A_253 = arith.constant 0 : i32
      %dma_wait3A_254 = arith.constant 0 : i32
      %dma_wait3A_255 = tpu.memref_slice %arg33[%dma_wait3A_253, %dma_wait3A_254] : memref<10112x64xf32, #tpu.memory_space<vmem_shared>> -> memref<10112x64xf32, #tpu.memory_space<vmem_shared>>
      tpu.wait_indirect_dma semaphore(%arg25 : memref<!tpu.dma_semaphore, #tpu.memory_space<semaphore_mem>>) src(%arg9 : memref<128x64xf32, #tpu.memory_space<vmem>>) dst(%dma_wait3A_255 : memref<10112x64xf32, #tpu.memory_space<vmem_shared>>)
      %add3A_256 = arith.constant 8 : i32
      %add3A_257 = arith.addi %add3A_249, %add3A_256 : i32
      %dma_start3A_258 = arith.constant 0 : i32
      %dma_start3A_259 = tpu.memref_slice %arg7[%add3A_257, %dma_start3A_258] : memref<80x128xi32, #tpu.memory_space<vmem>> -> memref<1x128xi32, #tpu.memory_space<vmem>>
      %dma_start3A_260 = tpu.memref_squeeze %dma_start3A_259 : memref<1x128xi32, #tpu.memory_space<vmem>> -> memref<128xi32, #tpu.memory_space<vmem>>
      %dma_start3A_261 = arith.constant 0 : i32
      %dma_start3A_262 = arith.constant 0 : i32
      %dma_start3A_263 = tpu.memref_slice %arg2[%dma_start3A_261, %dma_start3A_262] : memref<10112x64xf32, #tpu.memory_space<hbm>> -> memref<10112x64xf32, #tpu.memory_space<hbm>>
      tpu.enqueue_indirect_dma source(%dma_start3A_263 : memref<10112x64xf32, #tpu.memory_space<hbm>>) target(%arg9 : memref<128x64xf32, #tpu.memory_space<vmem>>) offsets(%dma_start3A_260 : memref<128xi32, #tpu.memory_space<vmem>>) semaphore(%arg17 : memref<!tpu.dma_semaphore, #tpu.memory_space<semaphore_mem>>)
      %add3A_264 = arith.constant 1 : i32
      %add3A_265 = arith.addi %add3A_135, %add3A_264 : i32
      %dma_wait3A_266 = arith.constant 0 : i32
      %dma_wait3A_267 = tpu.memref_slice %arg8[%add3A_265, %dma_wait3A_266] : memref<80x128xi32, #tpu.memory_space<vmem>> -> memref<1x128xi32, #tpu.memory_space<vmem>>
      %dma_wait3A_268 = tpu.memref_squeeze %dma_wait3A_267 : memref<1x128xi32, #tpu.memory_space<vmem>> -> memref<128xi32, #tpu.memory_space<vmem>>
      %dma_wait3A_269 = arith.constant 0 : i32
      %dma_wait3A_270 = arith.constant 0 : i32
      %dma_wait3A_271 = tpu.memref_slice %arg33[%dma_wait3A_269, %dma_wait3A_270] : memref<10112x64xf32, #tpu.memory_space<vmem_shared>> -> memref<10112x64xf32, #tpu.memory_space<vmem_shared>>
      tpu.wait_indirect_dma semaphore(%arg26 : memref<!tpu.dma_semaphore, #tpu.memory_space<semaphore_mem>>) src(%arg10 : memref<128x64xf32, #tpu.memory_space<vmem>>) dst(%dma_wait3A_271 : memref<10112x64xf32, #tpu.memory_space<vmem_shared>>)
      %add3A_272 = arith.constant 8 : i32
      %add3A_273 = arith.addi %add3A_265, %add3A_272 : i32
      %dma_start3A_274 = arith.constant 0 : i32
      %dma_start3A_275 = tpu.memref_slice %arg7[%add3A_273, %dma_start3A_274] : memref<80x128xi32, #tpu.memory_space<vmem>> -> memref<1x128xi32, #tpu.memory_space<vmem>>
      %dma_start3A_276 = tpu.memref_squeeze %dma_start3A_275 : memref<1x128xi32, #tpu.memory_space<vmem>> -> memref<128xi32, #tpu.memory_space<vmem>>
      %dma_start3A_277 = arith.constant 0 : i32
      %dma_start3A_278 = arith.constant 0 : i32
      %dma_start3A_279 = tpu.memref_slice %arg2[%dma_start3A_277, %dma_start3A_278] : memref<10112x64xf32, #tpu.memory_space<hbm>> -> memref<10112x64xf32, #tpu.memory_space<hbm>>
      tpu.enqueue_indirect_dma source(%dma_start3A_279 : memref<10112x64xf32, #tpu.memory_space<hbm>>) target(%arg10 : memref<128x64xf32, #tpu.memory_space<vmem>>) offsets(%dma_start3A_276 : memref<128xi32, #tpu.memory_space<vmem>>) semaphore(%arg18 : memref<!tpu.dma_semaphore, #tpu.memory_space<semaphore_mem>>)
      %add3A_280 = arith.constant 2 : i32
      %add3A_281 = arith.addi %add3A_135, %add3A_280 : i32
      %dma_wait3A_282 = arith.constant 0 : i32
      %dma_wait3A_283 = tpu.memref_slice %arg8[%add3A_281, %dma_wait3A_282] : memref<80x128xi32, #tpu.memory_space<vmem>> -> memref<1x128xi32, #tpu.memory_space<vmem>>
      %dma_wait3A_284 = tpu.memref_squeeze %dma_wait3A_283 : memref<1x128xi32, #tpu.memory_space<vmem>> -> memref<128xi32, #tpu.memory_space<vmem>>
      %dma_wait3A_285 = arith.constant 0 : i32
      %dma_wait3A_286 = arith.constant 0 : i32
      %dma_wait3A_287 = tpu.memref_slice %arg33[%dma_wait3A_285, %dma_wait3A_286] : memref<10112x64xf32, #tpu.memory_space<vmem_shared>> -> memref<10112x64xf32, #tpu.memory_space<vmem_shared>>
      tpu.wait_indirect_dma semaphore(%arg27 : memref<!tpu.dma_semaphore, #tpu.memory_space<semaphore_mem>>) src(%arg11 : memref<128x64xf32, #tpu.memory_space<vmem>>) dst(%dma_wait3A_287 : memref<10112x64xf32, #tpu.memory_space<vmem_shared>>)
      %add3A_288 = arith.constant 8 : i32
      %add3A_289 = arith.addi %add3A_281, %add3A_288 : i32
      %dma_start3A_290 = arith.constant 0 : i32
      %dma_start3A_291 = tpu.memref_slice %arg7[%add3A_289, %dma_start3A_290] : memref<80x128xi32, #tpu.memory_space<vmem>> -> memref<1x128xi32, #tpu.memory_space<vmem>>
      %dma_start3A_292 = tpu.memref_squeeze %dma_start3A_291 : memref<1x128xi32, #tpu.memory_space<vmem>> -> memref<128xi32, #tpu.memory_space<vmem>>
      %dma_start3A_293 = arith.constant 0 : i32
      %dma_start3A_294 = arith.constant 0 : i32
      %dma_start3A_295 = tpu.memref_slice %arg2[%dma_start3A_293, %dma_start3A_294] : memref<10112x64xf32, #tpu.memory_space<hbm>> -> memref<10112x64xf32, #tpu.memory_space<hbm>>
      tpu.enqueue_indirect_dma source(%dma_start3A_295 : memref<10112x64xf32, #tpu.memory_space<hbm>>) target(%arg11 : memref<128x64xf32, #tpu.memory_space<vmem>>) offsets(%dma_start3A_292 : memref<128xi32, #tpu.memory_space<vmem>>) semaphore(%arg19 : memref<!tpu.dma_semaphore, #tpu.memory_space<semaphore_mem>>)
      %add3A_296 = arith.constant 3 : i32
      %add3A_297 = arith.addi %add3A_135, %add3A_296 : i32
      %dma_wait3A_298 = arith.constant 0 : i32
      %dma_wait3A_299 = tpu.memref_slice %arg8[%add3A_297, %dma_wait3A_298] : memref<80x128xi32, #tpu.memory_space<vmem>> -> memref<1x128xi32, #tpu.memory_space<vmem>>
      %dma_wait3A_300 = tpu.memref_squeeze %dma_wait3A_299 : memref<1x128xi32, #tpu.memory_space<vmem>> -> memref<128xi32, #tpu.memory_space<vmem>>
      %dma_wait3A_301 = arith.constant 0 : i32
      %dma_wait3A_302 = arith.constant 0 : i32
      %dma_wait3A_303 = tpu.memref_slice %arg33[%dma_wait3A_301, %dma_wait3A_302] : memref<10112x64xf32, #tpu.memory_space<vmem_shared>> -> memref<10112x64xf32, #tpu.memory_space<vmem_shared>>
      tpu.wait_indirect_dma semaphore(%arg28 : memref<!tpu.dma_semaphore, #tpu.memory_space<semaphore_mem>>) src(%arg12 : memref<128x64xf32, #tpu.memory_space<vmem>>) dst(%dma_wait3A_303 : memref<10112x64xf32, #tpu.memory_space<vmem_shared>>)
      %add3A_304 = arith.constant 8 : i32
      %add3A_305 = arith.addi %add3A_297, %add3A_304 : i32
      %dma_start3A_306 = arith.constant 0 : i32
      %dma_start3A_307 = tpu.memref_slice %arg7[%add3A_305, %dma_start3A_306] : memref<80x128xi32, #tpu.memory_space<vmem>> -> memref<1x128xi32, #tpu.memory_space<vmem>>
      %dma_start3A_308 = tpu.memref_squeeze %dma_start3A_307 : memref<1x128xi32, #tpu.memory_space<vmem>> -> memref<128xi32, #tpu.memory_space<vmem>>
      %dma_start3A_309 = arith.constant 0 : i32
      %dma_start3A_310 = arith.constant 0 : i32
      %dma_start3A_311 = tpu.memref_slice %arg2[%dma_start3A_309, %dma_start3A_310] : memref<10112x64xf32, #tpu.memory_space<hbm>> -> memref<10112x64xf32, #tpu.memory_space<hbm>>
      tpu.enqueue_indirect_dma source(%dma_start3A_311 : memref<10112x64xf32, #tpu.memory_space<hbm>>) target(%arg12 : memref<128x64xf32, #tpu.memory_space<vmem>>) offsets(%dma_start3A_308 : memref<128xi32, #tpu.memory_space<vmem>>) semaphore(%arg20 : memref<!tpu.dma_semaphore, #tpu.memory_space<semaphore_mem>>)
      %add3A_312 = arith.constant 4 : i32
      %add3A_313 = arith.addi %add3A_135, %add3A_312 : i32
      %dma_wait3A_314 = arith.constant 0 : i32
      %dma_wait3A_315 = tpu.memref_slice %arg8[%add3A_313, %dma_wait3A_314] : memref<80x128xi32, #tpu.memory_space<vmem>> -> memref<1x128xi32, #tpu.memory_space<vmem>>
      %dma_wait3A_316 = tpu.memref_squeeze %dma_wait3A_315 : memref<1x128xi32, #tpu.memory_space<vmem>> -> memref<128xi32, #tpu.memory_space<vmem>>
      %dma_wait3A_317 = arith.constant 0 : i32
      %dma_wait3A_318 = arith.constant 0 : i32
      %dma_wait3A_319 = tpu.memref_slice %arg33[%dma_wait3A_317, %dma_wait3A_318] : memref<10112x64xf32, #tpu.memory_space<vmem_shared>> -> memref<10112x64xf32, #tpu.memory_space<vmem_shared>>
      tpu.wait_indirect_dma semaphore(%arg29 : memref<!tpu.dma_semaphore, #tpu.memory_space<semaphore_mem>>) src(%arg13 : memref<128x64xf32, #tpu.memory_space<vmem>>) dst(%dma_wait3A_319 : memref<10112x64xf32, #tpu.memory_space<vmem_shared>>)
      %add3A_320 = arith.constant 8 : i32
      %add3A_321 = arith.addi %add3A_313, %add3A_320 : i32
      %dma_start3A_322 = arith.constant 0 : i32
      %dma_start3A_323 = tpu.memref_slice %arg7[%add3A_321, %dma_start3A_322] : memref<80x128xi32, #tpu.memory_space<vmem>> -> memref<1x128xi32, #tpu.memory_space<vmem>>
      %dma_start3A_324 = tpu.memref_squeeze %dma_start3A_323 : memref<1x128xi32, #tpu.memory_space<vmem>> -> memref<128xi32, #tpu.memory_space<vmem>>
      %dma_start3A_325 = arith.constant 0 : i32
      %dma_start3A_326 = arith.constant 0 : i32
      %dma_start3A_327 = tpu.memref_slice %arg2[%dma_start3A_325, %dma_start3A_326] : memref<10112x64xf32, #tpu.memory_space<hbm>> -> memref<10112x64xf32, #tpu.memory_space<hbm>>
      tpu.enqueue_indirect_dma source(%dma_start3A_327 : memref<10112x64xf32, #tpu.memory_space<hbm>>) target(%arg13 : memref<128x64xf32, #tpu.memory_space<vmem>>) offsets(%dma_start3A_324 : memref<128xi32, #tpu.memory_space<vmem>>) semaphore(%arg21 : memref<!tpu.dma_semaphore, #tpu.memory_space<semaphore_mem>>)
      %add3A_328 = arith.constant 5 : i32
      %add3A_329 = arith.addi %add3A_135, %add3A_328 : i32
      %dma_wait3A_330 = arith.constant 0 : i32
      %dma_wait3A_331 = tpu.memref_slice %arg8[%add3A_329, %dma_wait3A_330] : memref<80x128xi32, #tpu.memory_space<vmem>> -> memref<1x128xi32, #tpu.memory_space<vmem>>
      %dma_wait3A_332 = tpu.memref_squeeze %dma_wait3A_331 : memref<1x128xi32, #tpu.memory_space<vmem>> -> memref<128xi32, #tpu.memory_space<vmem>>
      %dma_wait3A_333 = arith.constant 0 : i32
      %dma_wait3A_334 = arith.constant 0 : i32
      %dma_wait3A_335 = tpu.memref_slice %arg33[%dma_wait3A_333, %dma_wait3A_334] : memref<10112x64xf32, #tpu.memory_space<vmem_shared>> -> memref<10112x64xf32, #tpu.memory_space<vmem_shared>>
      tpu.wait_indirect_dma semaphore(%arg30 : memref<!tpu.dma_semaphore, #tpu.memory_space<semaphore_mem>>) src(%arg14 : memref<128x64xf32, #tpu.memory_space<vmem>>) dst(%dma_wait3A_335 : memref<10112x64xf32, #tpu.memory_space<vmem_shared>>)
      %add3A_336 = arith.constant 8 : i32
      %add3A_337 = arith.addi %add3A_329, %add3A_336 : i32
      %dma_start3A_338 = arith.constant 0 : i32
      %dma_start3A_339 = tpu.memref_slice %arg7[%add3A_337, %dma_start3A_338] : memref<80x128xi32, #tpu.memory_space<vmem>> -> memref<1x128xi32, #tpu.memory_space<vmem>>
      %dma_start3A_340 = tpu.memref_squeeze %dma_start3A_339 : memref<1x128xi32, #tpu.memory_space<vmem>> -> memref<128xi32, #tpu.memory_space<vmem>>
      %dma_start3A_341 = arith.constant 0 : i32
      %dma_start3A_342 = arith.constant 0 : i32
      %dma_start3A_343 = tpu.memref_slice %arg2[%dma_start3A_341, %dma_start3A_342] : memref<10112x64xf32, #tpu.memory_space<hbm>> -> memref<10112x64xf32, #tpu.memory_space<hbm>>
      tpu.enqueue_indirect_dma source(%dma_start3A_343 : memref<10112x64xf32, #tpu.memory_space<hbm>>) target(%arg14 : memref<128x64xf32, #tpu.memory_space<vmem>>) offsets(%dma_start3A_340 : memref<128xi32, #tpu.memory_space<vmem>>) semaphore(%arg22 : memref<!tpu.dma_semaphore, #tpu.memory_space<semaphore_mem>>)
      %add3A_344 = arith.constant 6 : i32
      %add3A_345 = arith.addi %add3A_135, %add3A_344 : i32
      %dma_wait3A_346 = arith.constant 0 : i32
      %dma_wait3A_347 = tpu.memref_slice %arg8[%add3A_345, %dma_wait3A_346] : memref<80x128xi32, #tpu.memory_space<vmem>> -> memref<1x128xi32, #tpu.memory_space<vmem>>
      %dma_wait3A_348 = tpu.memref_squeeze %dma_wait3A_347 : memref<1x128xi32, #tpu.memory_space<vmem>> -> memref<128xi32, #tpu.memory_space<vmem>>
      %dma_wait3A_349 = arith.constant 0 : i32
      %dma_wait3A_350 = arith.constant 0 : i32
      %dma_wait3A_351 = tpu.memref_slice %arg33[%dma_wait3A_349, %dma_wait3A_350] : memref<10112x64xf32, #tpu.memory_space<vmem_shared>> -> memref<10112x64xf32, #tpu.memory_space<vmem_shared>>
      tpu.wait_indirect_dma semaphore(%arg31 : memref<!tpu.dma_semaphore, #tpu.memory_space<semaphore_mem>>) src(%arg15 : memref<128x64xf32, #tpu.memory_space<vmem>>) dst(%dma_wait3A_351 : memref<10112x64xf32, #tpu.memory_space<vmem_shared>>)
      %add3A_352 = arith.constant 8 : i32
      %add3A_353 = arith.addi %add3A_345, %add3A_352 : i32
      %dma_start3A_354 = arith.constant 0 : i32
      %dma_start3A_355 = tpu.memref_slice %arg7[%add3A_353, %dma_start3A_354] : memref<80x128xi32, #tpu.memory_space<vmem>> -> memref<1x128xi32, #tpu.memory_space<vmem>>
      %dma_start3A_356 = tpu.memref_squeeze %dma_start3A_355 : memref<1x128xi32, #tpu.memory_space<vmem>> -> memref<128xi32, #tpu.memory_space<vmem>>
      %dma_start3A_357 = arith.constant 0 : i32
      %dma_start3A_358 = arith.constant 0 : i32
      %dma_start3A_359 = tpu.memref_slice %arg2[%dma_start3A_357, %dma_start3A_358] : memref<10112x64xf32, #tpu.memory_space<hbm>> -> memref<10112x64xf32, #tpu.memory_space<hbm>>
      tpu.enqueue_indirect_dma source(%dma_start3A_359 : memref<10112x64xf32, #tpu.memory_space<hbm>>) target(%arg15 : memref<128x64xf32, #tpu.memory_space<vmem>>) offsets(%dma_start3A_356 : memref<128xi32, #tpu.memory_space<vmem>>) semaphore(%arg23 : memref<!tpu.dma_semaphore, #tpu.memory_space<semaphore_mem>>)
      %add3A_360 = arith.constant 7 : i32
      %add3A_361 = arith.addi %add3A_135, %add3A_360 : i32
      %dma_wait3A_362 = arith.constant 0 : i32
      %dma_wait3A_363 = tpu.memref_slice %arg8[%add3A_361, %dma_wait3A_362] : memref<80x128xi32, #tpu.memory_space<vmem>> -> memref<1x128xi32, #tpu.memory_space<vmem>>
      %dma_wait3A_364 = tpu.memref_squeeze %dma_wait3A_363 : memref<1x128xi32, #tpu.memory_space<vmem>> -> memref<128xi32, #tpu.memory_space<vmem>>
      %dma_wait3A_365 = arith.constant 0 : i32
      %dma_wait3A_366 = arith.constant 0 : i32
      %dma_wait3A_367 = tpu.memref_slice %arg33[%dma_wait3A_365, %dma_wait3A_366] : memref<10112x64xf32, #tpu.memory_space<vmem_shared>> -> memref<10112x64xf32, #tpu.memory_space<vmem_shared>>
      tpu.wait_indirect_dma semaphore(%arg32 : memref<!tpu.dma_semaphore, #tpu.memory_space<semaphore_mem>>) src(%arg16 : memref<128x64xf32, #tpu.memory_space<vmem>>) dst(%dma_wait3A_367 : memref<10112x64xf32, #tpu.memory_space<vmem_shared>>)
      %add3A_368 = arith.constant 8 : i32
      %add3A_369 = arith.addi %add3A_361, %add3A_368 : i32
      %dma_start3A_370 = arith.constant 0 : i32
      %dma_start3A_371 = tpu.memref_slice %arg7[%add3A_369, %dma_start3A_370] : memref<80x128xi32, #tpu.memory_space<vmem>> -> memref<1x128xi32, #tpu.memory_space<vmem>>
      %dma_start3A_372 = tpu.memref_squeeze %dma_start3A_371 : memref<1x128xi32, #tpu.memory_space<vmem>> -> memref<128xi32, #tpu.memory_space<vmem>>
      %dma_start3A_373 = arith.constant 0 : i32
      %dma_start3A_374 = arith.constant 0 : i32
      %dma_start3A_375 = tpu.memref_slice %arg2[%dma_start3A_373, %dma_start3A_374] : memref<10112x64xf32, #tpu.memory_space<hbm>> -> memref<10112x64xf32, #tpu.memory_space<hbm>>
      tpu.enqueue_indirect_dma source(%dma_start3A_375 : memref<10112x64xf32, #tpu.memory_space<hbm>>) target(%arg16 : memref<128x64xf32, #tpu.memory_space<vmem>>) offsets(%dma_start3A_372 : memref<128xi32, #tpu.memory_space<vmem>>) semaphore(%arg24 : memref<!tpu.dma_semaphore, #tpu.memory_space<semaphore_mem>>)
    }
    %scan3A_63 = arith.constant 9 : i32
    %dma_wait3A = arith.constant 72 : i32
    %dma_wait3A_64 = arith.constant 0 : i32
    %dma_wait3A_65 = tpu.memref_slice %arg7[%dma_wait3A, %dma_wait3A_64] : memref<80x128xi32, #tpu.memory_space<vmem>> -> memref<1x128xi32, #tpu.memory_space<vmem>>
    %dma_wait3A_66 = tpu.memref_squeeze %dma_wait3A_65 : memref<1x128xi32, #tpu.memory_space<vmem>> -> memref<128xi32, #tpu.memory_space<vmem>>
    %dma_wait3A_67 = arith.constant 0 : i32
    %dma_wait3A_68 = arith.constant 0 : i32
    %dma_wait3A_69 = tpu.memref_slice %arg2[%dma_wait3A_67, %dma_wait3A_68] : memref<10112x64xf32, #tpu.memory_space<hbm>> -> memref<10112x64xf32, #tpu.memory_space<hbm>>
    tpu.wait_indirect_dma semaphore(%arg17 : memref<!tpu.dma_semaphore, #tpu.memory_space<semaphore_mem>>) src(%dma_wait3A_69 : memref<10112x64xf32, #tpu.memory_space<hbm>>) dst(%arg9 : memref<128x64xf32, #tpu.memory_space<vmem>>)
    %run_scoped3A = arith.constant 72 : i32
    "tpu.region"() ({
      %run_scoped3A_131 = tpu.sem_alloc : memref<!tpu.dma_semaphore, #tpu.memory_space<semaphore_mem>>
      %dma_start3A_132 = arith.constant 0 : i32
      %dma_start3A_133 = tpu.memref_slice %arg8[%run_scoped3A, %dma_start3A_132] : memref<80x128xi32, #tpu.memory_space<vmem>> -> memref<1x128xi32, #tpu.memory_space<vmem>>
      %dma_start3A_134 = tpu.memref_squeeze %dma_start3A_133 : memref<1x128xi32, #tpu.memory_space<vmem>> -> memref<128xi32, #tpu.memory_space<vmem>>
      %dma_start3A_135 = arith.constant 0 : i32
      %dma_start3A_136 = arith.constant 0 : i32
      %dma_start3A_137 = tpu.memref_slice %arg33[%dma_start3A_135, %dma_start3A_136] : memref<10112x64xf32, #tpu.memory_space<vmem_shared>> -> memref<10112x64xf32, #tpu.memory_space<vmem_shared>>
      tpu.enqueue_indirect_dma source(%arg9 : memref<128x64xf32, #tpu.memory_space<vmem>>) target(%dma_start3A_137 : memref<10112x64xf32, #tpu.memory_space<vmem_shared>>) offsets(%dma_start3A_134 : memref<128xi32, #tpu.memory_space<vmem>>) semaphore(%run_scoped3A_131 : memref<!tpu.dma_semaphore, #tpu.memory_space<semaphore_mem>>) {add = true}
      %dma_wait3A_138 = arith.constant 0 : i32
      %dma_wait3A_139 = tpu.memref_slice %arg8[%run_scoped3A, %dma_wait3A_138] : memref<80x128xi32, #tpu.memory_space<vmem>> -> memref<1x128xi32, #tpu.memory_space<vmem>>
      %dma_wait3A_140 = tpu.memref_squeeze %dma_wait3A_139 : memref<1x128xi32, #tpu.memory_space<vmem>> -> memref<128xi32, #tpu.memory_space<vmem>>
      %dma_wait3A_141 = arith.constant 0 : i32
      %dma_wait3A_142 = arith.constant 0 : i32
      %dma_wait3A_143 = tpu.memref_slice %arg33[%dma_wait3A_141, %dma_wait3A_142] : memref<10112x64xf32, #tpu.memory_space<vmem_shared>> -> memref<10112x64xf32, #tpu.memory_space<vmem_shared>>
      tpu.wait_indirect_dma semaphore(%run_scoped3A_131 : memref<!tpu.dma_semaphore, #tpu.memory_space<semaphore_mem>>) src(%arg9 : memref<128x64xf32, #tpu.memory_space<vmem>>) dst(%dma_wait3A_143 : memref<10112x64xf32, #tpu.memory_space<vmem_shared>>)
      tpu.yield
    }) : () -> ()
    %dma_wait3A_70 = arith.constant 73 : i32
    %dma_wait3A_71 = arith.constant 0 : i32
    %dma_wait3A_72 = tpu.memref_slice %arg7[%dma_wait3A_70, %dma_wait3A_71] : memref<80x128xi32, #tpu.memory_space<vmem>> -> memref<1x128xi32, #tpu.memory_space<vmem>>
    %dma_wait3A_73 = tpu.memref_squeeze %dma_wait3A_72 : memref<1x128xi32, #tpu.memory_space<vmem>> -> memref<128xi32, #tpu.memory_space<vmem>>
    %dma_wait3A_74 = arith.constant 0 : i32
    %dma_wait3A_75 = arith.constant 0 : i32
    %dma_wait3A_76 = tpu.memref_slice %arg2[%dma_wait3A_74, %dma_wait3A_75] : memref<10112x64xf32, #tpu.memory_space<hbm>> -> memref<10112x64xf32, #tpu.memory_space<hbm>>
    tpu.wait_indirect_dma semaphore(%arg18 : memref<!tpu.dma_semaphore, #tpu.memory_space<semaphore_mem>>) src(%dma_wait3A_76 : memref<10112x64xf32, #tpu.memory_space<hbm>>) dst(%arg10 : memref<128x64xf32, #tpu.memory_space<vmem>>)
    %run_scoped3A_77 = arith.constant 73 : i32
    "tpu.region"() ({
      %run_scoped3A_131 = tpu.sem_alloc : memref<!tpu.dma_semaphore, #tpu.memory_space<semaphore_mem>>
      %dma_start3A_132 = arith.constant 0 : i32
      %dma_start3A_133 = tpu.memref_slice %arg8[%run_scoped3A_77, %dma_start3A_132] : memref<80x128xi32, #tpu.memory_space<vmem>> -> memref<1x128xi32, #tpu.memory_space<vmem>>
      %dma_start3A_134 = tpu.memref_squeeze %dma_start3A_133 : memref<1x128xi32, #tpu.memory_space<vmem>> -> memref<128xi32, #tpu.memory_space<vmem>>
      %dma_start3A_135 = arith.constant 0 : i32
      %dma_start3A_136 = arith.constant 0 : i32
      %dma_start3A_137 = tpu.memref_slice %arg33[%dma_start3A_135, %dma_start3A_136] : memref<10112x64xf32, #tpu.memory_space<vmem_shared>> -> memref<10112x64xf32, #tpu.memory_space<vmem_shared>>
      tpu.enqueue_indirect_dma source(%arg10 : memref<128x64xf32, #tpu.memory_space<vmem>>) target(%dma_start3A_137 : memref<10112x64xf32, #tpu.memory_space<vmem_shared>>) offsets(%dma_start3A_134 : memref<128xi32, #tpu.memory_space<vmem>>) semaphore(%run_scoped3A_131 : memref<!tpu.dma_semaphore, #tpu.memory_space<semaphore_mem>>) {add = true}
      %dma_wait3A_138 = arith.constant 0 : i32
      %dma_wait3A_139 = tpu.memref_slice %arg8[%run_scoped3A_77, %dma_wait3A_138] : memref<80x128xi32, #tpu.memory_space<vmem>> -> memref<1x128xi32, #tpu.memory_space<vmem>>
      %dma_wait3A_140 = tpu.memref_squeeze %dma_wait3A_139 : memref<1x128xi32, #tpu.memory_space<vmem>> -> memref<128xi32, #tpu.memory_space<vmem>>
      %dma_wait3A_141 = arith.constant 0 : i32
      %dma_wait3A_142 = arith.constant 0 : i32
      %dma_wait3A_143 = tpu.memref_slice %arg33[%dma_wait3A_141, %dma_wait3A_142] : memref<10112x64xf32, #tpu.memory_space<vmem_shared>> -> memref<10112x64xf32, #tpu.memory_space<vmem_shared>>
      tpu.wait_indirect_dma semaphore(%run_scoped3A_131 : memref<!tpu.dma_semaphore, #tpu.memory_space<semaphore_mem>>) src(%arg10 : memref<128x64xf32, #tpu.memory_space<vmem>>) dst(%dma_wait3A_143 : memref<10112x64xf32, #tpu.memory_space<vmem_shared>>)
      tpu.yield
    }) : () -> ()
    %dma_wait3A_78 = arith.constant 74 : i32
    %dma_wait3A_79 = arith.constant 0 : i32
    %dma_wait3A_80 = tpu.memref_slice %arg7[%dma_wait3A_78, %dma_wait3A_79] : memref<80x128xi32, #tpu.memory_space<vmem>> -> memref<1x128xi32, #tpu.memory_space<vmem>>
    %dma_wait3A_81 = tpu.memref_squeeze %dma_wait3A_80 : memref<1x128xi32, #tpu.memory_space<vmem>> -> memref<128xi32, #tpu.memory_space<vmem>>
    %dma_wait3A_82 = arith.constant 0 : i32
    %dma_wait3A_83 = arith.constant 0 : i32
    %dma_wait3A_84 = tpu.memref_slice %arg2[%dma_wait3A_82, %dma_wait3A_83] : memref<10112x64xf32, #tpu.memory_space<hbm>> -> memref<10112x64xf32, #tpu.memory_space<hbm>>
    tpu.wait_indirect_dma semaphore(%arg19 : memref<!tpu.dma_semaphore, #tpu.memory_space<semaphore_mem>>) src(%dma_wait3A_84 : memref<10112x64xf32, #tpu.memory_space<hbm>>) dst(%arg11 : memref<128x64xf32, #tpu.memory_space<vmem>>)
    %run_scoped3A_85 = arith.constant 74 : i32
    "tpu.region"() ({
      %run_scoped3A_131 = tpu.sem_alloc : memref<!tpu.dma_semaphore, #tpu.memory_space<semaphore_mem>>
      %dma_start3A_132 = arith.constant 0 : i32
      %dma_start3A_133 = tpu.memref_slice %arg8[%run_scoped3A_85, %dma_start3A_132] : memref<80x128xi32, #tpu.memory_space<vmem>> -> memref<1x128xi32, #tpu.memory_space<vmem>>
      %dma_start3A_134 = tpu.memref_squeeze %dma_start3A_133 : memref<1x128xi32, #tpu.memory_space<vmem>> -> memref<128xi32, #tpu.memory_space<vmem>>
      %dma_start3A_135 = arith.constant 0 : i32
      %dma_start3A_136 = arith.constant 0 : i32
      %dma_start3A_137 = tpu.memref_slice %arg33[%dma_start3A_135, %dma_start3A_136] : memref<10112x64xf32, #tpu.memory_space<vmem_shared>> -> memref<10112x64xf32, #tpu.memory_space<vmem_shared>>
      tpu.enqueue_indirect_dma source(%arg11 : memref<128x64xf32, #tpu.memory_space<vmem>>) target(%dma_start3A_137 : memref<10112x64xf32, #tpu.memory_space<vmem_shared>>) offsets(%dma_start3A_134 : memref<128xi32, #tpu.memory_space<vmem>>) semaphore(%run_scoped3A_131 : memref<!tpu.dma_semaphore, #tpu.memory_space<semaphore_mem>>) {add = true}
      %dma_wait3A_138 = arith.constant 0 : i32
      %dma_wait3A_139 = tpu.memref_slice %arg8[%run_scoped3A_85, %dma_wait3A_138] : memref<80x128xi32, #tpu.memory_space<vmem>> -> memref<1x128xi32, #tpu.memory_space<vmem>>
      %dma_wait3A_140 = tpu.memref_squeeze %dma_wait3A_139 : memref<1x128xi32, #tpu.memory_space<vmem>> -> memref<128xi32, #tpu.memory_space<vmem>>
      %dma_wait3A_141 = arith.constant 0 : i32
      %dma_wait3A_142 = arith.constant 0 : i32
      %dma_wait3A_143 = tpu.memref_slice %arg33[%dma_wait3A_141, %dma_wait3A_142] : memref<10112x64xf32, #tpu.memory_space<vmem_shared>> -> memref<10112x64xf32, #tpu.memory_space<vmem_shared>>
      tpu.wait_indirect_dma semaphore(%run_scoped3A_131 : memref<!tpu.dma_semaphore, #tpu.memory_space<semaphore_mem>>) src(%arg11 : memref<128x64xf32, #tpu.memory_space<vmem>>) dst(%dma_wait3A_143 : memref<10112x64xf32, #tpu.memory_space<vmem_shared>>)
      tpu.yield
    }) : () -> ()
    %dma_wait3A_86 = arith.constant 75 : i32
    %dma_wait3A_87 = arith.constant 0 : i32
    %dma_wait3A_88 = tpu.memref_slice %arg7[%dma_wait3A_86, %dma_wait3A_87] : memref<80x128xi32, #tpu.memory_space<vmem>> -> memref<1x128xi32, #tpu.memory_space<vmem>>
    %dma_wait3A_89 = tpu.memref_squeeze %dma_wait3A_88 : memref<1x128xi32, #tpu.memory_space<vmem>> -> memref<128xi32, #tpu.memory_space<vmem>>
    %dma_wait3A_90 = arith.constant 0 : i32
    %dma_wait3A_91 = arith.constant 0 : i32
    %dma_wait3A_92 = tpu.memref_slice %arg2[%dma_wait3A_90, %dma_wait3A_91] : memref<10112x64xf32, #tpu.memory_space<hbm>> -> memref<10112x64xf32, #tpu.memory_space<hbm>>
    tpu.wait_indirect_dma semaphore(%arg20 : memref<!tpu.dma_semaphore, #tpu.memory_space<semaphore_mem>>) src(%dma_wait3A_92 : memref<10112x64xf32, #tpu.memory_space<hbm>>) dst(%arg12 : memref<128x64xf32, #tpu.memory_space<vmem>>)
    %run_scoped3A_93 = arith.constant 75 : i32
    "tpu.region"() ({
      %run_scoped3A_131 = tpu.sem_alloc : memref<!tpu.dma_semaphore, #tpu.memory_space<semaphore_mem>>
      %dma_start3A_132 = arith.constant 0 : i32
      %dma_start3A_133 = tpu.memref_slice %arg8[%run_scoped3A_93, %dma_start3A_132] : memref<80x128xi32, #tpu.memory_space<vmem>> -> memref<1x128xi32, #tpu.memory_space<vmem>>
      %dma_start3A_134 = tpu.memref_squeeze %dma_start3A_133 : memref<1x128xi32, #tpu.memory_space<vmem>> -> memref<128xi32, #tpu.memory_space<vmem>>
      %dma_start3A_135 = arith.constant 0 : i32
      %dma_start3A_136 = arith.constant 0 : i32
      %dma_start3A_137 = tpu.memref_slice %arg33[%dma_start3A_135, %dma_start3A_136] : memref<10112x64xf32, #tpu.memory_space<vmem_shared>> -> memref<10112x64xf32, #tpu.memory_space<vmem_shared>>
      tpu.enqueue_indirect_dma source(%arg12 : memref<128x64xf32, #tpu.memory_space<vmem>>) target(%dma_start3A_137 : memref<10112x64xf32, #tpu.memory_space<vmem_shared>>) offsets(%dma_start3A_134 : memref<128xi32, #tpu.memory_space<vmem>>) semaphore(%run_scoped3A_131 : memref<!tpu.dma_semaphore, #tpu.memory_space<semaphore_mem>>) {add = true}
      %dma_wait3A_138 = arith.constant 0 : i32
      %dma_wait3A_139 = tpu.memref_slice %arg8[%run_scoped3A_93, %dma_wait3A_138] : memref<80x128xi32, #tpu.memory_space<vmem>> -> memref<1x128xi32, #tpu.memory_space<vmem>>
      %dma_wait3A_140 = tpu.memref_squeeze %dma_wait3A_139 : memref<1x128xi32, #tpu.memory_space<vmem>> -> memref<128xi32, #tpu.memory_space<vmem>>
      %dma_wait3A_141 = arith.constant 0 : i32
      %dma_wait3A_142 = arith.constant 0 : i32
      %dma_wait3A_143 = tpu.memref_slice %arg33[%dma_wait3A_141, %dma_wait3A_142] : memref<10112x64xf32, #tpu.memory_space<vmem_shared>> -> memref<10112x64xf32, #tpu.memory_space<vmem_shared>>
      tpu.wait_indirect_dma semaphore(%run_scoped3A_131 : memref<!tpu.dma_semaphore, #tpu.memory_space<semaphore_mem>>) src(%arg12 : memref<128x64xf32, #tpu.memory_space<vmem>>) dst(%dma_wait3A_143 : memref<10112x64xf32, #tpu.memory_space<vmem_shared>>)
      tpu.yield
    }) : () -> ()
    %dma_wait3A_94 = arith.constant 76 : i32
    %dma_wait3A_95 = arith.constant 0 : i32
    %dma_wait3A_96 = tpu.memref_slice %arg7[%dma_wait3A_94, %dma_wait3A_95] : memref<80x128xi32, #tpu.memory_space<vmem>> -> memref<1x128xi32, #tpu.memory_space<vmem>>
    %dma_wait3A_97 = tpu.memref_squeeze %dma_wait3A_96 : memref<1x128xi32, #tpu.memory_space<vmem>> -> memref<128xi32, #tpu.memory_space<vmem>>
    %dma_wait3A_98 = arith.constant 0 : i32
    %dma_wait3A_99 = arith.constant 0 : i32
    %dma_wait3A_100 = tpu.memref_slice %arg2[%dma_wait3A_98, %dma_wait3A_99] : memref<10112x64xf32, #tpu.memory_space<hbm>> -> memref<10112x64xf32, #tpu.memory_space<hbm>>
    tpu.wait_indirect_dma semaphore(%arg21 : memref<!tpu.dma_semaphore, #tpu.memory_space<semaphore_mem>>) src(%dma_wait3A_100 : memref<10112x64xf32, #tpu.memory_space<hbm>>) dst(%arg13 : memref<128x64xf32, #tpu.memory_space<vmem>>)
    %run_scoped3A_101 = arith.constant 76 : i32
    "tpu.region"() ({
      %run_scoped3A_131 = tpu.sem_alloc : memref<!tpu.dma_semaphore, #tpu.memory_space<semaphore_mem>>
      %dma_start3A_132 = arith.constant 0 : i32
      %dma_start3A_133 = tpu.memref_slice %arg8[%run_scoped3A_101, %dma_start3A_132] : memref<80x128xi32, #tpu.memory_space<vmem>> -> memref<1x128xi32, #tpu.memory_space<vmem>>
      %dma_start3A_134 = tpu.memref_squeeze %dma_start3A_133 : memref<1x128xi32, #tpu.memory_space<vmem>> -> memref<128xi32, #tpu.memory_space<vmem>>
      %dma_start3A_135 = arith.constant 0 : i32
      %dma_start3A_136 = arith.constant 0 : i32
      %dma_start3A_137 = tpu.memref_slice %arg33[%dma_start3A_135, %dma_start3A_136] : memref<10112x64xf32, #tpu.memory_space<vmem_shared>> -> memref<10112x64xf32, #tpu.memory_space<vmem_shared>>
      tpu.enqueue_indirect_dma source(%arg13 : memref<128x64xf32, #tpu.memory_space<vmem>>) target(%dma_start3A_137 : memref<10112x64xf32, #tpu.memory_space<vmem_shared>>) offsets(%dma_start3A_134 : memref<128xi32, #tpu.memory_space<vmem>>) semaphore(%run_scoped3A_131 : memref<!tpu.dma_semaphore, #tpu.memory_space<semaphore_mem>>) {add = true}
      %dma_wait3A_138 = arith.constant 0 : i32
      %dma_wait3A_139 = tpu.memref_slice %arg8[%run_scoped3A_101, %dma_wait3A_138] : memref<80x128xi32, #tpu.memory_space<vmem>> -> memref<1x128xi32, #tpu.memory_space<vmem>>
      %dma_wait3A_140 = tpu.memref_squeeze %dma_wait3A_139 : memref<1x128xi32, #tpu.memory_space<vmem>> -> memref<128xi32, #tpu.memory_space<vmem>>
      %dma_wait3A_141 = arith.constant 0 : i32
      %dma_wait3A_142 = arith.constant 0 : i32
      %dma_wait3A_143 = tpu.memref_slice %arg33[%dma_wait3A_141, %dma_wait3A_142] : memref<10112x64xf32, #tpu.memory_space<vmem_shared>> -> memref<10112x64xf32, #tpu.memory_space<vmem_shared>>
      tpu.wait_indirect_dma semaphore(%run_scoped3A_131 : memref<!tpu.dma_semaphore, #tpu.memory_space<semaphore_mem>>) src(%arg13 : memref<128x64xf32, #tpu.memory_space<vmem>>) dst(%dma_wait3A_143 : memref<10112x64xf32, #tpu.memory_space<vmem_shared>>)
      tpu.yield
    }) : () -> ()
    %dma_wait3A_102 = arith.constant 77 : i32
    %dma_wait3A_103 = arith.constant 0 : i32
    %dma_wait3A_104 = tpu.memref_slice %arg7[%dma_wait3A_102, %dma_wait3A_103] : memref<80x128xi32, #tpu.memory_space<vmem>> -> memref<1x128xi32, #tpu.memory_space<vmem>>
    %dma_wait3A_105 = tpu.memref_squeeze %dma_wait3A_104 : memref<1x128xi32, #tpu.memory_space<vmem>> -> memref<128xi32, #tpu.memory_space<vmem>>
    %dma_wait3A_106 = arith.constant 0 : i32
    %dma_wait3A_107 = arith.constant 0 : i32
    %dma_wait3A_108 = tpu.memref_slice %arg2[%dma_wait3A_106, %dma_wait3A_107] : memref<10112x64xf32, #tpu.memory_space<hbm>> -> memref<10112x64xf32, #tpu.memory_space<hbm>>
    tpu.wait_indirect_dma semaphore(%arg22 : memref<!tpu.dma_semaphore, #tpu.memory_space<semaphore_mem>>) src(%dma_wait3A_108 : memref<10112x64xf32, #tpu.memory_space<hbm>>) dst(%arg14 : memref<128x64xf32, #tpu.memory_space<vmem>>)
    %run_scoped3A_109 = arith.constant 77 : i32
    "tpu.region"() ({
      %run_scoped3A_131 = tpu.sem_alloc : memref<!tpu.dma_semaphore, #tpu.memory_space<semaphore_mem>>
      %dma_start3A_132 = arith.constant 0 : i32
      %dma_start3A_133 = tpu.memref_slice %arg8[%run_scoped3A_109, %dma_start3A_132] : memref<80x128xi32, #tpu.memory_space<vmem>> -> memref<1x128xi32, #tpu.memory_space<vmem>>
      %dma_start3A_134 = tpu.memref_squeeze %dma_start3A_133 : memref<1x128xi32, #tpu.memory_space<vmem>> -> memref<128xi32, #tpu.memory_space<vmem>>
      %dma_start3A_135 = arith.constant 0 : i32
      %dma_start3A_136 = arith.constant 0 : i32
      %dma_start3A_137 = tpu.memref_slice %arg33[%dma_start3A_135, %dma_start3A_136] : memref<10112x64xf32, #tpu.memory_space<vmem_shared>> -> memref<10112x64xf32, #tpu.memory_space<vmem_shared>>
      tpu.enqueue_indirect_dma source(%arg14 : memref<128x64xf32, #tpu.memory_space<vmem>>) target(%dma_start3A_137 : memref<10112x64xf32, #tpu.memory_space<vmem_shared>>) offsets(%dma_start3A_134 : memref<128xi32, #tpu.memory_space<vmem>>) semaphore(%run_scoped3A_131 : memref<!tpu.dma_semaphore, #tpu.memory_space<semaphore_mem>>) {add = true}
      %dma_wait3A_138 = arith.constant 0 : i32
      %dma_wait3A_139 = tpu.memref_slice %arg8[%run_scoped3A_109, %dma_wait3A_138] : memref<80x128xi32, #tpu.memory_space<vmem>> -> memref<1x128xi32, #tpu.memory_space<vmem>>
      %dma_wait3A_140 = tpu.memref_squeeze %dma_wait3A_139 : memref<1x128xi32, #tpu.memory_space<vmem>> -> memref<128xi32, #tpu.memory_space<vmem>>
      %dma_wait3A_141 = arith.constant 0 : i32
      %dma_wait3A_142 = arith.constant 0 : i32
      %dma_wait3A_143 = tpu.memref_slice %arg33[%dma_wait3A_141, %dma_wait3A_142] : memref<10112x64xf32, #tpu.memory_space<vmem_shared>> -> memref<10112x64xf32, #tpu.memory_space<vmem_shared>>
      tpu.wait_indirect_dma semaphore(%run_scoped3A_131 : memref<!tpu.dma_semaphore, #tpu.memory_space<semaphore_mem>>) src(%arg14 : memref<128x64xf32, #tpu.memory_space<vmem>>) dst(%dma_wait3A_143 : memref<10112x64xf32, #tpu.memory_space<vmem_shared>>)
      tpu.yield
    }) : () -> ()
    %dma_wait3A_110 = arith.constant 78 : i32
    %dma_wait3A_111 = arith.constant 0 : i32
    %dma_wait3A_112 = tpu.memref_slice %arg7[%dma_wait3A_110, %dma_wait3A_111] : memref<80x128xi32, #tpu.memory_space<vmem>> -> memref<1x128xi32, #tpu.memory_space<vmem>>
    %dma_wait3A_113 = tpu.memref_squeeze %dma_wait3A_112 : memref<1x128xi32, #tpu.memory_space<vmem>> -> memref<128xi32, #tpu.memory_space<vmem>>
    %dma_wait3A_114 = arith.constant 0 : i32
    %dma_wait3A_115 = arith.constant 0 : i32
    %dma_wait3A_116 = tpu.memref_slice %arg2[%dma_wait3A_114, %dma_wait3A_115] : memref<10112x64xf32, #tpu.memory_space<hbm>> -> memref<10112x64xf32, #tpu.memory_space<hbm>>
    tpu.wait_indirect_dma semaphore(%arg23 : memref<!tpu.dma_semaphore, #tpu.memory_space<semaphore_mem>>) src(%dma_wait3A_116 : memref<10112x64xf32, #tpu.memory_space<hbm>>) dst(%arg15 : memref<128x64xf32, #tpu.memory_space<vmem>>)
    %run_scoped3A_117 = arith.constant 78 : i32
    "tpu.region"() ({
      %run_scoped3A_131 = tpu.sem_alloc : memref<!tpu.dma_semaphore, #tpu.memory_space<semaphore_mem>>
      %dma_start3A_132 = arith.constant 0 : i32
      %dma_start3A_133 = tpu.memref_slice %arg8[%run_scoped3A_117, %dma_start3A_132] : memref<80x128xi32, #tpu.memory_space<vmem>> -> memref<1x128xi32, #tpu.memory_space<vmem>>
      %dma_start3A_134 = tpu.memref_squeeze %dma_start3A_133 : memref<1x128xi32, #tpu.memory_space<vmem>> -> memref<128xi32, #tpu.memory_space<vmem>>
      %dma_start3A_135 = arith.constant 0 : i32
      %dma_start3A_136 = arith.constant 0 : i32
      %dma_start3A_137 = tpu.memref_slice %arg33[%dma_start3A_135, %dma_start3A_136] : memref<10112x64xf32, #tpu.memory_space<vmem_shared>> -> memref<10112x64xf32, #tpu.memory_space<vmem_shared>>
      tpu.enqueue_indirect_dma source(%arg15 : memref<128x64xf32, #tpu.memory_space<vmem>>) target(%dma_start3A_137 : memref<10112x64xf32, #tpu.memory_space<vmem_shared>>) offsets(%dma_start3A_134 : memref<128xi32, #tpu.memory_space<vmem>>) semaphore(%run_scoped3A_131 : memref<!tpu.dma_semaphore, #tpu.memory_space<semaphore_mem>>) {add = true}
      %dma_wait3A_138 = arith.constant 0 : i32
      %dma_wait3A_139 = tpu.memref_slice %arg8[%run_scoped3A_117, %dma_wait3A_138] : memref<80x128xi32, #tpu.memory_space<vmem>> -> memref<1x128xi32, #tpu.memory_space<vmem>>
      %dma_wait3A_140 = tpu.memref_squeeze %dma_wait3A_139 : memref<1x128xi32, #tpu.memory_space<vmem>> -> memref<128xi32, #tpu.memory_space<vmem>>
      %dma_wait3A_141 = arith.constant 0 : i32
      %dma_wait3A_142 = arith.constant 0 : i32
      %dma_wait3A_143 = tpu.memref_slice %arg33[%dma_wait3A_141, %dma_wait3A_142] : memref<10112x64xf32, #tpu.memory_space<vmem_shared>> -> memref<10112x64xf32, #tpu.memory_space<vmem_shared>>
      tpu.wait_indirect_dma semaphore(%run_scoped3A_131 : memref<!tpu.dma_semaphore, #tpu.memory_space<semaphore_mem>>) src(%arg15 : memref<128x64xf32, #tpu.memory_space<vmem>>) dst(%dma_wait3A_143 : memref<10112x64xf32, #tpu.memory_space<vmem_shared>>)
      tpu.yield
    }) : () -> ()
    %dma_wait3A_118 = arith.constant 79 : i32
    %dma_wait3A_119 = arith.constant 0 : i32
    %dma_wait3A_120 = tpu.memref_slice %arg7[%dma_wait3A_118, %dma_wait3A_119] : memref<80x128xi32, #tpu.memory_space<vmem>> -> memref<1x128xi32, #tpu.memory_space<vmem>>
    %dma_wait3A_121 = tpu.memref_squeeze %dma_wait3A_120 : memref<1x128xi32, #tpu.memory_space<vmem>> -> memref<128xi32, #tpu.memory_space<vmem>>
    %dma_wait3A_122 = arith.constant 0 : i32
    %dma_wait3A_123 = arith.constant 0 : i32
    %dma_wait3A_124 = tpu.memref_slice %arg2[%dma_wait3A_122, %dma_wait3A_123] : memref<10112x64xf32, #tpu.memory_space<hbm>> -> memref<10112x64xf32, #tpu.memory_space<hbm>>
    tpu.wait_indirect_dma semaphore(%arg24 : memref<!tpu.dma_semaphore, #tpu.memory_space<semaphore_mem>>) src(%dma_wait3A_124 : memref<10112x64xf32, #tpu.memory_space<hbm>>) dst(%arg16 : memref<128x64xf32, #tpu.memory_space<vmem>>)
    %run_scoped3A_125 = arith.constant 79 : i32
    "tpu.region"() ({
      %run_scoped3A_131 = tpu.sem_alloc : memref<!tpu.dma_semaphore, #tpu.memory_space<semaphore_mem>>
      %dma_start3A_132 = arith.constant 0 : i32
      %dma_start3A_133 = tpu.memref_slice %arg8[%run_scoped3A_125, %dma_start3A_132] : memref<80x128xi32, #tpu.memory_space<vmem>> -> memref<1x128xi32, #tpu.memory_space<vmem>>
      %dma_start3A_134 = tpu.memref_squeeze %dma_start3A_133 : memref<1x128xi32, #tpu.memory_space<vmem>> -> memref<128xi32, #tpu.memory_space<vmem>>
      %dma_start3A_135 = arith.constant 0 : i32
      %dma_start3A_136 = arith.constant 0 : i32
      %dma_start3A_137 = tpu.memref_slice %arg33[%dma_start3A_135, %dma_start3A_136] : memref<10112x64xf32, #tpu.memory_space<vmem_shared>> -> memref<10112x64xf32, #tpu.memory_space<vmem_shared>>
      tpu.enqueue_indirect_dma source(%arg16 : memref<128x64xf32, #tpu.memory_space<vmem>>) target(%dma_start3A_137 : memref<10112x64xf32, #tpu.memory_space<vmem_shared>>) offsets(%dma_start3A_134 : memref<128xi32, #tpu.memory_space<vmem>>) semaphore(%run_scoped3A_131 : memref<!tpu.dma_semaphore, #tpu.memory_space<semaphore_mem>>) {add = true}
      %dma_wait3A_138 = arith.constant 0 : i32
      %dma_wait3A_139 = tpu.memref_slice %arg8[%run_scoped3A_125, %dma_wait3A_138] : memref<80x128xi32, #tpu.memory_space<vmem>> -> memref<1x128xi32, #tpu.memory_space<vmem>>
      %dma_wait3A_140 = tpu.memref_squeeze %dma_wait3A_139 : memref<1x128xi32, #tpu.memory_space<vmem>> -> memref<128xi32, #tpu.memory_space<vmem>>
      %dma_wait3A_141 = arith.constant 0 : i32
      %dma_wait3A_142 = arith.constant 0 : i32
      %dma_wait3A_143 = tpu.memref_slice %arg33[%dma_wait3A_141, %dma_wait3A_142] : memref<10112x64xf32, #tpu.memory_space<vmem_shared>> -> memref<10112x64xf32, #tpu.memory_space<vmem_shared>>
      tpu.wait_indirect_dma semaphore(%run_scoped3A_131 : memref<!tpu.dma_semaphore, #tpu.memory_space<semaphore_mem>>) src(%arg16 : memref<128x64xf32, #tpu.memory_space<vmem>>) dst(%dma_wait3A_143 : memref<10112x64xf32, #tpu.memory_space<vmem_shared>>)
      tpu.yield
    }) : () -> ()
    %barrier3A_126 = arith.constant 0 : index
    tpu.barrier barrier_id(%barrier3A_126)
    %mul3A_127 = arith.constant 632 : i32
    %mul3A_128 = arith.muli %arg1, %mul3A_127 : i32
    %mul3A_129 = arith.constant 632 : i32
    %mul3A_130 = arith.muli %arg1, %mul3A_129 : i32
    "tpu.region"() ({
      %run_scoped3A_131 = tpu.sem_alloc : memref<!tpu.dma_semaphore, #tpu.memory_space<semaphore_mem>>
      %dma_start3A_132 = arith.constant 0 : i32
      %dma_start3A_133 = tpu.memref_slice %arg6[%arg0, %mul3A_130, %dma_start3A_132] : memref<2x10112x64xf32, #tpu.memory_space<hbm>> -> memref<1x632x64xf32, #tpu.memory_space<hbm>>
      %dma_start3A_134 = tpu.memref_squeeze %dma_start3A_133 : memref<1x632x64xf32, #tpu.memory_space<hbm>> -> memref<632x64xf32, #tpu.memory_space<hbm>>
      %dma_start3A_135 = arith.constant 0 : i32
      %dma_start3A_136 = tpu.memref_slice %arg33[%mul3A_128, %dma_start3A_135] : memref<10112x64xf32, #tpu.memory_space<vmem_shared>> -> memref<632x64xf32, #tpu.memory_space<vmem_shared>>
      tpu.enqueue_dma source(%dma_start3A_136 : memref<632x64xf32, #tpu.memory_space<vmem_shared>>) target(%dma_start3A_134 : memref<632x64xf32, #tpu.memory_space<hbm>>) target_semaphore(%run_scoped3A_131 : memref<!tpu.dma_semaphore, #tpu.memory_space<semaphore_mem>>)
      %dma_wait3A_137 = arith.constant 0 : i32
      %dma_wait3A_138 = tpu.memref_slice %arg6[%arg0, %mul3A_130, %dma_wait3A_137] : memref<2x10112x64xf32, #tpu.memory_space<hbm>> -> memref<1x632x64xf32, #tpu.memory_space<hbm>>
      %dma_wait3A_139 = tpu.memref_squeeze %dma_wait3A_138 : memref<1x632x64xf32, #tpu.memory_space<hbm>> -> memref<632x64xf32, #tpu.memory_space<hbm>>
      %dma_wait3A_140 = arith.constant 0 : i32
      %dma_wait3A_141 = tpu.memref_slice %arg33[%mul3A_128, %dma_wait3A_140] : memref<10112x64xf32, #tpu.memory_space<vmem_shared>> -> memref<632x64xf32, #tpu.memory_space<vmem_shared>>
      tpu.wait_dma2 semaphore(%run_scoped3A_131 : memref<!tpu.dma_semaphore, #tpu.memory_space<semaphore_mem>>) src(%dma_wait3A_141 : memref<632x64xf32, #tpu.memory_space<vmem_shared>>) dst(%dma_wait3A_139 : memref<632x64xf32, #tpu.memory_space<hbm>>)
      tpu.yield
    }) : () -> ()
    return
  }
}

#map = affine_map<(d0, d1) -> (0, 0)>
#map1 = affine_map<(d0, d1) -> (0, 0, 0)>
module attributes {stable_mosaic.version = 14 : i64} {
  func.func @_edge_agg_body(%arg0: i32, %arg1: i32, %arg2: memref<10112x64xf32, #tpu.memory_space<hbm>>, %arg3: memref<32x80x128xi32, #tpu.memory_space<hbm>>, %arg4: memref<32x80x128xi32, #tpu.memory_space<hbm>>, %arg5: memref<10112x64xf32, #tpu.memory_space<hbm>>, %arg6: memref<2x10112x64xf32, #tpu.memory_space<hbm>>, %arg7: memref<80x128xi32, #tpu.memory_space<vmem>>, %arg8: memref<80x128xi32, #tpu.memory_space<vmem>>, %arg9: memref<128x64xf32, #tpu.memory_space<vmem>>, %arg10: memref<128x64xf32, #tpu.memory_space<vmem>>, %arg11: memref<128x64xf32, #tpu.memory_space<vmem>>, %arg12: memref<128x64xf32, #tpu.memory_space<vmem>>, %arg13: memref<128x64xf32, #tpu.memory_space<vmem>>, %arg14: memref<128x64xf32, #tpu.memory_space<vmem>>, %arg15: memref<128x64xf32, #tpu.memory_space<vmem>>, %arg16: memref<128x64xf32, #tpu.memory_space<vmem>>, %arg17: memref<!tpu.dma_semaphore, #tpu.memory_space<semaphore_mem>>, %arg18: memref<!tpu.dma_semaphore, #tpu.memory_space<semaphore_mem>>, %arg19: memref<!tpu.dma_semaphore, #tpu.memory_space<semaphore_mem>>, %arg20: memref<!tpu.dma_semaphore, #tpu.memory_space<semaphore_mem>>, %arg21: memref<!tpu.dma_semaphore, #tpu.memory_space<semaphore_mem>>, %arg22: memref<!tpu.dma_semaphore, #tpu.memory_space<semaphore_mem>>, %arg23: memref<!tpu.dma_semaphore, #tpu.memory_space<semaphore_mem>>, %arg24: memref<!tpu.dma_semaphore, #tpu.memory_space<semaphore_mem>>, %arg25: memref<!tpu.dma_semaphore, #tpu.memory_space<semaphore_mem>>, %arg26: memref<!tpu.dma_semaphore, #tpu.memory_space<semaphore_mem>>, %arg27: memref<!tpu.dma_semaphore, #tpu.memory_space<semaphore_mem>>, %arg28: memref<!tpu.dma_semaphore, #tpu.memory_space<semaphore_mem>>, %arg29: memref<!tpu.dma_semaphore, #tpu.memory_space<semaphore_mem>>, %arg30: memref<!tpu.dma_semaphore, #tpu.memory_space<semaphore_mem>>, %arg31: memref<!tpu.dma_semaphore, #tpu.memory_space<semaphore_mem>>, %arg32: memref<!tpu.dma_semaphore, #tpu.memory_space<semaphore_mem>>, %arg33: memref<10112x64xf32, #tpu.memory_space<vmem_shared>>) attributes {dimension_semantics = [#tpu.dimension_semantics<core_parallel>, #tpu.dimension_semantics<subcore_parallel>], iteration_bounds = array<i64: 2, 16>, scalar_prefetch = 0 : i64, scratch_operands = 27 : i64, tpu.core_type = #tpu.core_type<sc_vector_subcore>, window_params = [{transform_indices = #map}, {transform_indices = #map1}, {transform_indices = #map1}, {transform_indices = #map}, {transform_indices = #map1}]} {
    %mul3A = arith.constant 2 : i32
    %mul3A_0 = arith.muli %arg1, %mul3A : i32
    %add3A = arith.addi %mul3A_0, %arg0 : i32
    %mul3A_1 = arith.constant 632 : i32
    %mul3A_2 = arith.muli %arg1, %mul3A_1 : i32
    %mul3A_3 = arith.constant 632 : i32
    %mul3A_4 = arith.muli %arg1, %mul3A_3 : i32
    "tpu.region"() ({
      %run_scoped3A_131 = tpu.sem_alloc : memref<!tpu.dma_semaphore, #tpu.memory_space<semaphore_mem>>
      %dma_start3A_132 = arith.constant 0 : i32
      %dma_start3A_133 = tpu.memref_slice %arg33[%mul3A_4, %dma_start3A_132] : memref<10112x64xf32, #tpu.memory_space<vmem_shared>> -> memref<632x64xf32, #tpu.memory_space<vmem_shared>>
      %dma_start3A_134 = arith.constant 0 : i32
      %dma_start3A_135 = tpu.memref_slice %arg5[%mul3A_2, %dma_start3A_134] : memref<10112x64xf32, #tpu.memory_space<hbm>> -> memref<632x64xf32, #tpu.memory_space<hbm>>
      tpu.enqueue_dma source(%dma_start3A_135 : memref<632x64xf32, #tpu.memory_space<hbm>>) target(%dma_start3A_133 : memref<632x64xf32, #tpu.memory_space<vmem_shared>>) target_semaphore(%run_scoped3A_131 : memref<!tpu.dma_semaphore, #tpu.memory_space<semaphore_mem>>)
      %dma_wait3A_136 = arith.constant 0 : i32
      %dma_wait3A_137 = tpu.memref_slice %arg33[%mul3A_4, %dma_wait3A_136] : memref<10112x64xf32, #tpu.memory_space<vmem_shared>> -> memref<632x64xf32, #tpu.memory_space<vmem_shared>>
      %dma_wait3A_138 = arith.constant 0 : i32
      %dma_wait3A_139 = tpu.memref_slice %arg5[%mul3A_2, %dma_wait3A_138] : memref<10112x64xf32, #tpu.memory_space<hbm>> -> memref<632x64xf32, #tpu.memory_space<hbm>>
      tpu.wait_dma2 semaphore(%run_scoped3A_131 : memref<!tpu.dma_semaphore, #tpu.memory_space<semaphore_mem>>) src(%dma_wait3A_139 : memref<632x64xf32, #tpu.memory_space<hbm>>) dst(%dma_wait3A_137 : memref<632x64xf32, #tpu.memory_space<vmem_shared>>)
      tpu.yield
    }) : () -> ()
    "tpu.region"() ({
      %run_scoped3A_131 = tpu.sem_alloc : memref<!tpu.dma_semaphore, #tpu.memory_space<semaphore_mem>>
      %dma_start3A_132 = arith.constant 0 : i32
      %dma_start3A_133 = arith.constant 0 : i32
      %dma_start3A_134 = tpu.memref_slice %arg3[%add3A, %dma_start3A_132, %dma_start3A_133] : memref<32x80x128xi32, #tpu.memory_space<hbm>> -> memref<1x80x128xi32, #tpu.memory_space<hbm>>
      %dma_start3A_135 = tpu.memref_squeeze %dma_start3A_134 : memref<1x80x128xi32, #tpu.memory_space<hbm>> -> memref<80x128xi32, #tpu.memory_space<hbm>>
      %dma_start3A_136 = arith.constant 0 : i32
      %dma_start3A_137 = arith.constant 0 : i32
      %dma_start3A_138 = tpu.memref_slice %arg3[%add3A, %dma_start3A_136, %dma_start3A_137] : memref<32x80x128xi32, #tpu.memory_space<hbm>> -> memref<1x80x128xi32, #tpu.memory_space<hbm>>
      %dma_start3A_139 = tpu.memref_squeeze %dma_start3A_138 : memref<1x80x128xi32, #tpu.memory_space<hbm>> -> memref<80x128xi32, #tpu.memory_space<hbm>>
      tpu.enqueue_dma source(%dma_start3A_139 : memref<80x128xi32, #tpu.memory_space<hbm>>) target(%arg7 : memref<80x128xi32, #tpu.memory_space<vmem>>) target_semaphore(%run_scoped3A_131 : memref<!tpu.dma_semaphore, #tpu.memory_space<semaphore_mem>>)
      %dma_wait3A_140 = arith.constant 0 : i32
      %dma_wait3A_141 = arith.constant 0 : i32
      %dma_wait3A_142 = tpu.memref_slice %arg3[%add3A, %dma_wait3A_140, %dma_wait3A_141] : memref<32x80x128xi32, #tpu.memory_space<hbm>> -> memref<1x80x128xi32, #tpu.memory_space<hbm>>
      %dma_wait3A_143 = tpu.memref_squeeze %dma_wait3A_142 : memref<1x80x128xi32, #tpu.memory_space<hbm>> -> memref<80x128xi32, #tpu.memory_space<hbm>>
      %dma_wait3A_144 = arith.constant 0 : i32
      %dma_wait3A_145 = arith.constant 0 : i32
      %dma_wait3A_146 = tpu.memref_slice %arg3[%add3A, %dma_wait3A_144, %dma_wait3A_145] : memref<32x80x128xi32, #tpu.memory_space<hbm>> -> memref<1x80x128xi32, #tpu.memory_space<hbm>>
      %dma_wait3A_147 = tpu.memref_squeeze %dma_wait3A_146 : memref<1x80x128xi32, #tpu.memory_space<hbm>> -> memref<80x128xi32, #tpu.memory_space<hbm>>
      tpu.wait_dma2 semaphore(%run_scoped3A_131 : memref<!tpu.dma_semaphore, #tpu.memory_space<semaphore_mem>>) src(%dma_wait3A_147 : memref<80x128xi32, #tpu.memory_space<hbm>>) dst(%arg7 : memref<80x128xi32, #tpu.memory_space<vmem>>)
      tpu.yield
    }) : () -> ()
    "tpu.region"() ({
      %run_scoped3A_131 = tpu.sem_alloc : memref<!tpu.dma_semaphore, #tpu.memory_space<semaphore_mem>>
      %dma_start3A_132 = arith.constant 0 : i32
      %dma_start3A_133 = arith.constant 0 : i32
      %dma_start3A_134 = tpu.memref_slice %arg4[%add3A, %dma_start3A_132, %dma_start3A_133] : memref<32x80x128xi32, #tpu.memory_space<hbm>> -> memref<1x80x128xi32, #tpu.memory_space<hbm>>
      %dma_start3A_135 = tpu.memref_squeeze %dma_start3A_134 : memref<1x80x128xi32, #tpu.memory_space<hbm>> -> memref<80x128xi32, #tpu.memory_space<hbm>>
      %dma_start3A_136 = arith.constant 0 : i32
      %dma_start3A_137 = arith.constant 0 : i32
      %dma_start3A_138 = tpu.memref_slice %arg4[%add3A, %dma_start3A_136, %dma_start3A_137] : memref<32x80x128xi32, #tpu.memory_space<hbm>> -> memref<1x80x128xi32, #tpu.memory_space<hbm>>
      %dma_start3A_139 = tpu.memref_squeeze %dma_start3A_138 : memref<1x80x128xi32, #tpu.memory_space<hbm>> -> memref<80x128xi32, #tpu.memory_space<hbm>>
      tpu.enqueue_dma source(%dma_start3A_139 : memref<80x128xi32, #tpu.memory_space<hbm>>) target(%arg8 : memref<80x128xi32, #tpu.memory_space<vmem>>) target_semaphore(%run_scoped3A_131 : memref<!tpu.dma_semaphore, #tpu.memory_space<semaphore_mem>>)
      %dma_wait3A_140 = arith.constant 0 : i32
      %dma_wait3A_141 = arith.constant 0 : i32
      %dma_wait3A_142 = tpu.memref_slice %arg4[%add3A, %dma_wait3A_140, %dma_wait3A_141] : memref<32x80x128xi32, #tpu.memory_space<hbm>> -> memref<1x80x128xi32, #tpu.memory_space<hbm>>
      %dma_wait3A_143 = tpu.memref_squeeze %dma_wait3A_142 : memref<1x80x128xi32, #tpu.memory_space<hbm>> -> memref<80x128xi32, #tpu.memory_space<hbm>>
      %dma_wait3A_144 = arith.constant 0 : i32
      %dma_wait3A_145 = arith.constant 0 : i32
      %dma_wait3A_146 = tpu.memref_slice %arg4[%add3A, %dma_wait3A_144, %dma_wait3A_145] : memref<32x80x128xi32, #tpu.memory_space<hbm>> -> memref<1x80x128xi32, #tpu.memory_space<hbm>>
      %dma_wait3A_147 = tpu.memref_squeeze %dma_wait3A_146 : memref<1x80x128xi32, #tpu.memory_space<hbm>> -> memref<80x128xi32, #tpu.memory_space<hbm>>
      tpu.wait_dma2 semaphore(%run_scoped3A_131 : memref<!tpu.dma_semaphore, #tpu.memory_space<semaphore_mem>>) src(%dma_wait3A_147 : memref<80x128xi32, #tpu.memory_space<hbm>>) dst(%arg8 : memref<80x128xi32, #tpu.memory_space<vmem>>)
      tpu.yield
    }) : () -> ()
    %barrier3A = arith.constant 0 : index
    tpu.barrier barrier_id(%barrier3A)
    %dma_start3A = arith.constant 0 : i32
    %dma_start3A_5 = arith.constant 0 : i32
    %dma_start3A_6 = tpu.memref_slice %arg7[%dma_start3A, %dma_start3A_5] : memref<80x128xi32, #tpu.memory_space<vmem>> -> memref<1x128xi32, #tpu.memory_space<vmem>>
    %dma_start3A_7 = tpu.memref_squeeze %dma_start3A_6 : memref<1x128xi32, #tpu.memory_space<vmem>> -> memref<128xi32, #tpu.memory_space<vmem>>
    %dma_start3A_8 = arith.constant 0 : i32
    %dma_start3A_9 = arith.constant 0 : i32
    %dma_start3A_10 = tpu.memref_slice %arg2[%dma_start3A_8, %dma_start3A_9] : memref<10112x64xf32, #tpu.memory_space<hbm>> -> memref<10112x64xf32, #tpu.memory_space<hbm>>
    tpu.enqueue_indirect_dma source(%dma_start3A_10 : memref<10112x64xf32, #tpu.memory_space<hbm>>) target(%arg9 : memref<128x64xf32, #tpu.memory_space<vmem>>) offsets(%dma_start3A_7 : memref<128xi32, #tpu.memory_space<vmem>>) semaphore(%arg17 : memref<!tpu.dma_semaphore, #tpu.memory_space<semaphore_mem>>)
    %dma_start3A_11 = arith.constant 1 : i32
    %dma_start3A_12 = arith.constant 0 : i32
    %dma_start3A_13 = tpu.memref_slice %arg7[%dma_start3A_11, %dma_start3A_12] : memref<80x128xi32, #tpu.memory_space<vmem>> -> memref<1x128xi32, #tpu.memory_space<vmem>>
    %dma_start3A_14 = tpu.memref_squeeze %dma_start3A_13 : memref<1x128xi32, #tpu.memory_space<vmem>> -> memref<128xi32, #tpu.memory_space<vmem>>
    %dma_start3A_15 = arith.constant 0 : i32
    %dma_start3A_16 = arith.constant 0 : i32
    %dma_start3A_17 = tpu.memref_slice %arg2[%dma_start3A_15, %dma_start3A_16] : memref<10112x64xf32, #tpu.memory_space<hbm>> -> memref<10112x64xf32, #tpu.memory_space<hbm>>
    tpu.enqueue_indirect_dma source(%dma_start3A_17 : memref<10112x64xf32, #tpu.memory_space<hbm>>) target(%arg10 : memref<128x64xf32, #tpu.memory_space<vmem>>) offsets(%dma_start3A_14 : memref<128xi32, #tpu.memory_space<vmem>>) semaphore(%arg18 : memref<!tpu.dma_semaphore, #tpu.memory_space<semaphore_mem>>)
    %dma_start3A_18 = arith.constant 2 : i32
    %dma_start3A_19 = arith.constant 0 : i32
    %dma_start3A_20 = tpu.memref_slice %arg7[%dma_start3A_18, %dma_start3A_19] : memref<80x128xi32, #tpu.memory_space<vmem>> -> memref<1x128xi32, #tpu.memory_space<vmem>>
    %dma_start3A_21 = tpu.memref_squeeze %dma_start3A_20 : memref<1x128xi32, #tpu.memory_space<vmem>> -> memref<128xi32, #tpu.memory_space<vmem>>
    %dma_start3A_22 = arith.constant 0 : i32
    %dma_start3A_23 = arith.constant 0 : i32
    %dma_start3A_24 = tpu.memref_slice %arg2[%dma_start3A_22, %dma_start3A_23] : memref<10112x64xf32, #tpu.memory_space<hbm>> -> memref<10112x64xf32, #tpu.memory_space<hbm>>
    tpu.enqueue_indirect_dma source(%dma_start3A_24 : memref<10112x64xf32, #tpu.memory_space<hbm>>) target(%arg11 : memref<128x64xf32, #tpu.memory_space<vmem>>) offsets(%dma_start3A_21 : memref<128xi32, #tpu.memory_space<vmem>>) semaphore(%arg19 : memref<!tpu.dma_semaphore, #tpu.memory_space<semaphore_mem>>)
    %dma_start3A_25 = arith.constant 3 : i32
    %dma_start3A_26 = arith.constant 0 : i32
    %dma_start3A_27 = tpu.memref_slice %arg7[%dma_start3A_25, %dma_start3A_26] : memref<80x128xi32, #tpu.memory_space<vmem>> -> memref<1x128xi32, #tpu.memory_space<vmem>>
    %dma_start3A_28 = tpu.memref_squeeze %dma_start3A_27 : memref<1x128xi32, #tpu.memory_space<vmem>> -> memref<128xi32, #tpu.memory_space<vmem>>
    %dma_start3A_29 = arith.constant 0 : i32
    %dma_start3A_30 = arith.constant 0 : i32
    %dma_start3A_31 = tpu.memref_slice %arg2[%dma_start3A_29, %dma_start3A_30] : memref<10112x64xf32, #tpu.memory_space<hbm>> -> memref<10112x64xf32, #tpu.memory_space<hbm>>
    tpu.enqueue_indirect_dma source(%dma_start3A_31 : memref<10112x64xf32, #tpu.memory_space<hbm>>) target(%arg12 : memref<128x64xf32, #tpu.memory_space<vmem>>) offsets(%dma_start3A_28 : memref<128xi32, #tpu.memory_space<vmem>>) semaphore(%arg20 : memref<!tpu.dma_semaphore, #tpu.memory_space<semaphore_mem>>)
    %dma_start3A_32 = arith.constant 4 : i32
    %dma_start3A_33 = arith.constant 0 : i32
    %dma_start3A_34 = tpu.memref_slice %arg7[%dma_start3A_32, %dma_start3A_33] : memref<80x128xi32, #tpu.memory_space<vmem>> -> memref<1x128xi32, #tpu.memory_space<vmem>>
    %dma_start3A_35 = tpu.memref_squeeze %dma_start3A_34 : memref<1x128xi32, #tpu.memory_space<vmem>> -> memref<128xi32, #tpu.memory_space<vmem>>
    %dma_start3A_36 = arith.constant 0 : i32
    %dma_start3A_37 = arith.constant 0 : i32
    %dma_start3A_38 = tpu.memref_slice %arg2[%dma_start3A_36, %dma_start3A_37] : memref<10112x64xf32, #tpu.memory_space<hbm>> -> memref<10112x64xf32, #tpu.memory_space<hbm>>
    tpu.enqueue_indirect_dma source(%dma_start3A_38 : memref<10112x64xf32, #tpu.memory_space<hbm>>) target(%arg13 : memref<128x64xf32, #tpu.memory_space<vmem>>) offsets(%dma_start3A_35 : memref<128xi32, #tpu.memory_space<vmem>>) semaphore(%arg21 : memref<!tpu.dma_semaphore, #tpu.memory_space<semaphore_mem>>)
    %dma_start3A_39 = arith.constant 5 : i32
    %dma_start3A_40 = arith.constant 0 : i32
    %dma_start3A_41 = tpu.memref_slice %arg7[%dma_start3A_39, %dma_start3A_40] : memref<80x128xi32, #tpu.memory_space<vmem>> -> memref<1x128xi32, #tpu.memory_space<vmem>>
    %dma_start3A_42 = tpu.memref_squeeze %dma_start3A_41 : memref<1x128xi32, #tpu.memory_space<vmem>> -> memref<128xi32, #tpu.memory_space<vmem>>
    %dma_start3A_43 = arith.constant 0 : i32
    %dma_start3A_44 = arith.constant 0 : i32
    %dma_start3A_45 = tpu.memref_slice %arg2[%dma_start3A_43, %dma_start3A_44] : memref<10112x64xf32, #tpu.memory_space<hbm>> -> memref<10112x64xf32, #tpu.memory_space<hbm>>
    tpu.enqueue_indirect_dma source(%dma_start3A_45 : memref<10112x64xf32, #tpu.memory_space<hbm>>) target(%arg14 : memref<128x64xf32, #tpu.memory_space<vmem>>) offsets(%dma_start3A_42 : memref<128xi32, #tpu.memory_space<vmem>>) semaphore(%arg22 : memref<!tpu.dma_semaphore, #tpu.memory_space<semaphore_mem>>)
    %dma_start3A_46 = arith.constant 6 : i32
    %dma_start3A_47 = arith.constant 0 : i32
    %dma_start3A_48 = tpu.memref_slice %arg7[%dma_start3A_46, %dma_start3A_47] : memref<80x128xi32, #tpu.memory_space<vmem>> -> memref<1x128xi32, #tpu.memory_space<vmem>>
    %dma_start3A_49 = tpu.memref_squeeze %dma_start3A_48 : memref<1x128xi32, #tpu.memory_space<vmem>> -> memref<128xi32, #tpu.memory_space<vmem>>
    %dma_start3A_50 = arith.constant 0 : i32
    %dma_start3A_51 = arith.constant 0 : i32
    %dma_start3A_52 = tpu.memref_slice %arg2[%dma_start3A_50, %dma_start3A_51] : memref<10112x64xf32, #tpu.memory_space<hbm>> -> memref<10112x64xf32, #tpu.memory_space<hbm>>
    tpu.enqueue_indirect_dma source(%dma_start3A_52 : memref<10112x64xf32, #tpu.memory_space<hbm>>) target(%arg15 : memref<128x64xf32, #tpu.memory_space<vmem>>) offsets(%dma_start3A_49 : memref<128xi32, #tpu.memory_space<vmem>>) semaphore(%arg23 : memref<!tpu.dma_semaphore, #tpu.memory_space<semaphore_mem>>)
    %dma_start3A_53 = arith.constant 7 : i32
    %dma_start3A_54 = arith.constant 0 : i32
    %dma_start3A_55 = tpu.memref_slice %arg7[%dma_start3A_53, %dma_start3A_54] : memref<80x128xi32, #tpu.memory_space<vmem>> -> memref<1x128xi32, #tpu.memory_space<vmem>>
    %dma_start3A_56 = tpu.memref_squeeze %dma_start3A_55 : memref<1x128xi32, #tpu.memory_space<vmem>> -> memref<128xi32, #tpu.memory_space<vmem>>
    %dma_start3A_57 = arith.constant 0 : i32
    %dma_start3A_58 = arith.constant 0 : i32
    %dma_start3A_59 = tpu.memref_slice %arg2[%dma_start3A_57, %dma_start3A_58] : memref<10112x64xf32, #tpu.memory_space<hbm>> -> memref<10112x64xf32, #tpu.memory_space<hbm>>
    tpu.enqueue_indirect_dma source(%dma_start3A_59 : memref<10112x64xf32, #tpu.memory_space<hbm>>) target(%arg16 : memref<128x64xf32, #tpu.memory_space<vmem>>) offsets(%dma_start3A_56 : memref<128xi32, #tpu.memory_space<vmem>>) semaphore(%arg24 : memref<!tpu.dma_semaphore, #tpu.memory_space<semaphore_mem>>)
    %scan3A = arith.constant 0 : i32
    %scan3A_60 = arith.constant 9 : i32
    %scan3A_61 = arith.addi %scan3A, %scan3A_60 : i32
    %scan3A_62 = arith.constant 1 : i32
    scf.for %scan3A_131 = %scan3A to %scan3A_61 step %scan3A_62  : i32 {
      %mul3A_132 = arith.constant 8 : i32
      %mul3A_133 = arith.muli %scan3A_131, %mul3A_132 : i32
      %add3A_134 = arith.constant 0 : i32
      %add3A_135 = arith.addi %add3A_134, %mul3A_133 : i32
      %add3A_136 = arith.constant 0 : i32
      %add3A_137 = arith.addi %add3A_135, %add3A_136 : i32
      %dma_wait3A_138 = arith.constant 0 : i32
      %dma_wait3A_139 = tpu.memref_slice %arg7[%add3A_137, %dma_wait3A_138] : memref<80x128xi32, #tpu.memory_space<vmem>> -> memref<1x128xi32, #tpu.memory_space<vmem>>
      %dma_wait3A_140 = tpu.memref_squeeze %dma_wait3A_139 : memref<1x128xi32, #tpu.memory_space<vmem>> -> memref<128xi32, #tpu.memory_space<vmem>>
      %dma_wait3A_141 = arith.constant 0 : i32
      %dma_wait3A_142 = arith.constant 0 : i32
      %dma_wait3A_143 = tpu.memref_slice %arg2[%dma_wait3A_141, %dma_wait3A_142] : memref<10112x64xf32, #tpu.memory_space<hbm>> -> memref<10112x64xf32, #tpu.memory_space<hbm>>
      tpu.wait_indirect_dma semaphore(%arg17 : memref<!tpu.dma_semaphore, #tpu.memory_space<semaphore_mem>>) src(%dma_wait3A_143 : memref<10112x64xf32, #tpu.memory_space<hbm>>) dst(%arg9 : memref<128x64xf32, #tpu.memory_space<vmem>>)
      %dma_start3A_144 = arith.constant 0 : i32
      %dma_start3A_145 = tpu.memref_slice %arg8[%add3A_137, %dma_start3A_144] : memref<80x128xi32, #tpu.memory_space<vmem>> -> memref<1x128xi32, #tpu.memory_space<vmem>>
      %dma_start3A_146 = tpu.memref_squeeze %dma_start3A_145 : memref<1x128xi32, #tpu.memory_space<vmem>> -> memref<128xi32, #tpu.memory_space<vmem>>
      %dma_start3A_147 = arith.constant 0 : i32
      %dma_start3A_148 = arith.constant 0 : i32
      %dma_start3A_149 = tpu.memref_slice %arg33[%dma_start3A_147, %dma_start3A_148] : memref<10112x64xf32, #tpu.memory_space<vmem_shared>> -> memref<10112x64xf32, #tpu.memory_space<vmem_shared>>
      tpu.enqueue_indirect_dma source(%arg9 : memref<128x64xf32, #tpu.memory_space<vmem>>) target(%dma_start3A_149 : memref<10112x64xf32, #tpu.memory_space<vmem_shared>>) offsets(%dma_start3A_146 : memref<128xi32, #tpu.memory_space<vmem>>) semaphore(%arg25 : memref<!tpu.dma_semaphore, #tpu.memory_space<semaphore_mem>>) {add = true}
      %add3A_150 = arith.constant 1 : i32
      %add3A_151 = arith.addi %add3A_135, %add3A_150 : i32
      %dma_wait3A_152 = arith.constant 0 : i32
      %dma_wait3A_153 = tpu.memref_slice %arg7[%add3A_151, %dma_wait3A_152] : memref<80x128xi32, #tpu.memory_space<vmem>> -> memref<1x128xi32, #tpu.memory_space<vmem>>
      %dma_wait3A_154 = tpu.memref_squeeze %dma_wait3A_153 : memref<1x128xi32, #tpu.memory_space<vmem>> -> memref<128xi32, #tpu.memory_space<vmem>>
      %dma_wait3A_155 = arith.constant 0 : i32
      %dma_wait3A_156 = arith.constant 0 : i32
      %dma_wait3A_157 = tpu.memref_slice %arg2[%dma_wait3A_155, %dma_wait3A_156] : memref<10112x64xf32, #tpu.memory_space<hbm>> -> memref<10112x64xf32, #tpu.memory_space<hbm>>
      tpu.wait_indirect_dma semaphore(%arg18 : memref<!tpu.dma_semaphore, #tpu.memory_space<semaphore_mem>>) src(%dma_wait3A_157 : memref<10112x64xf32, #tpu.memory_space<hbm>>) dst(%arg10 : memref<128x64xf32, #tpu.memory_space<vmem>>)
      %dma_start3A_158 = arith.constant 0 : i32
      %dma_start3A_159 = tpu.memref_slice %arg8[%add3A_151, %dma_start3A_158] : memref<80x128xi32, #tpu.memory_space<vmem>> -> memref<1x128xi32, #tpu.memory_space<vmem>>
      %dma_start3A_160 = tpu.memref_squeeze %dma_start3A_159 : memref<1x128xi32, #tpu.memory_space<vmem>> -> memref<128xi32, #tpu.memory_space<vmem>>
      %dma_start3A_161 = arith.constant 0 : i32
      %dma_start3A_162 = arith.constant 0 : i32
      %dma_start3A_163 = tpu.memref_slice %arg33[%dma_start3A_161, %dma_start3A_162] : memref<10112x64xf32, #tpu.memory_space<vmem_shared>> -> memref<10112x64xf32, #tpu.memory_space<vmem_shared>>
      tpu.enqueue_indirect_dma source(%arg10 : memref<128x64xf32, #tpu.memory_space<vmem>>) target(%dma_start3A_163 : memref<10112x64xf32, #tpu.memory_space<vmem_shared>>) offsets(%dma_start3A_160 : memref<128xi32, #tpu.memory_space<vmem>>) semaphore(%arg26 : memref<!tpu.dma_semaphore, #tpu.memory_space<semaphore_mem>>) {add = true}
      %add3A_164 = arith.constant 2 : i32
      %add3A_165 = arith.addi %add3A_135, %add3A_164 : i32
      %dma_wait3A_166 = arith.constant 0 : i32
      %dma_wait3A_167 = tpu.memref_slice %arg7[%add3A_165, %dma_wait3A_166] : memref<80x128xi32, #tpu.memory_space<vmem>> -> memref<1x128xi32, #tpu.memory_space<vmem>>
      %dma_wait3A_168 = tpu.memref_squeeze %dma_wait3A_167 : memref<1x128xi32, #tpu.memory_space<vmem>> -> memref<128xi32, #tpu.memory_space<vmem>>
      %dma_wait3A_169 = arith.constant 0 : i32
      %dma_wait3A_170 = arith.constant 0 : i32
      %dma_wait3A_171 = tpu.memref_slice %arg2[%dma_wait3A_169, %dma_wait3A_170] : memref<10112x64xf32, #tpu.memory_space<hbm>> -> memref<10112x64xf32, #tpu.memory_space<hbm>>
      tpu.wait_indirect_dma semaphore(%arg19 : memref<!tpu.dma_semaphore, #tpu.memory_space<semaphore_mem>>) src(%dma_wait3A_171 : memref<10112x64xf32, #tpu.memory_space<hbm>>) dst(%arg11 : memref<128x64xf32, #tpu.memory_space<vmem>>)
      %dma_start3A_172 = arith.constant 0 : i32
      %dma_start3A_173 = tpu.memref_slice %arg8[%add3A_165, %dma_start3A_172] : memref<80x128xi32, #tpu.memory_space<vmem>> -> memref<1x128xi32, #tpu.memory_space<vmem>>
      %dma_start3A_174 = tpu.memref_squeeze %dma_start3A_173 : memref<1x128xi32, #tpu.memory_space<vmem>> -> memref<128xi32, #tpu.memory_space<vmem>>
      %dma_start3A_175 = arith.constant 0 : i32
      %dma_start3A_176 = arith.constant 0 : i32
      %dma_start3A_177 = tpu.memref_slice %arg33[%dma_start3A_175, %dma_start3A_176] : memref<10112x64xf32, #tpu.memory_space<vmem_shared>> -> memref<10112x64xf32, #tpu.memory_space<vmem_shared>>
      tpu.enqueue_indirect_dma source(%arg11 : memref<128x64xf32, #tpu.memory_space<vmem>>) target(%dma_start3A_177 : memref<10112x64xf32, #tpu.memory_space<vmem_shared>>) offsets(%dma_start3A_174 : memref<128xi32, #tpu.memory_space<vmem>>) semaphore(%arg27 : memref<!tpu.dma_semaphore, #tpu.memory_space<semaphore_mem>>) {add = true}
      %add3A_178 = arith.constant 3 : i32
      %add3A_179 = arith.addi %add3A_135, %add3A_178 : i32
      %dma_wait3A_180 = arith.constant 0 : i32
      %dma_wait3A_181 = tpu.memref_slice %arg7[%add3A_179, %dma_wait3A_180] : memref<80x128xi32, #tpu.memory_space<vmem>> -> memref<1x128xi32, #tpu.memory_space<vmem>>
      %dma_wait3A_182 = tpu.memref_squeeze %dma_wait3A_181 : memref<1x128xi32, #tpu.memory_space<vmem>> -> memref<128xi32, #tpu.memory_space<vmem>>
      %dma_wait3A_183 = arith.constant 0 : i32
      %dma_wait3A_184 = arith.constant 0 : i32
      %dma_wait3A_185 = tpu.memref_slice %arg2[%dma_wait3A_183, %dma_wait3A_184] : memref<10112x64xf32, #tpu.memory_space<hbm>> -> memref<10112x64xf32, #tpu.memory_space<hbm>>
      tpu.wait_indirect_dma semaphore(%arg20 : memref<!tpu.dma_semaphore, #tpu.memory_space<semaphore_mem>>) src(%dma_wait3A_185 : memref<10112x64xf32, #tpu.memory_space<hbm>>) dst(%arg12 : memref<128x64xf32, #tpu.memory_space<vmem>>)
      %dma_start3A_186 = arith.constant 0 : i32
      %dma_start3A_187 = tpu.memref_slice %arg8[%add3A_179, %dma_start3A_186] : memref<80x128xi32, #tpu.memory_space<vmem>> -> memref<1x128xi32, #tpu.memory_space<vmem>>
      %dma_start3A_188 = tpu.memref_squeeze %dma_start3A_187 : memref<1x128xi32, #tpu.memory_space<vmem>> -> memref<128xi32, #tpu.memory_space<vmem>>
      %dma_start3A_189 = arith.constant 0 : i32
      %dma_start3A_190 = arith.constant 0 : i32
      %dma_start3A_191 = tpu.memref_slice %arg33[%dma_start3A_189, %dma_start3A_190] : memref<10112x64xf32, #tpu.memory_space<vmem_shared>> -> memref<10112x64xf32, #tpu.memory_space<vmem_shared>>
      tpu.enqueue_indirect_dma source(%arg12 : memref<128x64xf32, #tpu.memory_space<vmem>>) target(%dma_start3A_191 : memref<10112x64xf32, #tpu.memory_space<vmem_shared>>) offsets(%dma_start3A_188 : memref<128xi32, #tpu.memory_space<vmem>>) semaphore(%arg28 : memref<!tpu.dma_semaphore, #tpu.memory_space<semaphore_mem>>) {add = true}
      %add3A_192 = arith.constant 4 : i32
      %add3A_193 = arith.addi %add3A_135, %add3A_192 : i32
      %dma_wait3A_194 = arith.constant 0 : i32
      %dma_wait3A_195 = tpu.memref_slice %arg7[%add3A_193, %dma_wait3A_194] : memref<80x128xi32, #tpu.memory_space<vmem>> -> memref<1x128xi32, #tpu.memory_space<vmem>>
      %dma_wait3A_196 = tpu.memref_squeeze %dma_wait3A_195 : memref<1x128xi32, #tpu.memory_space<vmem>> -> memref<128xi32, #tpu.memory_space<vmem>>
      %dma_wait3A_197 = arith.constant 0 : i32
      %dma_wait3A_198 = arith.constant 0 : i32
      %dma_wait3A_199 = tpu.memref_slice %arg2[%dma_wait3A_197, %dma_wait3A_198] : memref<10112x64xf32, #tpu.memory_space<hbm>> -> memref<10112x64xf32, #tpu.memory_space<hbm>>
      tpu.wait_indirect_dma semaphore(%arg21 : memref<!tpu.dma_semaphore, #tpu.memory_space<semaphore_mem>>) src(%dma_wait3A_199 : memref<10112x64xf32, #tpu.memory_space<hbm>>) dst(%arg13 : memref<128x64xf32, #tpu.memory_space<vmem>>)
      %dma_start3A_200 = arith.constant 0 : i32
      %dma_start3A_201 = tpu.memref_slice %arg8[%add3A_193, %dma_start3A_200] : memref<80x128xi32, #tpu.memory_space<vmem>> -> memref<1x128xi32, #tpu.memory_space<vmem>>
      %dma_start3A_202 = tpu.memref_squeeze %dma_start3A_201 : memref<1x128xi32, #tpu.memory_space<vmem>> -> memref<128xi32, #tpu.memory_space<vmem>>
      %dma_start3A_203 = arith.constant 0 : i32
      %dma_start3A_204 = arith.constant 0 : i32
      %dma_start3A_205 = tpu.memref_slice %arg33[%dma_start3A_203, %dma_start3A_204] : memref<10112x64xf32, #tpu.memory_space<vmem_shared>> -> memref<10112x64xf32, #tpu.memory_space<vmem_shared>>
      tpu.enqueue_indirect_dma source(%arg13 : memref<128x64xf32, #tpu.memory_space<vmem>>) target(%dma_start3A_205 : memref<10112x64xf32, #tpu.memory_space<vmem_shared>>) offsets(%dma_start3A_202 : memref<128xi32, #tpu.memory_space<vmem>>) semaphore(%arg29 : memref<!tpu.dma_semaphore, #tpu.memory_space<semaphore_mem>>) {add = true}
      %add3A_206 = arith.constant 5 : i32
      %add3A_207 = arith.addi %add3A_135, %add3A_206 : i32
      %dma_wait3A_208 = arith.constant 0 : i32
      %dma_wait3A_209 = tpu.memref_slice %arg7[%add3A_207, %dma_wait3A_208] : memref<80x128xi32, #tpu.memory_space<vmem>> -> memref<1x128xi32, #tpu.memory_space<vmem>>
      %dma_wait3A_210 = tpu.memref_squeeze %dma_wait3A_209 : memref<1x128xi32, #tpu.memory_space<vmem>> -> memref<128xi32, #tpu.memory_space<vmem>>
      %dma_wait3A_211 = arith.constant 0 : i32
      %dma_wait3A_212 = arith.constant 0 : i32
      %dma_wait3A_213 = tpu.memref_slice %arg2[%dma_wait3A_211, %dma_wait3A_212] : memref<10112x64xf32, #tpu.memory_space<hbm>> -> memref<10112x64xf32, #tpu.memory_space<hbm>>
      tpu.wait_indirect_dma semaphore(%arg22 : memref<!tpu.dma_semaphore, #tpu.memory_space<semaphore_mem>>) src(%dma_wait3A_213 : memref<10112x64xf32, #tpu.memory_space<hbm>>) dst(%arg14 : memref<128x64xf32, #tpu.memory_space<vmem>>)
      %dma_start3A_214 = arith.constant 0 : i32
      %dma_start3A_215 = tpu.memref_slice %arg8[%add3A_207, %dma_start3A_214] : memref<80x128xi32, #tpu.memory_space<vmem>> -> memref<1x128xi32, #tpu.memory_space<vmem>>
      %dma_start3A_216 = tpu.memref_squeeze %dma_start3A_215 : memref<1x128xi32, #tpu.memory_space<vmem>> -> memref<128xi32, #tpu.memory_space<vmem>>
      %dma_start3A_217 = arith.constant 0 : i32
      %dma_start3A_218 = arith.constant 0 : i32
      %dma_start3A_219 = tpu.memref_slice %arg33[%dma_start3A_217, %dma_start3A_218] : memref<10112x64xf32, #tpu.memory_space<vmem_shared>> -> memref<10112x64xf32, #tpu.memory_space<vmem_shared>>
      tpu.enqueue_indirect_dma source(%arg14 : memref<128x64xf32, #tpu.memory_space<vmem>>) target(%dma_start3A_219 : memref<10112x64xf32, #tpu.memory_space<vmem_shared>>) offsets(%dma_start3A_216 : memref<128xi32, #tpu.memory_space<vmem>>) semaphore(%arg30 : memref<!tpu.dma_semaphore, #tpu.memory_space<semaphore_mem>>) {add = true}
      %add3A_220 = arith.constant 6 : i32
      %add3A_221 = arith.addi %add3A_135, %add3A_220 : i32
      %dma_wait3A_222 = arith.constant 0 : i32
      %dma_wait3A_223 = tpu.memref_slice %arg7[%add3A_221, %dma_wait3A_222] : memref<80x128xi32, #tpu.memory_space<vmem>> -> memref<1x128xi32, #tpu.memory_space<vmem>>
      %dma_wait3A_224 = tpu.memref_squeeze %dma_wait3A_223 : memref<1x128xi32, #tpu.memory_space<vmem>> -> memref<128xi32, #tpu.memory_space<vmem>>
      %dma_wait3A_225 = arith.constant 0 : i32
      %dma_wait3A_226 = arith.constant 0 : i32
      %dma_wait3A_227 = tpu.memref_slice %arg2[%dma_wait3A_225, %dma_wait3A_226] : memref<10112x64xf32, #tpu.memory_space<hbm>> -> memref<10112x64xf32, #tpu.memory_space<hbm>>
      tpu.wait_indirect_dma semaphore(%arg23 : memref<!tpu.dma_semaphore, #tpu.memory_space<semaphore_mem>>) src(%dma_wait3A_227 : memref<10112x64xf32, #tpu.memory_space<hbm>>) dst(%arg15 : memref<128x64xf32, #tpu.memory_space<vmem>>)
      %dma_start3A_228 = arith.constant 0 : i32
      %dma_start3A_229 = tpu.memref_slice %arg8[%add3A_221, %dma_start3A_228] : memref<80x128xi32, #tpu.memory_space<vmem>> -> memref<1x128xi32, #tpu.memory_space<vmem>>
      %dma_start3A_230 = tpu.memref_squeeze %dma_start3A_229 : memref<1x128xi32, #tpu.memory_space<vmem>> -> memref<128xi32, #tpu.memory_space<vmem>>
      %dma_start3A_231 = arith.constant 0 : i32
      %dma_start3A_232 = arith.constant 0 : i32
      %dma_start3A_233 = tpu.memref_slice %arg33[%dma_start3A_231, %dma_start3A_232] : memref<10112x64xf32, #tpu.memory_space<vmem_shared>> -> memref<10112x64xf32, #tpu.memory_space<vmem_shared>>
      tpu.enqueue_indirect_dma source(%arg15 : memref<128x64xf32, #tpu.memory_space<vmem>>) target(%dma_start3A_233 : memref<10112x64xf32, #tpu.memory_space<vmem_shared>>) offsets(%dma_start3A_230 : memref<128xi32, #tpu.memory_space<vmem>>) semaphore(%arg31 : memref<!tpu.dma_semaphore, #tpu.memory_space<semaphore_mem>>) {add = true}
      %add3A_234 = arith.constant 7 : i32
      %add3A_235 = arith.addi %add3A_135, %add3A_234 : i32
      %dma_wait3A_236 = arith.constant 0 : i32
      %dma_wait3A_237 = tpu.memref_slice %arg7[%add3A_235, %dma_wait3A_236] : memref<80x128xi32, #tpu.memory_space<vmem>> -> memref<1x128xi32, #tpu.memory_space<vmem>>
      %dma_wait3A_238 = tpu.memref_squeeze %dma_wait3A_237 : memref<1x128xi32, #tpu.memory_space<vmem>> -> memref<128xi32, #tpu.memory_space<vmem>>
      %dma_wait3A_239 = arith.constant 0 : i32
      %dma_wait3A_240 = arith.constant 0 : i32
      %dma_wait3A_241 = tpu.memref_slice %arg2[%dma_wait3A_239, %dma_wait3A_240] : memref<10112x64xf32, #tpu.memory_space<hbm>> -> memref<10112x64xf32, #tpu.memory_space<hbm>>
      tpu.wait_indirect_dma semaphore(%arg24 : memref<!tpu.dma_semaphore, #tpu.memory_space<semaphore_mem>>) src(%dma_wait3A_241 : memref<10112x64xf32, #tpu.memory_space<hbm>>) dst(%arg16 : memref<128x64xf32, #tpu.memory_space<vmem>>)
      %dma_start3A_242 = arith.constant 0 : i32
      %dma_start3A_243 = tpu.memref_slice %arg8[%add3A_235, %dma_start3A_242] : memref<80x128xi32, #tpu.memory_space<vmem>> -> memref<1x128xi32, #tpu.memory_space<vmem>>
      %dma_start3A_244 = tpu.memref_squeeze %dma_start3A_243 : memref<1x128xi32, #tpu.memory_space<vmem>> -> memref<128xi32, #tpu.memory_space<vmem>>
      %dma_start3A_245 = arith.constant 0 : i32
      %dma_start3A_246 = arith.constant 0 : i32
      %dma_start3A_247 = tpu.memref_slice %arg33[%dma_start3A_245, %dma_start3A_246] : memref<10112x64xf32, #tpu.memory_space<vmem_shared>> -> memref<10112x64xf32, #tpu.memory_space<vmem_shared>>
      tpu.enqueue_indirect_dma source(%arg16 : memref<128x64xf32, #tpu.memory_space<vmem>>) target(%dma_start3A_247 : memref<10112x64xf32, #tpu.memory_space<vmem_shared>>) offsets(%dma_start3A_244 : memref<128xi32, #tpu.memory_space<vmem>>) semaphore(%arg32 : memref<!tpu.dma_semaphore, #tpu.memory_space<semaphore_mem>>) {add = true}
      %add3A_248 = arith.constant 0 : i32
      %add3A_249 = arith.addi %add3A_135, %add3A_248 : i32
      %dma_wait3A_250 = arith.constant 0 : i32
      %dma_wait3A_251 = tpu.memref_slice %arg8[%add3A_249, %dma_wait3A_250] : memref<80x128xi32, #tpu.memory_space<vmem>> -> memref<1x128xi32, #tpu.memory_space<vmem>>
      %dma_wait3A_252 = tpu.memref_squeeze %dma_wait3A_251 : memref<1x128xi32, #tpu.memory_space<vmem>> -> memref<128xi32, #tpu.memory_space<vmem>>
      %dma_wait3A_253 = arith.constant 0 : i32
      %dma_wait3A_254 = arith.constant 0 : i32
      %dma_wait3A_255 = tpu.memref_slice %arg33[%dma_wait3A_253, %dma_wait3A_254] : memref<10112x64xf32, #tpu.memory_space<vmem_shared>> -> memref<10112x64xf32, #tpu.memory_space<vmem_shared>>
      tpu.wait_indirect_dma semaphore(%arg25 : memref<!tpu.dma_semaphore, #tpu.memory_space<semaphore_mem>>) src(%arg9 : memref<128x64xf32, #tpu.memory_space<vmem>>) dst(%dma_wait3A_255 : memref<10112x64xf32, #tpu.memory_space<vmem_shared>>)
      %add3A_256 = arith.constant 8 : i32
      %add3A_257 = arith.addi %add3A_249, %add3A_256 : i32
      %dma_start3A_258 = arith.constant 0 : i32
      %dma_start3A_259 = tpu.memref_slice %arg7[%add3A_257, %dma_start3A_258] : memref<80x128xi32, #tpu.memory_space<vmem>> -> memref<1x128xi32, #tpu.memory_space<vmem>>
      %dma_start3A_260 = tpu.memref_squeeze %dma_start3A_259 : memref<1x128xi32, #tpu.memory_space<vmem>> -> memref<128xi32, #tpu.memory_space<vmem>>
      %dma_start3A_261 = arith.constant 0 : i32
      %dma_start3A_262 = arith.constant 0 : i32
      %dma_start3A_263 = tpu.memref_slice %arg2[%dma_start3A_261, %dma_start3A_262] : memref<10112x64xf32, #tpu.memory_space<hbm>> -> memref<10112x64xf32, #tpu.memory_space<hbm>>
      tpu.enqueue_indirect_dma source(%dma_start3A_263 : memref<10112x64xf32, #tpu.memory_space<hbm>>) target(%arg9 : memref<128x64xf32, #tpu.memory_space<vmem>>) offsets(%dma_start3A_260 : memref<128xi32, #tpu.memory_space<vmem>>) semaphore(%arg17 : memref<!tpu.dma_semaphore, #tpu.memory_space<semaphore_mem>>)
      %add3A_264 = arith.constant 1 : i32
      %add3A_265 = arith.addi %add3A_135, %add3A_264 : i32
      %dma_wait3A_266 = arith.constant 0 : i32
      %dma_wait3A_267 = tpu.memref_slice %arg8[%add3A_265, %dma_wait3A_266] : memref<80x128xi32, #tpu.memory_space<vmem>> -> memref<1x128xi32, #tpu.memory_space<vmem>>
      %dma_wait3A_268 = tpu.memref_squeeze %dma_wait3A_267 : memref<1x128xi32, #tpu.memory_space<vmem>> -> memref<128xi32, #tpu.memory_space<vmem>>
      %dma_wait3A_269 = arith.constant 0 : i32
      %dma_wait3A_270 = arith.constant 0 : i32
      %dma_wait3A_271 = tpu.memref_slice %arg33[%dma_wait3A_269, %dma_wait3A_270] : memref<10112x64xf32, #tpu.memory_space<vmem_shared>> -> memref<10112x64xf32, #tpu.memory_space<vmem_shared>>
      tpu.wait_indirect_dma semaphore(%arg26 : memref<!tpu.dma_semaphore, #tpu.memory_space<semaphore_mem>>) src(%arg10 : memref<128x64xf32, #tpu.memory_space<vmem>>) dst(%dma_wait3A_271 : memref<10112x64xf32, #tpu.memory_space<vmem_shared>>)
      %add3A_272 = arith.constant 8 : i32
      %add3A_273 = arith.addi %add3A_265, %add3A_272 : i32
      %dma_start3A_274 = arith.constant 0 : i32
      %dma_start3A_275 = tpu.memref_slice %arg7[%add3A_273, %dma_start3A_274] : memref<80x128xi32, #tpu.memory_space<vmem>> -> memref<1x128xi32, #tpu.memory_space<vmem>>
      %dma_start3A_276 = tpu.memref_squeeze %dma_start3A_275 : memref<1x128xi32, #tpu.memory_space<vmem>> -> memref<128xi32, #tpu.memory_space<vmem>>
      %dma_start3A_277 = arith.constant 0 : i32
      %dma_start3A_278 = arith.constant 0 : i32
      %dma_start3A_279 = tpu.memref_slice %arg2[%dma_start3A_277, %dma_start3A_278] : memref<10112x64xf32, #tpu.memory_space<hbm>> -> memref<10112x64xf32, #tpu.memory_space<hbm>>
      tpu.enqueue_indirect_dma source(%dma_start3A_279 : memref<10112x64xf32, #tpu.memory_space<hbm>>) target(%arg10 : memref<128x64xf32, #tpu.memory_space<vmem>>) offsets(%dma_start3A_276 : memref<128xi32, #tpu.memory_space<vmem>>) semaphore(%arg18 : memref<!tpu.dma_semaphore, #tpu.memory_space<semaphore_mem>>)
      %add3A_280 = arith.constant 2 : i32
      %add3A_281 = arith.addi %add3A_135, %add3A_280 : i32
      %dma_wait3A_282 = arith.constant 0 : i32
      %dma_wait3A_283 = tpu.memref_slice %arg8[%add3A_281, %dma_wait3A_282] : memref<80x128xi32, #tpu.memory_space<vmem>> -> memref<1x128xi32, #tpu.memory_space<vmem>>
      %dma_wait3A_284 = tpu.memref_squeeze %dma_wait3A_283 : memref<1x128xi32, #tpu.memory_space<vmem>> -> memref<128xi32, #tpu.memory_space<vmem>>
      %dma_wait3A_285 = arith.constant 0 : i32
      %dma_wait3A_286 = arith.constant 0 : i32
      %dma_wait3A_287 = tpu.memref_slice %arg33[%dma_wait3A_285, %dma_wait3A_286] : memref<10112x64xf32, #tpu.memory_space<vmem_shared>> -> memref<10112x64xf32, #tpu.memory_space<vmem_shared>>
      tpu.wait_indirect_dma semaphore(%arg27 : memref<!tpu.dma_semaphore, #tpu.memory_space<semaphore_mem>>) src(%arg11 : memref<128x64xf32, #tpu.memory_space<vmem>>) dst(%dma_wait3A_287 : memref<10112x64xf32, #tpu.memory_space<vmem_shared>>)
      %add3A_288 = arith.constant 8 : i32
      %add3A_289 = arith.addi %add3A_281, %add3A_288 : i32
      %dma_start3A_290 = arith.constant 0 : i32
      %dma_start3A_291 = tpu.memref_slice %arg7[%add3A_289, %dma_start3A_290] : memref<80x128xi32, #tpu.memory_space<vmem>> -> memref<1x128xi32, #tpu.memory_space<vmem>>
      %dma_start3A_292 = tpu.memref_squeeze %dma_start3A_291 : memref<1x128xi32, #tpu.memory_space<vmem>> -> memref<128xi32, #tpu.memory_space<vmem>>
      %dma_start3A_293 = arith.constant 0 : i32
      %dma_start3A_294 = arith.constant 0 : i32
      %dma_start3A_295 = tpu.memref_slice %arg2[%dma_start3A_293, %dma_start3A_294] : memref<10112x64xf32, #tpu.memory_space<hbm>> -> memref<10112x64xf32, #tpu.memory_space<hbm>>
      tpu.enqueue_indirect_dma source(%dma_start3A_295 : memref<10112x64xf32, #tpu.memory_space<hbm>>) target(%arg11 : memref<128x64xf32, #tpu.memory_space<vmem>>) offsets(%dma_start3A_292 : memref<128xi32, #tpu.memory_space<vmem>>) semaphore(%arg19 : memref<!tpu.dma_semaphore, #tpu.memory_space<semaphore_mem>>)
      %add3A_296 = arith.constant 3 : i32
      %add3A_297 = arith.addi %add3A_135, %add3A_296 : i32
      %dma_wait3A_298 = arith.constant 0 : i32
      %dma_wait3A_299 = tpu.memref_slice %arg8[%add3A_297, %dma_wait3A_298] : memref<80x128xi32, #tpu.memory_space<vmem>> -> memref<1x128xi32, #tpu.memory_space<vmem>>
      %dma_wait3A_300 = tpu.memref_squeeze %dma_wait3A_299 : memref<1x128xi32, #tpu.memory_space<vmem>> -> memref<128xi32, #tpu.memory_space<vmem>>
      %dma_wait3A_301 = arith.constant 0 : i32
      %dma_wait3A_302 = arith.constant 0 : i32
      %dma_wait3A_303 = tpu.memref_slice %arg33[%dma_wait3A_301, %dma_wait3A_302] : memref<10112x64xf32, #tpu.memory_space<vmem_shared>> -> memref<10112x64xf32, #tpu.memory_space<vmem_shared>>
      tpu.wait_indirect_dma semaphore(%arg28 : memref<!tpu.dma_semaphore, #tpu.memory_space<semaphore_mem>>) src(%arg12 : memref<128x64xf32, #tpu.memory_space<vmem>>) dst(%dma_wait3A_303 : memref<10112x64xf32, #tpu.memory_space<vmem_shared>>)
      %add3A_304 = arith.constant 8 : i32
      %add3A_305 = arith.addi %add3A_297, %add3A_304 : i32
      %dma_start3A_306 = arith.constant 0 : i32
      %dma_start3A_307 = tpu.memref_slice %arg7[%add3A_305, %dma_start3A_306] : memref<80x128xi32, #tpu.memory_space<vmem>> -> memref<1x128xi32, #tpu.memory_space<vmem>>
      %dma_start3A_308 = tpu.memref_squeeze %dma_start3A_307 : memref<1x128xi32, #tpu.memory_space<vmem>> -> memref<128xi32, #tpu.memory_space<vmem>>
      %dma_start3A_309 = arith.constant 0 : i32
      %dma_start3A_310 = arith.constant 0 : i32
      %dma_start3A_311 = tpu.memref_slice %arg2[%dma_start3A_309, %dma_start3A_310] : memref<10112x64xf32, #tpu.memory_space<hbm>> -> memref<10112x64xf32, #tpu.memory_space<hbm>>
      tpu.enqueue_indirect_dma source(%dma_start3A_311 : memref<10112x64xf32, #tpu.memory_space<hbm>>) target(%arg12 : memref<128x64xf32, #tpu.memory_space<vmem>>) offsets(%dma_start3A_308 : memref<128xi32, #tpu.memory_space<vmem>>) semaphore(%arg20 : memref<!tpu.dma_semaphore, #tpu.memory_space<semaphore_mem>>)
      %add3A_312 = arith.constant 4 : i32
      %add3A_313 = arith.addi %add3A_135, %add3A_312 : i32
      %dma_wait3A_314 = arith.constant 0 : i32
      %dma_wait3A_315 = tpu.memref_slice %arg8[%add3A_313, %dma_wait3A_314] : memref<80x128xi32, #tpu.memory_space<vmem>> -> memref<1x128xi32, #tpu.memory_space<vmem>>
      %dma_wait3A_316 = tpu.memref_squeeze %dma_wait3A_315 : memref<1x128xi32, #tpu.memory_space<vmem>> -> memref<128xi32, #tpu.memory_space<vmem>>
      %dma_wait3A_317 = arith.constant 0 : i32
      %dma_wait3A_318 = arith.constant 0 : i32
      %dma_wait3A_319 = tpu.memref_slice %arg33[%dma_wait3A_317, %dma_wait3A_318] : memref<10112x64xf32, #tpu.memory_space<vmem_shared>> -> memref<10112x64xf32, #tpu.memory_space<vmem_shared>>
      tpu.wait_indirect_dma semaphore(%arg29 : memref<!tpu.dma_semaphore, #tpu.memory_space<semaphore_mem>>) src(%arg13 : memref<128x64xf32, #tpu.memory_space<vmem>>) dst(%dma_wait3A_319 : memref<10112x64xf32, #tpu.memory_space<vmem_shared>>)
      %add3A_320 = arith.constant 8 : i32
      %add3A_321 = arith.addi %add3A_313, %add3A_320 : i32
      %dma_start3A_322 = arith.constant 0 : i32
      %dma_start3A_323 = tpu.memref_slice %arg7[%add3A_321, %dma_start3A_322] : memref<80x128xi32, #tpu.memory_space<vmem>> -> memref<1x128xi32, #tpu.memory_space<vmem>>
      %dma_start3A_324 = tpu.memref_squeeze %dma_start3A_323 : memref<1x128xi32, #tpu.memory_space<vmem>> -> memref<128xi32, #tpu.memory_space<vmem>>
      %dma_start3A_325 = arith.constant 0 : i32
      %dma_start3A_326 = arith.constant 0 : i32
      %dma_start3A_327 = tpu.memref_slice %arg2[%dma_start3A_325, %dma_start3A_326] : memref<10112x64xf32, #tpu.memory_space<hbm>> -> memref<10112x64xf32, #tpu.memory_space<hbm>>
      tpu.enqueue_indirect_dma source(%dma_start3A_327 : memref<10112x64xf32, #tpu.memory_space<hbm>>) target(%arg13 : memref<128x64xf32, #tpu.memory_space<vmem>>) offsets(%dma_start3A_324 : memref<128xi32, #tpu.memory_space<vmem>>) semaphore(%arg21 : memref<!tpu.dma_semaphore, #tpu.memory_space<semaphore_mem>>)
      %add3A_328 = arith.constant 5 : i32
      %add3A_329 = arith.addi %add3A_135, %add3A_328 : i32
      %dma_wait3A_330 = arith.constant 0 : i32
      %dma_wait3A_331 = tpu.memref_slice %arg8[%add3A_329, %dma_wait3A_330] : memref<80x128xi32, #tpu.memory_space<vmem>> -> memref<1x128xi32, #tpu.memory_space<vmem>>
      %dma_wait3A_332 = tpu.memref_squeeze %dma_wait3A_331 : memref<1x128xi32, #tpu.memory_space<vmem>> -> memref<128xi32, #tpu.memory_space<vmem>>
      %dma_wait3A_333 = arith.constant 0 : i32
      %dma_wait3A_334 = arith.constant 0 : i32
      %dma_wait3A_335 = tpu.memref_slice %arg33[%dma_wait3A_333, %dma_wait3A_334] : memref<10112x64xf32, #tpu.memory_space<vmem_shared>> -> memref<10112x64xf32, #tpu.memory_space<vmem_shared>>
      tpu.wait_indirect_dma semaphore(%arg30 : memref<!tpu.dma_semaphore, #tpu.memory_space<semaphore_mem>>) src(%arg14 : memref<128x64xf32, #tpu.memory_space<vmem>>) dst(%dma_wait3A_335 : memref<10112x64xf32, #tpu.memory_space<vmem_shared>>)
      %add3A_336 = arith.constant 8 : i32
      %add3A_337 = arith.addi %add3A_329, %add3A_336 : i32
      %dma_start3A_338 = arith.constant 0 : i32
      %dma_start3A_339 = tpu.memref_slice %arg7[%add3A_337, %dma_start3A_338] : memref<80x128xi32, #tpu.memory_space<vmem>> -> memref<1x128xi32, #tpu.memory_space<vmem>>
      %dma_start3A_340 = tpu.memref_squeeze %dma_start3A_339 : memref<1x128xi32, #tpu.memory_space<vmem>> -> memref<128xi32, #tpu.memory_space<vmem>>
      %dma_start3A_341 = arith.constant 0 : i32
      %dma_start3A_342 = arith.constant 0 : i32
      %dma_start3A_343 = tpu.memref_slice %arg2[%dma_start3A_341, %dma_start3A_342] : memref<10112x64xf32, #tpu.memory_space<hbm>> -> memref<10112x64xf32, #tpu.memory_space<hbm>>
      tpu.enqueue_indirect_dma source(%dma_start3A_343 : memref<10112x64xf32, #tpu.memory_space<hbm>>) target(%arg14 : memref<128x64xf32, #tpu.memory_space<vmem>>) offsets(%dma_start3A_340 : memref<128xi32, #tpu.memory_space<vmem>>) semaphore(%arg22 : memref<!tpu.dma_semaphore, #tpu.memory_space<semaphore_mem>>)
      %add3A_344 = arith.constant 6 : i32
      %add3A_345 = arith.addi %add3A_135, %add3A_344 : i32
      %dma_wait3A_346 = arith.constant 0 : i32
      %dma_wait3A_347 = tpu.memref_slice %arg8[%add3A_345, %dma_wait3A_346] : memref<80x128xi32, #tpu.memory_space<vmem>> -> memref<1x128xi32, #tpu.memory_space<vmem>>
      %dma_wait3A_348 = tpu.memref_squeeze %dma_wait3A_347 : memref<1x128xi32, #tpu.memory_space<vmem>> -> memref<128xi32, #tpu.memory_space<vmem>>
      %dma_wait3A_349 = arith.constant 0 : i32
      %dma_wait3A_350 = arith.constant 0 : i32
      %dma_wait3A_351 = tpu.memref_slice %arg33[%dma_wait3A_349, %dma_wait3A_350] : memref<10112x64xf32, #tpu.memory_space<vmem_shared>> -> memref<10112x64xf32, #tpu.memory_space<vmem_shared>>
      tpu.wait_indirect_dma semaphore(%arg31 : memref<!tpu.dma_semaphore, #tpu.memory_space<semaphore_mem>>) src(%arg15 : memref<128x64xf32, #tpu.memory_space<vmem>>) dst(%dma_wait3A_351 : memref<10112x64xf32, #tpu.memory_space<vmem_shared>>)
      %add3A_352 = arith.constant 8 : i32
      %add3A_353 = arith.addi %add3A_345, %add3A_352 : i32
      %dma_start3A_354 = arith.constant 0 : i32
      %dma_start3A_355 = tpu.memref_slice %arg7[%add3A_353, %dma_start3A_354] : memref<80x128xi32, #tpu.memory_space<vmem>> -> memref<1x128xi32, #tpu.memory_space<vmem>>
      %dma_start3A_356 = tpu.memref_squeeze %dma_start3A_355 : memref<1x128xi32, #tpu.memory_space<vmem>> -> memref<128xi32, #tpu.memory_space<vmem>>
      %dma_start3A_357 = arith.constant 0 : i32
      %dma_start3A_358 = arith.constant 0 : i32
      %dma_start3A_359 = tpu.memref_slice %arg2[%dma_start3A_357, %dma_start3A_358] : memref<10112x64xf32, #tpu.memory_space<hbm>> -> memref<10112x64xf32, #tpu.memory_space<hbm>>
      tpu.enqueue_indirect_dma source(%dma_start3A_359 : memref<10112x64xf32, #tpu.memory_space<hbm>>) target(%arg15 : memref<128x64xf32, #tpu.memory_space<vmem>>) offsets(%dma_start3A_356 : memref<128xi32, #tpu.memory_space<vmem>>) semaphore(%arg23 : memref<!tpu.dma_semaphore, #tpu.memory_space<semaphore_mem>>)
      %add3A_360 = arith.constant 7 : i32
      %add3A_361 = arith.addi %add3A_135, %add3A_360 : i32
      %dma_wait3A_362 = arith.constant 0 : i32
      %dma_wait3A_363 = tpu.memref_slice %arg8[%add3A_361, %dma_wait3A_362] : memref<80x128xi32, #tpu.memory_space<vmem>> -> memref<1x128xi32, #tpu.memory_space<vmem>>
      %dma_wait3A_364 = tpu.memref_squeeze %dma_wait3A_363 : memref<1x128xi32, #tpu.memory_space<vmem>> -> memref<128xi32, #tpu.memory_space<vmem>>
      %dma_wait3A_365 = arith.constant 0 : i32
      %dma_wait3A_366 = arith.constant 0 : i32
      %dma_wait3A_367 = tpu.memref_slice %arg33[%dma_wait3A_365, %dma_wait3A_366] : memref<10112x64xf32, #tpu.memory_space<vmem_shared>> -> memref<10112x64xf32, #tpu.memory_space<vmem_shared>>
      tpu.wait_indirect_dma semaphore(%arg32 : memref<!tpu.dma_semaphore, #tpu.memory_space<semaphore_mem>>) src(%arg16 : memref<128x64xf32, #tpu.memory_space<vmem>>) dst(%dma_wait3A_367 : memref<10112x64xf32, #tpu.memory_space<vmem_shared>>)
      %add3A_368 = arith.constant 8 : i32
      %add3A_369 = arith.addi %add3A_361, %add3A_368 : i32
      %dma_start3A_370 = arith.constant 0 : i32
      %dma_start3A_371 = tpu.memref_slice %arg7[%add3A_369, %dma_start3A_370] : memref<80x128xi32, #tpu.memory_space<vmem>> -> memref<1x128xi32, #tpu.memory_space<vmem>>
      %dma_start3A_372 = tpu.memref_squeeze %dma_start3A_371 : memref<1x128xi32, #tpu.memory_space<vmem>> -> memref<128xi32, #tpu.memory_space<vmem>>
      %dma_start3A_373 = arith.constant 0 : i32
      %dma_start3A_374 = arith.constant 0 : i32
      %dma_start3A_375 = tpu.memref_slice %arg2[%dma_start3A_373, %dma_start3A_374] : memref<10112x64xf32, #tpu.memory_space<hbm>> -> memref<10112x64xf32, #tpu.memory_space<hbm>>
      tpu.enqueue_indirect_dma source(%dma_start3A_375 : memref<10112x64xf32, #tpu.memory_space<hbm>>) target(%arg16 : memref<128x64xf32, #tpu.memory_space<vmem>>) offsets(%dma_start3A_372 : memref<128xi32, #tpu.memory_space<vmem>>) semaphore(%arg24 : memref<!tpu.dma_semaphore, #tpu.memory_space<semaphore_mem>>)
    }
    %scan3A_63 = arith.constant 9 : i32
    %dma_wait3A = arith.constant 72 : i32
    %dma_wait3A_64 = arith.constant 0 : i32
    %dma_wait3A_65 = tpu.memref_slice %arg7[%dma_wait3A, %dma_wait3A_64] : memref<80x128xi32, #tpu.memory_space<vmem>> -> memref<1x128xi32, #tpu.memory_space<vmem>>
    %dma_wait3A_66 = tpu.memref_squeeze %dma_wait3A_65 : memref<1x128xi32, #tpu.memory_space<vmem>> -> memref<128xi32, #tpu.memory_space<vmem>>
    %dma_wait3A_67 = arith.constant 0 : i32
    %dma_wait3A_68 = arith.constant 0 : i32
    %dma_wait3A_69 = tpu.memref_slice %arg2[%dma_wait3A_67, %dma_wait3A_68] : memref<10112x64xf32, #tpu.memory_space<hbm>> -> memref<10112x64xf32, #tpu.memory_space<hbm>>
    tpu.wait_indirect_dma semaphore(%arg17 : memref<!tpu.dma_semaphore, #tpu.memory_space<semaphore_mem>>) src(%dma_wait3A_69 : memref<10112x64xf32, #tpu.memory_space<hbm>>) dst(%arg9 : memref<128x64xf32, #tpu.memory_space<vmem>>)
    %run_scoped3A = arith.constant 72 : i32
    "tpu.region"() ({
      %run_scoped3A_131 = tpu.sem_alloc : memref<!tpu.dma_semaphore, #tpu.memory_space<semaphore_mem>>
      %dma_start3A_132 = arith.constant 0 : i32
      %dma_start3A_133 = tpu.memref_slice %arg8[%run_scoped3A, %dma_start3A_132] : memref<80x128xi32, #tpu.memory_space<vmem>> -> memref<1x128xi32, #tpu.memory_space<vmem>>
      %dma_start3A_134 = tpu.memref_squeeze %dma_start3A_133 : memref<1x128xi32, #tpu.memory_space<vmem>> -> memref<128xi32, #tpu.memory_space<vmem>>
      %dma_start3A_135 = arith.constant 0 : i32
      %dma_start3A_136 = arith.constant 0 : i32
      %dma_start3A_137 = tpu.memref_slice %arg33[%dma_start3A_135, %dma_start3A_136] : memref<10112x64xf32, #tpu.memory_space<vmem_shared>> -> memref<10112x64xf32, #tpu.memory_space<vmem_shared>>
      tpu.enqueue_indirect_dma source(%arg9 : memref<128x64xf32, #tpu.memory_space<vmem>>) target(%dma_start3A_137 : memref<10112x64xf32, #tpu.memory_space<vmem_shared>>) offsets(%dma_start3A_134 : memref<128xi32, #tpu.memory_space<vmem>>) semaphore(%run_scoped3A_131 : memref<!tpu.dma_semaphore, #tpu.memory_space<semaphore_mem>>) {add = true}
      %dma_wait3A_138 = arith.constant 0 : i32
      %dma_wait3A_139 = tpu.memref_slice %arg8[%run_scoped3A, %dma_wait3A_138] : memref<80x128xi32, #tpu.memory_space<vmem>> -> memref<1x128xi32, #tpu.memory_space<vmem>>
      %dma_wait3A_140 = tpu.memref_squeeze %dma_wait3A_139 : memref<1x128xi32, #tpu.memory_space<vmem>> -> memref<128xi32, #tpu.memory_space<vmem>>
      %dma_wait3A_141 = arith.constant 0 : i32
      %dma_wait3A_142 = arith.constant 0 : i32
      %dma_wait3A_143 = tpu.memref_slice %arg33[%dma_wait3A_141, %dma_wait3A_142] : memref<10112x64xf32, #tpu.memory_space<vmem_shared>> -> memref<10112x64xf32, #tpu.memory_space<vmem_shared>>
      tpu.wait_indirect_dma semaphore(%run_scoped3A_131 : memref<!tpu.dma_semaphore, #tpu.memory_space<semaphore_mem>>) src(%arg9 : memref<128x64xf32, #tpu.memory_space<vmem>>) dst(%dma_wait3A_143 : memref<10112x64xf32, #tpu.memory_space<vmem_shared>>)
      tpu.yield
    }) : () -> ()
    %dma_wait3A_70 = arith.constant 73 : i32
    %dma_wait3A_71 = arith.constant 0 : i32
    %dma_wait3A_72 = tpu.memref_slice %arg7[%dma_wait3A_70, %dma_wait3A_71] : memref<80x128xi32, #tpu.memory_space<vmem>> -> memref<1x128xi32, #tpu.memory_space<vmem>>
    %dma_wait3A_73 = tpu.memref_squeeze %dma_wait3A_72 : memref<1x128xi32, #tpu.memory_space<vmem>> -> memref<128xi32, #tpu.memory_space<vmem>>
    %dma_wait3A_74 = arith.constant 0 : i32
    %dma_wait3A_75 = arith.constant 0 : i32
    %dma_wait3A_76 = tpu.memref_slice %arg2[%dma_wait3A_74, %dma_wait3A_75] : memref<10112x64xf32, #tpu.memory_space<hbm>> -> memref<10112x64xf32, #tpu.memory_space<hbm>>
    tpu.wait_indirect_dma semaphore(%arg18 : memref<!tpu.dma_semaphore, #tpu.memory_space<semaphore_mem>>) src(%dma_wait3A_76 : memref<10112x64xf32, #tpu.memory_space<hbm>>) dst(%arg10 : memref<128x64xf32, #tpu.memory_space<vmem>>)
    %run_scoped3A_77 = arith.constant 73 : i32
    "tpu.region"() ({
      %run_scoped3A_131 = tpu.sem_alloc : memref<!tpu.dma_semaphore, #tpu.memory_space<semaphore_mem>>
      %dma_start3A_132 = arith.constant 0 : i32
      %dma_start3A_133 = tpu.memref_slice %arg8[%run_scoped3A_77, %dma_start3A_132] : memref<80x128xi32, #tpu.memory_space<vmem>> -> memref<1x128xi32, #tpu.memory_space<vmem>>
      %dma_start3A_134 = tpu.memref_squeeze %dma_start3A_133 : memref<1x128xi32, #tpu.memory_space<vmem>> -> memref<128xi32, #tpu.memory_space<vmem>>
      %dma_start3A_135 = arith.constant 0 : i32
      %dma_start3A_136 = arith.constant 0 : i32
      %dma_start3A_137 = tpu.memref_slice %arg33[%dma_start3A_135, %dma_start3A_136] : memref<10112x64xf32, #tpu.memory_space<vmem_shared>> -> memref<10112x64xf32, #tpu.memory_space<vmem_shared>>
      tpu.enqueue_indirect_dma source(%arg10 : memref<128x64xf32, #tpu.memory_space<vmem>>) target(%dma_start3A_137 : memref<10112x64xf32, #tpu.memory_space<vmem_shared>>) offsets(%dma_start3A_134 : memref<128xi32, #tpu.memory_space<vmem>>) semaphore(%run_scoped3A_131 : memref<!tpu.dma_semaphore, #tpu.memory_space<semaphore_mem>>) {add = true}
      %dma_wait3A_138 = arith.constant 0 : i32
      %dma_wait3A_139 = tpu.memref_slice %arg8[%run_scoped3A_77, %dma_wait3A_138] : memref<80x128xi32, #tpu.memory_space<vmem>> -> memref<1x128xi32, #tpu.memory_space<vmem>>
      %dma_wait3A_140 = tpu.memref_squeeze %dma_wait3A_139 : memref<1x128xi32, #tpu.memory_space<vmem>> -> memref<128xi32, #tpu.memory_space<vmem>>
      %dma_wait3A_141 = arith.constant 0 : i32
      %dma_wait3A_142 = arith.constant 0 : i32
      %dma_wait3A_143 = tpu.memref_slice %arg33[%dma_wait3A_141, %dma_wait3A_142] : memref<10112x64xf32, #tpu.memory_space<vmem_shared>> -> memref<10112x64xf32, #tpu.memory_space<vmem_shared>>
      tpu.wait_indirect_dma semaphore(%run_scoped3A_131 : memref<!tpu.dma_semaphore, #tpu.memory_space<semaphore_mem>>) src(%arg10 : memref<128x64xf32, #tpu.memory_space<vmem>>) dst(%dma_wait3A_143 : memref<10112x64xf32, #tpu.memory_space<vmem_shared>>)
      tpu.yield
    }) : () -> ()
    %dma_wait3A_78 = arith.constant 74 : i32
    %dma_wait3A_79 = arith.constant 0 : i32
    %dma_wait3A_80 = tpu.memref_slice %arg7[%dma_wait3A_78, %dma_wait3A_79] : memref<80x128xi32, #tpu.memory_space<vmem>> -> memref<1x128xi32, #tpu.memory_space<vmem>>
    %dma_wait3A_81 = tpu.memref_squeeze %dma_wait3A_80 : memref<1x128xi32, #tpu.memory_space<vmem>> -> memref<128xi32, #tpu.memory_space<vmem>>
    %dma_wait3A_82 = arith.constant 0 : i32
    %dma_wait3A_83 = arith.constant 0 : i32
    %dma_wait3A_84 = tpu.memref_slice %arg2[%dma_wait3A_82, %dma_wait3A_83] : memref<10112x64xf32, #tpu.memory_space<hbm>> -> memref<10112x64xf32, #tpu.memory_space<hbm>>
    tpu.wait_indirect_dma semaphore(%arg19 : memref<!tpu.dma_semaphore, #tpu.memory_space<semaphore_mem>>) src(%dma_wait3A_84 : memref<10112x64xf32, #tpu.memory_space<hbm>>) dst(%arg11 : memref<128x64xf32, #tpu.memory_space<vmem>>)
    %run_scoped3A_85 = arith.constant 74 : i32
    "tpu.region"() ({
      %run_scoped3A_131 = tpu.sem_alloc : memref<!tpu.dma_semaphore, #tpu.memory_space<semaphore_mem>>
      %dma_start3A_132 = arith.constant 0 : i32
      %dma_start3A_133 = tpu.memref_slice %arg8[%run_scoped3A_85, %dma_start3A_132] : memref<80x128xi32, #tpu.memory_space<vmem>> -> memref<1x128xi32, #tpu.memory_space<vmem>>
      %dma_start3A_134 = tpu.memref_squeeze %dma_start3A_133 : memref<1x128xi32, #tpu.memory_space<vmem>> -> memref<128xi32, #tpu.memory_space<vmem>>
      %dma_start3A_135 = arith.constant 0 : i32
      %dma_start3A_136 = arith.constant 0 : i32
      %dma_start3A_137 = tpu.memref_slice %arg33[%dma_start3A_135, %dma_start3A_136] : memref<10112x64xf32, #tpu.memory_space<vmem_shared>> -> memref<10112x64xf32, #tpu.memory_space<vmem_shared>>
      tpu.enqueue_indirect_dma source(%arg11 : memref<128x64xf32, #tpu.memory_space<vmem>>) target(%dma_start3A_137 : memref<10112x64xf32, #tpu.memory_space<vmem_shared>>) offsets(%dma_start3A_134 : memref<128xi32, #tpu.memory_space<vmem>>) semaphore(%run_scoped3A_131 : memref<!tpu.dma_semaphore, #tpu.memory_space<semaphore_mem>>) {add = true}
      %dma_wait3A_138 = arith.constant 0 : i32
      %dma_wait3A_139 = tpu.memref_slice %arg8[%run_scoped3A_85, %dma_wait3A_138] : memref<80x128xi32, #tpu.memory_space<vmem>> -> memref<1x128xi32, #tpu.memory_space<vmem>>
      %dma_wait3A_140 = tpu.memref_squeeze %dma_wait3A_139 : memref<1x128xi32, #tpu.memory_space<vmem>> -> memref<128xi32, #tpu.memory_space<vmem>>
      %dma_wait3A_141 = arith.constant 0 : i32
      %dma_wait3A_142 = arith.constant 0 : i32
      %dma_wait3A_143 = tpu.memref_slice %arg33[%dma_wait3A_141, %dma_wait3A_142] : memref<10112x64xf32, #tpu.memory_space<vmem_shared>> -> memref<10112x64xf32, #tpu.memory_space<vmem_shared>>
      tpu.wait_indirect_dma semaphore(%run_scoped3A_131 : memref<!tpu.dma_semaphore, #tpu.memory_space<semaphore_mem>>) src(%arg11 : memref<128x64xf32, #tpu.memory_space<vmem>>) dst(%dma_wait3A_143 : memref<10112x64xf32, #tpu.memory_space<vmem_shared>>)
      tpu.yield
    }) : () -> ()
    %dma_wait3A_86 = arith.constant 75 : i32
    %dma_wait3A_87 = arith.constant 0 : i32
    %dma_wait3A_88 = tpu.memref_slice %arg7[%dma_wait3A_86, %dma_wait3A_87] : memref<80x128xi32, #tpu.memory_space<vmem>> -> memref<1x128xi32, #tpu.memory_space<vmem>>
    %dma_wait3A_89 = tpu.memref_squeeze %dma_wait3A_88 : memref<1x128xi32, #tpu.memory_space<vmem>> -> memref<128xi32, #tpu.memory_space<vmem>>
    %dma_wait3A_90 = arith.constant 0 : i32
    %dma_wait3A_91 = arith.constant 0 : i32
    %dma_wait3A_92 = tpu.memref_slice %arg2[%dma_wait3A_90, %dma_wait3A_91] : memref<10112x64xf32, #tpu.memory_space<hbm>> -> memref<10112x64xf32, #tpu.memory_space<hbm>>
    tpu.wait_indirect_dma semaphore(%arg20 : memref<!tpu.dma_semaphore, #tpu.memory_space<semaphore_mem>>) src(%dma_wait3A_92 : memref<10112x64xf32, #tpu.memory_space<hbm>>) dst(%arg12 : memref<128x64xf32, #tpu.memory_space<vmem>>)
    %run_scoped3A_93 = arith.constant 75 : i32
    "tpu.region"() ({
      %run_scoped3A_131 = tpu.sem_alloc : memref<!tpu.dma_semaphore, #tpu.memory_space<semaphore_mem>>
      %dma_start3A_132 = arith.constant 0 : i32
      %dma_start3A_133 = tpu.memref_slice %arg8[%run_scoped3A_93, %dma_start3A_132] : memref<80x128xi32, #tpu.memory_space<vmem>> -> memref<1x128xi32, #tpu.memory_space<vmem>>
      %dma_start3A_134 = tpu.memref_squeeze %dma_start3A_133 : memref<1x128xi32, #tpu.memory_space<vmem>> -> memref<128xi32, #tpu.memory_space<vmem>>
      %dma_start3A_135 = arith.constant 0 : i32
      %dma_start3A_136 = arith.constant 0 : i32
      %dma_start3A_137 = tpu.memref_slice %arg33[%dma_start3A_135, %dma_start3A_136] : memref<10112x64xf32, #tpu.memory_space<vmem_shared>> -> memref<10112x64xf32, #tpu.memory_space<vmem_shared>>
      tpu.enqueue_indirect_dma source(%arg12 : memref<128x64xf32, #tpu.memory_space<vmem>>) target(%dma_start3A_137 : memref<10112x64xf32, #tpu.memory_space<vmem_shared>>) offsets(%dma_start3A_134 : memref<128xi32, #tpu.memory_space<vmem>>) semaphore(%run_scoped3A_131 : memref<!tpu.dma_semaphore, #tpu.memory_space<semaphore_mem>>) {add = true}
      %dma_wait3A_138 = arith.constant 0 : i32
      %dma_wait3A_139 = tpu.memref_slice %arg8[%run_scoped3A_93, %dma_wait3A_138] : memref<80x128xi32, #tpu.memory_space<vmem>> -> memref<1x128xi32, #tpu.memory_space<vmem>>
      %dma_wait3A_140 = tpu.memref_squeeze %dma_wait3A_139 : memref<1x128xi32, #tpu.memory_space<vmem>> -> memref<128xi32, #tpu.memory_space<vmem>>
      %dma_wait3A_141 = arith.constant 0 : i32
      %dma_wait3A_142 = arith.constant 0 : i32
      %dma_wait3A_143 = tpu.memref_slice %arg33[%dma_wait3A_141, %dma_wait3A_142] : memref<10112x64xf32, #tpu.memory_space<vmem_shared>> -> memref<10112x64xf32, #tpu.memory_space<vmem_shared>>
      tpu.wait_indirect_dma semaphore(%run_scoped3A_131 : memref<!tpu.dma_semaphore, #tpu.memory_space<semaphore_mem>>) src(%arg12 : memref<128x64xf32, #tpu.memory_space<vmem>>) dst(%dma_wait3A_143 : memref<10112x64xf32, #tpu.memory_space<vmem_shared>>)
      tpu.yield
    }) : () -> ()
    %dma_wait3A_94 = arith.constant 76 : i32
    %dma_wait3A_95 = arith.constant 0 : i32
    %dma_wait3A_96 = tpu.memref_slice %arg7[%dma_wait3A_94, %dma_wait3A_95] : memref<80x128xi32, #tpu.memory_space<vmem>> -> memref<1x128xi32, #tpu.memory_space<vmem>>
    %dma_wait3A_97 = tpu.memref_squeeze %dma_wait3A_96 : memref<1x128xi32, #tpu.memory_space<vmem>> -> memref<128xi32, #tpu.memory_space<vmem>>
    %dma_wait3A_98 = arith.constant 0 : i32
    %dma_wait3A_99 = arith.constant 0 : i32
    %dma_wait3A_100 = tpu.memref_slice %arg2[%dma_wait3A_98, %dma_wait3A_99] : memref<10112x64xf32, #tpu.memory_space<hbm>> -> memref<10112x64xf32, #tpu.memory_space<hbm>>
    tpu.wait_indirect_dma semaphore(%arg21 : memref<!tpu.dma_semaphore, #tpu.memory_space<semaphore_mem>>) src(%dma_wait3A_100 : memref<10112x64xf32, #tpu.memory_space<hbm>>) dst(%arg13 : memref<128x64xf32, #tpu.memory_space<vmem>>)
    %run_scoped3A_101 = arith.constant 76 : i32
    "tpu.region"() ({
      %run_scoped3A_131 = tpu.sem_alloc : memref<!tpu.dma_semaphore, #tpu.memory_space<semaphore_mem>>
      %dma_start3A_132 = arith.constant 0 : i32
      %dma_start3A_133 = tpu.memref_slice %arg8[%run_scoped3A_101, %dma_start3A_132] : memref<80x128xi32, #tpu.memory_space<vmem>> -> memref<1x128xi32, #tpu.memory_space<vmem>>
      %dma_start3A_134 = tpu.memref_squeeze %dma_start3A_133 : memref<1x128xi32, #tpu.memory_space<vmem>> -> memref<128xi32, #tpu.memory_space<vmem>>
      %dma_start3A_135 = arith.constant 0 : i32
      %dma_start3A_136 = arith.constant 0 : i32
      %dma_start3A_137 = tpu.memref_slice %arg33[%dma_start3A_135, %dma_start3A_136] : memref<10112x64xf32, #tpu.memory_space<vmem_shared>> -> memref<10112x64xf32, #tpu.memory_space<vmem_shared>>
      tpu.enqueue_indirect_dma source(%arg13 : memref<128x64xf32, #tpu.memory_space<vmem>>) target(%dma_start3A_137 : memref<10112x64xf32, #tpu.memory_space<vmem_shared>>) offsets(%dma_start3A_134 : memref<128xi32, #tpu.memory_space<vmem>>) semaphore(%run_scoped3A_131 : memref<!tpu.dma_semaphore, #tpu.memory_space<semaphore_mem>>) {add = true}
      %dma_wait3A_138 = arith.constant 0 : i32
      %dma_wait3A_139 = tpu.memref_slice %arg8[%run_scoped3A_101, %dma_wait3A_138] : memref<80x128xi32, #tpu.memory_space<vmem>> -> memref<1x128xi32, #tpu.memory_space<vmem>>
      %dma_wait3A_140 = tpu.memref_squeeze %dma_wait3A_139 : memref<1x128xi32, #tpu.memory_space<vmem>> -> memref<128xi32, #tpu.memory_space<vmem>>
      %dma_wait3A_141 = arith.constant 0 : i32
      %dma_wait3A_142 = arith.constant 0 : i32
      %dma_wait3A_143 = tpu.memref_slice %arg33[%dma_wait3A_141, %dma_wait3A_142] : memref<10112x64xf32, #tpu.memory_space<vmem_shared>> -> memref<10112x64xf32, #tpu.memory_space<vmem_shared>>
      tpu.wait_indirect_dma semaphore(%run_scoped3A_131 : memref<!tpu.dma_semaphore, #tpu.memory_space<semaphore_mem>>) src(%arg13 : memref<128x64xf32, #tpu.memory_space<vmem>>) dst(%dma_wait3A_143 : memref<10112x64xf32, #tpu.memory_space<vmem_shared>>)
      tpu.yield
    }) : () -> ()
    %dma_wait3A_102 = arith.constant 77 : i32
    %dma_wait3A_103 = arith.constant 0 : i32
    %dma_wait3A_104 = tpu.memref_slice %arg7[%dma_wait3A_102, %dma_wait3A_103] : memref<80x128xi32, #tpu.memory_space<vmem>> -> memref<1x128xi32, #tpu.memory_space<vmem>>
    %dma_wait3A_105 = tpu.memref_squeeze %dma_wait3A_104 : memref<1x128xi32, #tpu.memory_space<vmem>> -> memref<128xi32, #tpu.memory_space<vmem>>
    %dma_wait3A_106 = arith.constant 0 : i32
    %dma_wait3A_107 = arith.constant 0 : i32
    %dma_wait3A_108 = tpu.memref_slice %arg2[%dma_wait3A_106, %dma_wait3A_107] : memref<10112x64xf32, #tpu.memory_space<hbm>> -> memref<10112x64xf32, #tpu.memory_space<hbm>>
    tpu.wait_indirect_dma semaphore(%arg22 : memref<!tpu.dma_semaphore, #tpu.memory_space<semaphore_mem>>) src(%dma_wait3A_108 : memref<10112x64xf32, #tpu.memory_space<hbm>>) dst(%arg14 : memref<128x64xf32, #tpu.memory_space<vmem>>)
    %run_scoped3A_109 = arith.constant 77 : i32
    "tpu.region"() ({
      %run_scoped3A_131 = tpu.sem_alloc : memref<!tpu.dma_semaphore, #tpu.memory_space<semaphore_mem>>
      %dma_start3A_132 = arith.constant 0 : i32
      %dma_start3A_133 = tpu.memref_slice %arg8[%run_scoped3A_109, %dma_start3A_132] : memref<80x128xi32, #tpu.memory_space<vmem>> -> memref<1x128xi32, #tpu.memory_space<vmem>>
      %dma_start3A_134 = tpu.memref_squeeze %dma_start3A_133 : memref<1x128xi32, #tpu.memory_space<vmem>> -> memref<128xi32, #tpu.memory_space<vmem>>
      %dma_start3A_135 = arith.constant 0 : i32
      %dma_start3A_136 = arith.constant 0 : i32
      %dma_start3A_137 = tpu.memref_slice %arg33[%dma_start3A_135, %dma_start3A_136] : memref<10112x64xf32, #tpu.memory_space<vmem_shared>> -> memref<10112x64xf32, #tpu.memory_space<vmem_shared>>
      tpu.enqueue_indirect_dma source(%arg14 : memref<128x64xf32, #tpu.memory_space<vmem>>) target(%dma_start3A_137 : memref<10112x64xf32, #tpu.memory_space<vmem_shared>>) offsets(%dma_start3A_134 : memref<128xi32, #tpu.memory_space<vmem>>) semaphore(%run_scoped3A_131 : memref<!tpu.dma_semaphore, #tpu.memory_space<semaphore_mem>>) {add = true}
      %dma_wait3A_138 = arith.constant 0 : i32
      %dma_wait3A_139 = tpu.memref_slice %arg8[%run_scoped3A_109, %dma_wait3A_138] : memref<80x128xi32, #tpu.memory_space<vmem>> -> memref<1x128xi32, #tpu.memory_space<vmem>>
      %dma_wait3A_140 = tpu.memref_squeeze %dma_wait3A_139 : memref<1x128xi32, #tpu.memory_space<vmem>> -> memref<128xi32, #tpu.memory_space<vmem>>
      %dma_wait3A_141 = arith.constant 0 : i32
      %dma_wait3A_142 = arith.constant 0 : i32
      %dma_wait3A_143 = tpu.memref_slice %arg33[%dma_wait3A_141, %dma_wait3A_142] : memref<10112x64xf32, #tpu.memory_space<vmem_shared>> -> memref<10112x64xf32, #tpu.memory_space<vmem_shared>>
      tpu.wait_indirect_dma semaphore(%run_scoped3A_131 : memref<!tpu.dma_semaphore, #tpu.memory_space<semaphore_mem>>) src(%arg14 : memref<128x64xf32, #tpu.memory_space<vmem>>) dst(%dma_wait3A_143 : memref<10112x64xf32, #tpu.memory_space<vmem_shared>>)
      tpu.yield
    }) : () -> ()
    %dma_wait3A_110 = arith.constant 78 : i32
    %dma_wait3A_111 = arith.constant 0 : i32
    %dma_wait3A_112 = tpu.memref_slice %arg7[%dma_wait3A_110, %dma_wait3A_111] : memref<80x128xi32, #tpu.memory_space<vmem>> -> memref<1x128xi32, #tpu.memory_space<vmem>>
    %dma_wait3A_113 = tpu.memref_squeeze %dma_wait3A_112 : memref<1x128xi32, #tpu.memory_space<vmem>> -> memref<128xi32, #tpu.memory_space<vmem>>
    %dma_wait3A_114 = arith.constant 0 : i32
    %dma_wait3A_115 = arith.constant 0 : i32
    %dma_wait3A_116 = tpu.memref_slice %arg2[%dma_wait3A_114, %dma_wait3A_115] : memref<10112x64xf32, #tpu.memory_space<hbm>> -> memref<10112x64xf32, #tpu.memory_space<hbm>>
    tpu.wait_indirect_dma semaphore(%arg23 : memref<!tpu.dma_semaphore, #tpu.memory_space<semaphore_mem>>) src(%dma_wait3A_116 : memref<10112x64xf32, #tpu.memory_space<hbm>>) dst(%arg15 : memref<128x64xf32, #tpu.memory_space<vmem>>)
    %run_scoped3A_117 = arith.constant 78 : i32
    "tpu.region"() ({
      %run_scoped3A_131 = tpu.sem_alloc : memref<!tpu.dma_semaphore, #tpu.memory_space<semaphore_mem>>
      %dma_start3A_132 = arith.constant 0 : i32
      %dma_start3A_133 = tpu.memref_slice %arg8[%run_scoped3A_117, %dma_start3A_132] : memref<80x128xi32, #tpu.memory_space<vmem>> -> memref<1x128xi32, #tpu.memory_space<vmem>>
      %dma_start3A_134 = tpu.memref_squeeze %dma_start3A_133 : memref<1x128xi32, #tpu.memory_space<vmem>> -> memref<128xi32, #tpu.memory_space<vmem>>
      %dma_start3A_135 = arith.constant 0 : i32
      %dma_start3A_136 = arith.constant 0 : i32
      %dma_start3A_137 = tpu.memref_slice %arg33[%dma_start3A_135, %dma_start3A_136] : memref<10112x64xf32, #tpu.memory_space<vmem_shared>> -> memref<10112x64xf32, #tpu.memory_space<vmem_shared>>
      tpu.enqueue_indirect_dma source(%arg15 : memref<128x64xf32, #tpu.memory_space<vmem>>) target(%dma_start3A_137 : memref<10112x64xf32, #tpu.memory_space<vmem_shared>>) offsets(%dma_start3A_134 : memref<128xi32, #tpu.memory_space<vmem>>) semaphore(%run_scoped3A_131 : memref<!tpu.dma_semaphore, #tpu.memory_space<semaphore_mem>>) {add = true}
      %dma_wait3A_138 = arith.constant 0 : i32
      %dma_wait3A_139 = tpu.memref_slice %arg8[%run_scoped3A_117, %dma_wait3A_138] : memref<80x128xi32, #tpu.memory_space<vmem>> -> memref<1x128xi32, #tpu.memory_space<vmem>>
      %dma_wait3A_140 = tpu.memref_squeeze %dma_wait3A_139 : memref<1x128xi32, #tpu.memory_space<vmem>> -> memref<128xi32, #tpu.memory_space<vmem>>
      %dma_wait3A_141 = arith.constant 0 : i32
      %dma_wait3A_142 = arith.constant 0 : i32
      %dma_wait3A_143 = tpu.memref_slice %arg33[%dma_wait3A_141, %dma_wait3A_142] : memref<10112x64xf32, #tpu.memory_space<vmem_shared>> -> memref<10112x64xf32, #tpu.memory_space<vmem_shared>>
      tpu.wait_indirect_dma semaphore(%run_scoped3A_131 : memref<!tpu.dma_semaphore, #tpu.memory_space<semaphore_mem>>) src(%arg15 : memref<128x64xf32, #tpu.memory_space<vmem>>) dst(%dma_wait3A_143 : memref<10112x64xf32, #tpu.memory_space<vmem_shared>>)
      tpu.yield
    }) : () -> ()
    %dma_wait3A_118 = arith.constant 79 : i32
    %dma_wait3A_119 = arith.constant 0 : i32
    %dma_wait3A_120 = tpu.memref_slice %arg7[%dma_wait3A_118, %dma_wait3A_119] : memref<80x128xi32, #tpu.memory_space<vmem>> -> memref<1x128xi32, #tpu.memory_space<vmem>>
    %dma_wait3A_121 = tpu.memref_squeeze %dma_wait3A_120 : memref<1x128xi32, #tpu.memory_space<vmem>> -> memref<128xi32, #tpu.memory_space<vmem>>
    %dma_wait3A_122 = arith.constant 0 : i32
    %dma_wait3A_123 = arith.constant 0 : i32
    %dma_wait3A_124 = tpu.memref_slice %arg2[%dma_wait3A_122, %dma_wait3A_123] : memref<10112x64xf32, #tpu.memory_space<hbm>> -> memref<10112x64xf32, #tpu.memory_space<hbm>>
    tpu.wait_indirect_dma semaphore(%arg24 : memref<!tpu.dma_semaphore, #tpu.memory_space<semaphore_mem>>) src(%dma_wait3A_124 : memref<10112x64xf32, #tpu.memory_space<hbm>>) dst(%arg16 : memref<128x64xf32, #tpu.memory_space<vmem>>)
    %run_scoped3A_125 = arith.constant 79 : i32
    "tpu.region"() ({
      %run_scoped3A_131 = tpu.sem_alloc : memref<!tpu.dma_semaphore, #tpu.memory_space<semaphore_mem>>
      %dma_start3A_132 = arith.constant 0 : i32
      %dma_start3A_133 = tpu.memref_slice %arg8[%run_scoped3A_125, %dma_start3A_132] : memref<80x128xi32, #tpu.memory_space<vmem>> -> memref<1x128xi32, #tpu.memory_space<vmem>>
      %dma_start3A_134 = tpu.memref_squeeze %dma_start3A_133 : memref<1x128xi32, #tpu.memory_space<vmem>> -> memref<128xi32, #tpu.memory_space<vmem>>
      %dma_start3A_135 = arith.constant 0 : i32
      %dma_start3A_136 = arith.constant 0 : i32
      %dma_start3A_137 = tpu.memref_slice %arg33[%dma_start3A_135, %dma_start3A_136] : memref<10112x64xf32, #tpu.memory_space<vmem_shared>> -> memref<10112x64xf32, #tpu.memory_space<vmem_shared>>
      tpu.enqueue_indirect_dma source(%arg16 : memref<128x64xf32, #tpu.memory_space<vmem>>) target(%dma_start3A_137 : memref<10112x64xf32, #tpu.memory_space<vmem_shared>>) offsets(%dma_start3A_134 : memref<128xi32, #tpu.memory_space<vmem>>) semaphore(%run_scoped3A_131 : memref<!tpu.dma_semaphore, #tpu.memory_space<semaphore_mem>>) {add = true}
      %dma_wait3A_138 = arith.constant 0 : i32
      %dma_wait3A_139 = tpu.memref_slice %arg8[%run_scoped3A_125, %dma_wait3A_138] : memref<80x128xi32, #tpu.memory_space<vmem>> -> memref<1x128xi32, #tpu.memory_space<vmem>>
      %dma_wait3A_140 = tpu.memref_squeeze %dma_wait3A_139 : memref<1x128xi32, #tpu.memory_space<vmem>> -> memref<128xi32, #tpu.memory_space<vmem>>
      %dma_wait3A_141 = arith.constant 0 : i32
      %dma_wait3A_142 = arith.constant 0 : i32
      %dma_wait3A_143 = tpu.memref_slice %arg33[%dma_wait3A_141, %dma_wait3A_142] : memref<10112x64xf32, #tpu.memory_space<vmem_shared>> -> memref<10112x64xf32, #tpu.memory_space<vmem_shared>>
      tpu.wait_indirect_dma semaphore(%run_scoped3A_131 : memref<!tpu.dma_semaphore, #tpu.memory_space<semaphore_mem>>) src(%arg16 : memref<128x64xf32, #tpu.memory_space<vmem>>) dst(%dma_wait3A_143 : memref<10112x64xf32, #tpu.memory_space<vmem_shared>>)
      tpu.yield
    }) : () -> ()
    %barrier3A_126 = arith.constant 0 : index
    tpu.barrier barrier_id(%barrier3A_126)
    %mul3A_127 = arith.constant 632 : i32
    %mul3A_128 = arith.muli %arg1, %mul3A_127 : i32
    %mul3A_129 = arith.constant 632 : i32
    %mul3A_130 = arith.muli %arg1, %mul3A_129 : i32
    "tpu.region"() ({
      %run_scoped3A_131 = tpu.sem_alloc : memref<!tpu.dma_semaphore, #tpu.memory_space<semaphore_mem>>
      %dma_start3A_132 = arith.constant 0 : i32
      %dma_start3A_133 = tpu.memref_slice %arg6[%arg0, %mul3A_130, %dma_start3A_132] : memref<2x10112x64xf32, #tpu.memory_space<hbm>> -> memref<1x632x64xf32, #tpu.memory_space<hbm>>
      %dma_start3A_134 = tpu.memref_squeeze %dma_start3A_133 : memref<1x632x64xf32, #tpu.memory_space<hbm>> -> memref<632x64xf32, #tpu.memory_space<hbm>>
      %dma_start3A_135 = arith.constant 0 : i32
      %dma_start3A_136 = tpu.memref_slice %arg33[%mul3A_128, %dma_start3A_135] : memref<10112x64xf32, #tpu.memory_space<vmem_shared>> -> memref<632x64xf32, #tpu.memory_space<vmem_shared>>
      tpu.enqueue_dma source(%dma_start3A_136 : memref<632x64xf32, #tpu.memory_space<vmem_shared>>) target(%dma_start3A_134 : memref<632x64xf32, #tpu.memory_space<hbm>>) target_semaphore(%run_scoped3A_131 : memref<!tpu.dma_semaphore, #tpu.memory_space<semaphore_mem>>)
      %dma_wait3A_137 = arith.constant 0 : i32
      %dma_wait3A_138 = tpu.memref_slice %arg6[%arg0, %mul3A_130, %dma_wait3A_137] : memref<2x10112x64xf32, #tpu.memory_space<hbm>> -> memref<1x632x64xf32, #tpu.memory_space<hbm>>
      %dma_wait3A_139 = tpu.memref_squeeze %dma_wait3A_138 : memref<1x632x64xf32, #tpu.memory_space<hbm>> -> memref<632x64xf32, #tpu.memory_space<hbm>>
      %dma_wait3A_140 = arith.constant 0 : i32
      %dma_wait3A_141 = tpu.memref_slice %arg33[%mul3A_128, %dma_wait3A_140] : memref<10112x64xf32, #tpu.memory_space<vmem_shared>> -> memref<632x64xf32, #tpu.memory_space<vmem_shared>>
      tpu.wait_dma2 semaphore(%run_scoped3A_131 : memref<!tpu.dma_semaphore, #tpu.memory_space<semaphore_mem>>) src(%dma_wait3A_141 : memref<632x64xf32, #tpu.memory_space<vmem_shared>>) dst(%dma_wait3A_139 : memref<632x64xf32, #tpu.memory_space<hbm>>)
      tpu.yield
    }) : () -> ()
    return
  }
}

module attributes {stable_mosaic.version = 14 : i64} {
  func.func @_tc1_body(%arg0: memref<10112x128xf32, #tpu.memory_space<vmem>>, %arg1: memref<128x64xf32, #tpu.memory_space<vmem>>, %arg2: memref<10112x64xf32, #tpu.memory_space<vmem>>) attributes {dimension_semantics = [], scalar_prefetch = 0 : i64, scratch_operands = 0 : i64, tpu.core_type = #tpu.core_type<tc>} {
    %get3A = arith.constant 0 : index
    %get3A_0 = arith.constant 0 : index
    %get3A_1 = vector.load %arg0[%get3A, %get3A_0] : memref<10112x128xf32, #tpu.memory_space<vmem>>, vector<10112x128xf32>
    %get3A_2 = arith.constant 0 : index
    %get3A_3 = arith.constant 0 : index
    %get3A_4 = vector.load %arg1[%get3A_2, %get3A_3] : memref<128x64xf32, #tpu.memory_space<vmem>>, vector<128x64xf32>
    %dot_general3A = arith.constant dense<0.000000e+00> : vector<10112x64xf32>
    %dot_general3A_5 = tpu.matmul %get3A_1, %get3A_4, %dot_general3A {dimension_numbers = #tpu.dot_dimension_numbers<[1], [0], [0], [1], [0, 0, 1, 1], [], []>, transpose_lhs_hint = false} : vector<10112x128xf32>, vector<128x64xf32>, vector<10112x64xf32> -> vector<10112x64xf32>
    %swap3A = arith.constant 0 : index
    %swap3A_6 = arith.constant 0 : index
    %swap3A_7 = vector.load %arg2[%swap3A, %swap3A_6] : memref<10112x64xf32, #tpu.memory_space<vmem>>, vector<10112x64xf32>
    tpu.vector_store %arg2[%swap3A, %swap3A_6], %dot_general3A_5 {strides = array<i32>} : memref<10112x64xf32, #tpu.memory_space<vmem>>, vector<10112x64xf32>,
    return
  }
}

module attributes {stable_mosaic.version = 14 : i64} {
  func.func @_tc2_body(%arg0: memref<10112x64xf32, #tpu.memory_space<vmem>>, %arg1: memref<10112x64xf32, #tpu.memory_space<vmem>>, %arg2: memref<10112x64xf32, #tpu.memory_space<vmem>>, %arg3: memref<1x64xf32, #tpu.memory_space<vmem>>, %arg4: memref<1x64xf32, #tpu.memory_space<vmem>>, %arg5: memref<1x64xf32, #tpu.memory_space<vmem>>, %arg6: memref<64x64xf32, #tpu.memory_space<vmem>>, %arg7: memref<1x64xf32, #tpu.memory_space<vmem>>, %arg8: memref<64x64xf32, #tpu.memory_space<vmem>>, %arg9: memref<10112x64xf32, #tpu.memory_space<vmem>>) attributes {dimension_semantics = [], scalar_prefetch = 0 : i64, scratch_operands = 0 : i64, tpu.core_type = #tpu.core_type<tc>} {
    %get3A = arith.constant 0 : index
    %get3A_0 = arith.constant 0 : index
    %get3A_1 = vector.load %arg0[%get3A, %get3A_0] : memref<10112x64xf32, #tpu.memory_space<vmem>>, vector<10112x64xf32>
    %get3A_2 = arith.constant 0 : index
    %get3A_3 = arith.constant 0 : index
    %get3A_4 = vector.load %arg1[%get3A_2, %get3A_3] : memref<10112x64xf32, #tpu.memory_space<vmem>>, vector<10112x64xf32>
    %add3A = arith.addf %get3A_1, %get3A_4 : vector<10112x64xf32>
    %get3A_5 = arith.constant 0 : index
    %get3A_6 = arith.constant 0 : index
    %get3A_7 = vector.load %arg2[%get3A_5, %get3A_6] : memref<10112x64xf32, #tpu.memory_space<vmem>>, vector<10112x64xf32>
    %add3A_8 = arith.addf %add3A, %get3A_7 : vector<10112x64xf32>
    %get3A_9 = arith.constant 0 : index
    %get3A_10 = arith.constant 0 : index
    %get3A_11 = vector.load %arg3[%get3A_9, %get3A_10] : memref<1x64xf32, #tpu.memory_space<vmem>>, vector<1x64xf32>
    %add3A_12 = vector.broadcast %get3A_11 : vector<1x64xf32> to vector<10112x64xf32>
    %add3A_13 = arith.addf %add3A_8, %add3A_12 : vector<10112x64xf32>
    %get3A_14 = arith.constant 0 : index
    %get3A_15 = arith.constant 0 : index
    %get3A_16 = vector.load %arg4[%get3A_14, %get3A_15] : memref<1x64xf32, #tpu.memory_space<vmem>>, vector<1x64xf32>
    %mul3A = vector.broadcast %get3A_16 : vector<1x64xf32> to vector<10112x64xf32>
    %mul3A_17 = arith.mulf %add3A_13, %mul3A : vector<10112x64xf32>
    %get3A_18 = arith.constant 0 : index
    %get3A_19 = arith.constant 0 : index
    %get3A_20 = vector.load %arg5[%get3A_18, %get3A_19] : memref<1x64xf32, #tpu.memory_space<vmem>>, vector<1x64xf32>
    %add3A_21 = vector.broadcast %get3A_20 : vector<1x64xf32> to vector<10112x64xf32>
    %add3A_22 = arith.addf %mul3A_17, %add3A_21 : vector<10112x64xf32>
    %max3A = arith.constant 0.000000e+00 : f32
    %max3A_23 = vector.broadcast %max3A : f32 to vector<10112x64xf32>
    %max3A_24 = arith.maximumf %add3A_22, %max3A_23 : vector<10112x64xf32>
    %get3A_25 = arith.constant 0 : index
    %get3A_26 = arith.constant 0 : index
    %get3A_27 = vector.load %arg6[%get3A_25, %get3A_26] : memref<64x64xf32, #tpu.memory_space<vmem>>, vector<64x64xf32>
    %dot_general3A = arith.constant dense<0.000000e+00> : vector<10112x64xf32>
    %dot_general3A_28 = tpu.matmul %max3A_24, %get3A_27, %dot_general3A {dimension_numbers = #tpu.dot_dimension_numbers<[1], [0], [0], [1], [0, 0, 1, 1], [], []>, transpose_lhs_hint = false} : vector<10112x64xf32>, vector<64x64xf32>, vector<10112x64xf32> -> vector<10112x64xf32>
    %get3A_29 = arith.constant 0 : index
    %get3A_30 = arith.constant 0 : index
    %get3A_31 = vector.load %arg7[%get3A_29, %get3A_30] : memref<1x64xf32, #tpu.memory_space<vmem>>, vector<1x64xf32>
    %add3A_32 = vector.broadcast %get3A_31 : vector<1x64xf32> to vector<10112x64xf32>
    %add3A_33 = arith.addf %dot_general3A_28, %add3A_32 : vector<10112x64xf32>
    %max3A_34 = arith.constant 0.000000e+00 : f32
    %max3A_35 = vector.broadcast %max3A_34 : f32 to vector<10112x64xf32>
    %max3A_36 = arith.maximumf %add3A_33, %max3A_35 : vector<10112x64xf32>
    %get3A_37 = arith.constant 0 : index
    %get3A_38 = arith.constant 0 : index
    %get3A_39 = vector.load %arg8[%get3A_37, %get3A_38] : memref<64x64xf32, #tpu.memory_space<vmem>>, vector<64x64xf32>
    %dot_general3A_40 = arith.constant dense<0.000000e+00> : vector<10112x64xf32>
    %dot_general3A_41 = tpu.matmul %max3A_36, %get3A_39, %dot_general3A_40 {dimension_numbers = #tpu.dot_dimension_numbers<[1], [0], [0], [1], [0, 0, 1, 1], [], []>, transpose_lhs_hint = false} : vector<10112x64xf32>, vector<64x64xf32>, vector<10112x64xf32> -> vector<10112x64xf32>
    %swap3A = arith.constant 0 : index
    %swap3A_42 = arith.constant 0 : index
    %swap3A_43 = vector.load %arg9[%swap3A, %swap3A_42] : memref<10112x64xf32, #tpu.memory_space<vmem>>, vector<10112x64xf32>
    tpu.vector_store %arg9[%swap3A, %swap3A_42], %dot_general3A_41 {strides = array<i32>} : memref<10112x64xf32, #tpu.memory_space<vmem>>, vector<10112x64xf32>,
    return
  }
}

module attributes {stable_mosaic.version = 14 : i64} {
  func.func @_tc3_body(%arg0: memref<10112x64xf32, #tpu.memory_space<vmem>>, %arg1: memref<10112x64xf32, #tpu.memory_space<vmem>>, %arg2: memref<10112x64xf32, #tpu.memory_space<vmem>>, %arg3: memref<1x64xf32, #tpu.memory_space<vmem>>, %arg4: memref<1x64xf32, #tpu.memory_space<vmem>>, %arg5: memref<1x64xf32, #tpu.memory_space<vmem>>, %arg6: memref<64x64xf32, #tpu.memory_space<vmem>>, %arg7: memref<1x64xf32, #tpu.memory_space<vmem>>, %arg8: memref<1x10112xi32, #tpu.memory_space<vmem>>, %arg9: memref<64x10xf32, #tpu.memory_space<vmem>>, %arg10: memref<1x10xf32, #tpu.memory_space<vmem>>, %arg11: memref<128x10xf32, #tpu.memory_space<vmem>>) attributes {dimension_semantics = [], scalar_prefetch = 0 : i64, scratch_operands = 0 : i64, tpu.core_type = #tpu.core_type<tc>} {
    %get3A = arith.constant 0 : index
    %get3A_0 = arith.constant 0 : index
    %get3A_1 = vector.load %arg0[%get3A, %get3A_0] : memref<10112x64xf32, #tpu.memory_space<vmem>>, vector<10112x64xf32>
    %get3A_2 = arith.constant 0 : index
    %get3A_3 = arith.constant 0 : index
    %get3A_4 = vector.load %arg1[%get3A_2, %get3A_3] : memref<10112x64xf32, #tpu.memory_space<vmem>>, vector<10112x64xf32>
    %add3A = arith.addf %get3A_1, %get3A_4 : vector<10112x64xf32>
    %get3A_5 = arith.constant 0 : index
    %get3A_6 = arith.constant 0 : index
    %get3A_7 = vector.load %arg2[%get3A_5, %get3A_6] : memref<10112x64xf32, #tpu.memory_space<vmem>>, vector<10112x64xf32>
    %add3A_8 = arith.addf %add3A, %get3A_7 : vector<10112x64xf32>
    %get3A_9 = arith.constant 0 : index
    %get3A_10 = arith.constant 0 : index
    %get3A_11 = vector.load %arg3[%get3A_9, %get3A_10] : memref<1x64xf32, #tpu.memory_space<vmem>>, vector<1x64xf32>
    %add3A_12 = vector.broadcast %get3A_11 : vector<1x64xf32> to vector<10112x64xf32>
    %add3A_13 = arith.addf %add3A_8, %add3A_12 : vector<10112x64xf32>
    %get3A_14 = arith.constant 0 : index
    %get3A_15 = arith.constant 0 : index
    %get3A_16 = vector.load %arg4[%get3A_14, %get3A_15] : memref<1x64xf32, #tpu.memory_space<vmem>>, vector<1x64xf32>
    %mul3A = vector.broadcast %get3A_16 : vector<1x64xf32> to vector<10112x64xf32>
    %mul3A_17 = arith.mulf %add3A_13, %mul3A : vector<10112x64xf32>
    %get3A_18 = arith.constant 0 : index
    %get3A_19 = arith.constant 0 : index
    %get3A_20 = vector.load %arg5[%get3A_18, %get3A_19] : memref<1x64xf32, #tpu.memory_space<vmem>>, vector<1x64xf32>
    %add3A_21 = vector.broadcast %get3A_20 : vector<1x64xf32> to vector<10112x64xf32>
    %add3A_22 = arith.addf %mul3A_17, %add3A_21 : vector<10112x64xf32>
    %max3A = arith.constant 0.000000e+00 : f32
    %max3A_23 = vector.broadcast %max3A : f32 to vector<10112x64xf32>
    %max3A_24 = arith.maximumf %add3A_22, %max3A_23 : vector<10112x64xf32>
    %get3A_25 = arith.constant 0 : index
    %get3A_26 = arith.constant 0 : index
    %get3A_27 = vector.load %arg6[%get3A_25, %get3A_26] : memref<64x64xf32, #tpu.memory_space<vmem>>, vector<64x64xf32>
    %dot_general3A = arith.constant dense<0.000000e+00> : vector<10112x64xf32>
    %dot_general3A_28 = tpu.matmul %max3A_24, %get3A_27, %dot_general3A {dimension_numbers = #tpu.dot_dimension_numbers<[1], [0], [0], [1], [0, 0, 1, 1], [], []>, transpose_lhs_hint = false} : vector<10112x64xf32>, vector<64x64xf32>, vector<10112x64xf32> -> vector<10112x64xf32>
    %get3A_29 = arith.constant 0 : index
    %get3A_30 = arith.constant 0 : index
    %get3A_31 = vector.load %arg7[%get3A_29, %get3A_30] : memref<1x64xf32, #tpu.memory_space<vmem>>, vector<1x64xf32>
    %add3A_32 = vector.broadcast %get3A_31 : vector<1x64xf32> to vector<10112x64xf32>
    %add3A_33 = arith.addf %dot_general3A_28, %add3A_32 : vector<10112x64xf32>
    %iota3A = tpu.iota {dimensions = array<i32: 0>} : vector<128x10112xi32>
    %get3A_34 = arith.constant 0 : index
    %get3A_35 = arith.constant 0 : index
    %get3A_36 = vector.load %arg8[%get3A_34, %get3A_35] : memref<1x10112xi32, #tpu.memory_space<vmem>>, vector<1x10112xi32>
    %eq3A = vector.broadcast %get3A_36 : vector<1x10112xi32> to vector<128x10112xi32>
    %eq3A_37 = arith.cmpi eq, %iota3A, %eq3A : vector<128x10112xi32>
    %convert_element_type3A = arith.extui %eq3A_37 : vector<128x10112xi1> to vector<128x10112xi32>
    %convert_element_type3A_38 = arith.sitofp %convert_element_type3A : vector<128x10112xi32> to vector<128x10112xf32>
    %dot_general3A_39 = arith.constant dense<0.000000e+00> : vector<128x64xf32>
    %dot_general3A_40 = tpu.matmul %convert_element_type3A_38, %add3A_33, %dot_general3A_39 {dimension_numbers = #tpu.dot_dimension_numbers<[1], [0], [0], [1], [0, 0, 1, 1], [], []>, transpose_lhs_hint = false} : vector<128x10112xf32>, vector<10112x64xf32>, vector<128x64xf32> -> vector<128x64xf32>
    %reduce_sum3A = arith.constant dense<0.000000e+00> : vector<128xf32>
    %reduce_sum3A_41 = vector.multi_reduction <add>, %convert_element_type3A_38, %reduce_sum3A [1] : vector<128x10112xf32> to vector<128xf32>
    %broadcast_in_dim3A = vector.shape_cast %reduce_sum3A_41 : vector<128xf32> to vector<128x1xf32>
    %max3A_42 = arith.constant 1.000000e+00 : f32
    %max3A_43 = vector.broadcast %max3A_42 : f32 to vector<128x1xf32>
    %max3A_44 = arith.maximumf %broadcast_in_dim3A, %max3A_43 : vector<128x1xf32>
    %div3A = vector.broadcast %max3A_44 : vector<128x1xf32> to vector<128x64xf32>
    %div3A_45 = arith.divf %dot_general3A_40, %div3A : vector<128x64xf32>
    %get3A_46 = arith.constant 0 : index
    %get3A_47 = arith.constant 0 : index
    %get3A_48 = vector.load %arg9[%get3A_46, %get3A_47] : memref<64x10xf32, #tpu.memory_space<vmem>>, vector<64x10xf32>
    %dot_general3A_49 = arith.constant dense<0.000000e+00> : vector<128x10xf32>
    %dot_general3A_50 = tpu.matmul %div3A_45, %get3A_48, %dot_general3A_49 {dimension_numbers = #tpu.dot_dimension_numbers<[1], [0], [0], [1], [0, 0, 1, 1], [], []>, transpose_lhs_hint = false} : vector<128x64xf32>, vector<64x10xf32>, vector<128x10xf32> -> vector<128x10xf32>
    %get3A_51 = arith.constant 0 : index
    %get3A_52 = arith.constant 0 : index
    %get3A_53 = vector.load %arg10[%get3A_51, %get3A_52] : memref<1x10xf32, #tpu.memory_space<vmem>>, vector<1x10xf32>
    %add3A_54 = vector.broadcast %get3A_53 : vector<1x10xf32> to vector<128x10xf32>
    %add3A_55 = arith.addf %dot_general3A_50, %add3A_54 : vector<128x10xf32>
    %swap3A = arith.constant 0 : index
    %swap3A_56 = arith.constant 0 : index
    %swap3A_57 = vector.load %arg11[%swap3A, %swap3A_56] : memref<128x10xf32, #tpu.memory_space<vmem>>, vector<128x10xf32>
    tpu.vector_store %arg11[%swap3A, %swap3A_56], %add3A_55 {strides = array<i32>} : memref<128x10xf32, #tpu.memory_space<vmem>>, vector<128x10xf32>,
    return
  }
}

</mosaic_0001>

<sc_bundles>
// kernel: kernel.10.cloned.1.call-start
scs
__scs_entry_jumppad:
0x0: {  	(pc) =	sbr.rel $0x88, $3  }
0x1: {  	(tag) =	ssettag $0x0;
	lr =	simm.s32 $0x1  }
0x2: {  	[smem:$0x3F8C] =	sst lr;
	_ =	strace $0xD0000000  }
0x3: {  	_ = 	snop  }
0x4: {  	_ = 	snop  }
0x5: {  	_ = 	snop  }
0x6: {  	_ = 	snop  }
0x7: {  	_ = 	snop  }
__scs_overlays_trampoline_lowered:
0x8: {  	[smem:$0x3F9B] =	sst s0  }
0x9: {  	[smem:$0x3F9C] =	sst s1  }
0xa: {  	[smem:$0x3F9D] =	sst s2  }
0xb: {  	[smem:$0x3F9E] =	sst s3  }
0xc: {  	[smem:$0x3F9F] =	sst s4  }
0xd: {  	[smem:$0x3FA0] =	sst s5  }
0xe: {  	[smem:$0x3FA1] =	sst s6  }
0xf: {  	[smem:$0x3FA2] =	sst s7  }
0x10: {  	[smem:$0x3FA3] =	sst s8  }
0x11: {  	[smem:$0x3FA4] =	sst s9;
	s0 =	simm.s32 @!p0 $0x0  }
0x12: {  	s1 =	sld [smem:$0x3F8A];
	s0 =	simm.s32 @p0 $0x1  }
0x13: {  	[smem:$0x3FA5] =	sst s0;
	s0 =	simm.s32 @!p1 $0x0  }
0x14: {  	s2 =	sld [smem:$0x3F89];
	s0 =	simm.s32 @p1 $0x1  }
0x15: {  	[smem:$0x3FA6] =	sst s0;
	s0 =	simm.s32 @!p2 $0x0  }
0x16: {  	s3 =	sld [smem:$0x3FDB];
	s0 =	simm.s32 @p2 $0x1  }
0x17: {  	s4 =	simm.s32 $0x1BF5;
	[smem:$0x3FA8] =	sst s0  }
0x18: {  	s0 =	sld [smem:$0x3F8B];
	_ =	swait.ge [sflag:s4], $0x0  }
0x19: {  	s7 =	sld [smem:$0x3F8C]  }
0x1a: {  	s8 =	sadd.s32 $0xFFFFE003, lr  }
0x1b: {  	s9 =	sadd.s32 $0xFFFFFEF7, lr;
	s5 =	simm.s32 $0xFFFFFFFF;
	p2 =	slt.u32 s8, $0xFFFFF086  }
0x1c: {  	p1 =	slt.u32 s9, $0xF7A;
	s5 =	simm.s32 @!p2 $0x0  }
0x1d: {  	s5 =	simm.s32 @p1 $0x1;
	p0 =	seq.s32 s7, s2  }
0x1e: {  	s7 =	smul.u32 @!p0 $0xF7A, s2;
	p2 =	seq.s32 @!p0 s5, $0x0  }
0x1f: {  	s9 =	smul.u32 $0xF7A, s1;
	s8 =	simm.s32 @!p0 $0x1BF5;
	p2 =	por !p2, p0  }
0x20: {  	[sflag:s8] =	ssyncset.s32 @!p0 $0xFFFFF086;
	s6 =	sadd.s32 @!p0 s3, s7;
	s7 =	simm.s32 @!p0 $0x108  }
0x21: {  	s3 =	sadd.s32 s3, s9;
	s6 =	sadd.s32 @!p0 $0x88, s6;
	s7 =	simm.s32 @p2 $0x1082  }
0x22: {  	[simem:s7], [sflag:s8] =	dma.local @!p0 [hbm:s6], $0xF7A  }
0x23: {  	s9 =	sor.u32 $0xD0000000, s2;
	s6 =	simm.s32 $0x108;
	_ =	swait.ge @!p0 [sflag:s8], $0x0  }
0x24: {  	s3 =	sadd.s32 $0x88, s3;
	s6 =	simm.s32 @!p1 $0x1082;
	[sflag:s4] =	ssyncset.s32 $0xFFFFF086  }
0x25: {  	[simem:s6], [sflag:s4] =	dma.local [hbm:s3], $0xF7A  }
0x26: {  	[smem:$0x3F8C] =	sst s1;
	(tag) =	ssettag s2;
	_ =	strace s9  }
0x27: {  	s1 =	sld [smem:$0x3F9C]  }
0x28: {  	s2 =	sld [smem:$0x3F9D]  }
0x29: {  	s4 =	sld [smem:$0x3F9F]  }
0x2a: {  	p0 =	seq.s32 s5, $0x0;
	s5 =	sld [smem:$0x3FA0]  }
0x2b: {  	s6 =	sld [smem:$0x3FA1]  }
0x2c: {  	s7 =	sld [smem:$0x3FA2]  }
0x2d: {  	s3 =	simm.s32 $0x108;
	s8 =	sld [smem:$0x3FA3]  }
0x2e: {  	s3 =	simm.s32 @!p0 $0x1082;
	s9 =	sld [smem:$0x3FA4]  }
0x2f: {  	lr =	sadd.s32 s0, s3;
	s0 =	sld [smem:$0x3F9B]  }
0x30: {  	s3 =	sld [smem:$0x3F9E]  }
0x31: {  	[smem:$0x3FA7] =	sst s10  }
0x32: {  	s10 =	sld [smem:$0x3FA5];
	_ =	sdelay $0x3  }
0x33: {  	p0 =	seq.s32 s10, $0x1;
	s10 =	sld [smem:$0x3FA7];
	_ =	sdelay $0x3  }
0x34: {  	[smem:$0x3FA7] =	sst s10  }
0x35: {  	s10 =	sld [smem:$0x3FA6];
	_ =	sdelay $0x3  }
0x36: {  	p1 =	seq.s32 s10, $0x1;
	s10 =	sld [smem:$0x3FA7];
	_ =	sdelay $0x3  }
0x37: {  	[smem:$0x3FA7] =	sst s10  }
0x38: {  	s10 =	sld [smem:$0x3FA8]  }
0x39: {  	_ = 	snop;
	(pc) =	sbr.ind lr, $3  }
0x3a: {  	_ = 	snop  }
0x3b: {  	_ = 	snop  }
0x3c: {  	p2 =	seq.s32 s10, $0x1;
	s10 =	sld [smem:$0x3FA7]  }
0x3d: {  	_ =	shalt  }
0x3e: {  	_ =	shalt  }
0x3f: {  	_ =	shalt  }
0x40: {  	_ =	shalt  }
0x41: {  	_ =	shalt  }
0x42: {  	_ =	shalt  }
0x43: {  	_ =	shalt  }
0x44: {  	_ =	shalt  }
0x45: {  	_ =	shalt  }
0x46: {  	_ =	shalt  }
0x47: {  	_ =	shalt  }
0x48: {  	_ =	shalt  }
0x49: {  	_ =	shalt  }
0x4a: {  	_ =	shalt  }
0x4b: {  	_ =	shalt  }
0x4c: {  	_ =	shalt  }
0x4d: {  	_ =	shalt  }
0x4e: {  	_ =	shalt  }
0x4f: {  	_ =	shalt  }
0x50: {  	_ =	shalt  }
0x51: {  	_ =	shalt  }
0x52: {  	_ =	shalt  }
0x53: {  	_ =	shalt  }
0x54: {  	_ =	shalt  }
0x55: {  	_ =	shalt  }
0x56: {  	_ =	shalt  }
0x57: {  	_ =	shalt  }
0x58: {  	_ =	shalt  }
0x59: {  	_ =	shalt  }
0x5a: {  	_ =	shalt  }
0x5b: {  	_ =	shalt  }
0x5c: {  	_ =	shalt  }
0x5d: {  	_ =	shalt  }
0x5e: {  	_ =	shalt  }
0x5f: {  	_ =	shalt  }
0x60: {  	_ =	shalt  }
0x61: {  	_ =	shalt  }
0x62: {  	_ =	shalt  }
0x63: {  	_ =	shalt  }
0x64: {  	_ =	shalt  }
0x65: {  	_ =	shalt  }
0x66: {  	_ =	shalt  }
0x67: {  	_ =	shalt  }
0x68: {  	_ =	shalt  }
0x69: {  	_ =	shalt  }
0x6a: {  	_ =	shalt  }
0x6b: {  	_ =	shalt  }
0x6c: {  	_ =	shalt  }
0x6d: {  	_ =	shalt  }
0x6e: {  	_ =	shalt  }
0x6f: {  	_ =	shalt  }
0x70: {  	_ =	shalt  }
0x71: {  	_ =	shalt  }
0x72: {  	_ =	shalt  }
0x73: {  	_ =	shalt  }
0x74: {  	_ =	shalt  }
0x75: {  	_ =	shalt  }
0x76: {  	_ =	shalt  }
0x77: {  	_ =	shalt  }
0x78: {  	_ =	shalt  }
0x79: {  	_ =	shalt  }
0x7a: {  	_ =	shalt  }
0x7b: {  	_ =	shalt  }
0x7c: {  	_ =	shalt  }
0x7d: {  	_ =	shalt  }
0x7e: {  	_ =	shalt  }
0x7f: {  	_ =	shalt  }
0x80: {  	_ =	shalt  }
0x81: {  	_ =	shalt  }
0x82: {  	_ =	shalt  }
0x83: {  	_ =	shalt  }
0x84: {  	_ =	shalt  }
0x85: {  	_ =	shalt  }
0x86: {  	_ =	shalt  }
0x87: {  	_ =	shalt  }
.Lfunc_end0:
.L_simem_size_0:
called_computation.1_lowered:
.L_overlay_start_0:
0x88: {  	s2 =	sld [smem:$0x3FD9]  }
0x89: {  	s3 =	sld [smem:$0x3FFE];
	_ =	sdelay $0x1  }
0x8a: {  	s1 =	srdreg.scid  }
0x8b: {  	s0 =	sand.u32 $0x1, s1  }
0x8c: {  	s16 =	sshll.u32 s0, $0xA;
	s2 =	sadd.s32 s3, s2  }
0x8d: {  	s2 =	sadd.s32 s2, s16  }
0x8e: {  	[smem:$0x3FB3] =	sst s2  }
0x8f: {  	_ = 	snop  }
0x90: {  	(tm) =	ssettm $0x1  }
0x91: {  	s17 =	sld [smem:$0x3FFB];
	_ =	sdelay $0x3  }
0x92: {  	_ =	strace s17  }
0x93: {  	s2 =	sld [smem:$0x3FFC];
	_ =	sdelay $0x3  }
0x94: {  	_ =	strace s2  }
0x95: {  	s2 =	sld [smem:$0x3FFD];
	_ =	sdelay $0x3  }
0x96: {  	_ =	strace s2  }
0x97: {  	_ =	strace $0x8FFFFFFF  }
0x98: {  	s18 =	sld [smem:$0x3FDB];
	_ =	sdelay $0x1  }
0x99: {  	s19 =	simm.s32 $_scs_section_size  }
0x9a: {  	s4 =	simm.s32 $_size__tile_overlayer_lowered;
	s5 =	simm.s32 $_tile_overlayer_lowered  }
0x9b: {  	s22 =	simm.s32 $0x1BFF;
	s21 =	sshll.u32 s5, $0x1;
	s2 =	sadd.s32 s19, s18  }
0x9c: {  	s6 =	simm.s32 $0x0;
	s20 =	sshll.u32 s4, $0x1;
	s4 =	sadd.s32 s21, s2  }
0x9d: {  	[timem:s6], [sflag:s22] =	dma.local [hbm:s4], s20  }
0x9e: {  	_ =	swait.ge [sflag:s22], s20  }
0x9f: {  	s3 =	ssub.s32 $0x0, s20;
	[sflag:s22] =	ssyncset.done $0x0  }
0xa0: {  	[sflag:s22] =	ssyncadd.s32 s3;
	_ =	sdelay $0x1  }
0xa1: {  	s23 =	simm.s32 $0x1B8B  }
0xa2: {  	_ =	swait.ge [sflag:s23], $0x1  }
0xa3: {  	[sflag:s23] =	ssyncset.done $0x0  }
0xa4: {  	s25 =	simm.s32 $0x1B8E;
	s24 =	sld [smem:$0x3FFE];
	[sflag:s23] =	ssyncadd.s32 $0xFFFFFFFF  }
0xa5: {  	s26 =	simm.s32 $execute0_lowered;
	[smem:$0x3FD2] =	sst s25  }
0xa6: {  	s4 =	sshll.u32 s26, $0x1;
	_ =	strace $0x80000049;
	[dreg:$0x1] =	wrdreg $0xFFFFFFFF  }
0xa7: {  	s28 =	simm.s32 $_size_execute0_lowered;
	s2 =	sadd.s32 s2, s4;
	[dreg:$0x0] =	wrdreg $0x0  }
0xa8: {  	s4 =	sshll.u32 s28, $0x1;
	[dreg:$0x2] =	wrdreg s2  }
0xa9: {  	[dreg:$0x3] =	wrdreg s4  }
0xaa: {  	[dreg:$0x4] =	wrdreg $0xC0  }
0xab: {  	_ =	task [dreg:s6], $0x5FFFF  }
0xac: {  	[dreg:$0x1] =	wrdreg $0xFFFFFFFF  }
0xad: {  	[dreg:$0x0] =	wrdreg $0x60  }
0xae: {  	[dreg:$0x2] =	wrdreg s24  }
0xaf: {  	[dreg:$0x3] =	wrdreg $0x150000  }
0xb0: {  	[dreg:$0x4] =	wrdreg $0x9  }
0xb1: {  	_ =	task.clear_ibuf [dreg:s6], $0x5FFFF;
	_ =	strace $0x90000049  }
0xb2: {  	s29 =	simm.s32 $0x9;
	_ =	strace $0x8000004B  }
0xb3: {  	_ =	swait.ge [sflag:s29], $0x1  }
0xb4: {  	[sflag:s29] =	ssyncadd.s32 $0xFFFFFFFF  }
0xb5: {  	_ =	strace $0x9000004B  }
0xb6: {  	_ =	sfence  }
0xb7: {  	s30 =	sld [smem:$0x0];
	_ =	sdelay $0x2  }
0xb8: {  	s31 =	sshll.u32 s1, $0xD;
	s1 =	sshrl.u32 s1, $0x2  }
0xb9: {  	s3 =	sand.u32 $0x4000, s31;
	s1 =	sadd.s32 s1, s30  }
0xba: {  	s0 =	sor.u32 s3, s0;
	s1 =	sshll.u32 s1, $0x11  }
0xbb: {  	s0 =	sor.u32 s1, s0  }
0xbc: {  	s0 =	sadd.s32 $0x8F2B, s0  }
0xbd: {  	[sflag:s0] =	ssyncadd.remote.s32 $0x1  }
0xbe: {  	_ =	sfence.sel $0xFFFF  }
0xbf: {  	[dreg:$0x0] =	wrdreg $0xFFFFFFFF;
	(pc) =	sbr.abs _section_cstart, $3  }
0xc0: {  	[dreg:$0x1] =	wrdreg $0xFFFFFFFF  }
0xc1: {  	_ =	task.clear_ibuf [dreg:s6], $0x2FFFF;
	_ =	strace $0x9FFFFFFF  }
0xc2: {  	(tm) =	ssettm $0x7FFFFFFF  }
0xc3: {  	_ =	shalt  }
tec
execute0_lowered:
.L_overlay_start_1:
0x0: {  	(tag) =	ssettag $0x1  }
0x1: {  	s0 =	srdreg.scid;
	s3 =	rddreg [dreg:$0x0]  }
0x2: {  	s9 =	stileid.u32;
	s2 =	rddreg [dreg:$0x1]  }
0x3: {  	s4 =	simm.s32 $0x0;
	s12 =	simm.s32 $0x11;
	s14 =	simm.s32 $0x80  }
0x4: {  	s15 =	simm.s32 $0x5000;
	s16 =	simm.s32 $0x7000;
	s18 =	simm.s32 $0x9000  }
0x5: {  	s20 =	simm.s32 $0xB000;
	s22 =	simm.s32 $0xD000;
	s29 =	simm.s32 $0x13000  }
0x6: {  	s30 =	simm.s32 $0x1;
	s31 =	simm.s32 $0x2;
	s13 =	simm.s32 $0x5  }
0x7: {  	s17 =	simm.s32 $0x6;
	s19 =	simm.s32 $0x7;
	s21 =	simm.s32 $0x8  }
0x8: {  	s28 =	simm.s32 $0xB;
	s10 =	simm.s32 $0x10;
	s0 =	sand.u32 $0x1, s0  }
0x9: {  	s1 =	sshll.u32 s9, $0x1;
	s5 =	smul.u32 $0x9E00, s9;
	[smem:$0x7FF] =	sst s4  }
0xa: {  	s4 =	sadd.s32 $0x17000, s3;
	s24 =	sshll.u32 s9, $0x6;
	s9 =	simm.s32 $0xF  }
0xb: {  	s1 =	sor.u32 s0, s1;
	s6 =	smul.u32 $0x9E000, s0;
	_ =	strace $0x8000004A  }
0xc: {  	s0 =	ssub.s32 $0x2, s0;
	s1 =	smul.u32 $0x500, s1;
	s7 =	sshrl.u32 s5, $0x3  }
0xd: {  	s8 =	sshrl.u32 s0, $0x1;
	s6 =	sadd.s32 s5, s6;
	s7 =	sadd.s32 s7, s3  }
0xe: {  	s0 =	ssub.s32 s0, s8;
	s5 =	sadd.s32 s5, s2;
	s8 =	simm.s32 $0xE  }
0xf: {  	s1 =	sadd.s32 s1, s3;
	s6 =	sshrl.u32 s6, $0x3;
	s23 =	sadd.s32 $0x2AC00, s7  }
0x10: {  	s0 =	smax.u32 s0, $0x1;
	s11 =	sshrl.u32 s5, $0x3;
	[dreg:$0x3] =	wrdreg s23  }
0x11: {  	s5 =	simm.s32 $0xC;
	s7 =	simm.s32 $0xD;
	[dreg:$0x8] =	wrdreg s0  }
0x12: {  	s3 =	sadd.s32 s6, s3;
	s25 =	sadd.s32 $0x3000, s1;
	[dreg:$0x9] =	wrdreg s11  }
0x13: {  	s6 =	sor.u32 $0x1C11, s24;
	s1 =	sadd.s32 $0xD000, s1;
	[dreg:$0x5] =	wrdreg s25  }
0x14: {  	s24 =	simm.s32 $0xF000;
	s0 =	simm.s32 $0x4;
	[dreg:$0x6] =	wrdreg s1  }
0x15: {  	s23 =	simm.s32 $0x9;
	s26 =	sadd.s32 $0x3E800, s3;
	[dreg:$0x4] =	wrdreg s6  }
0x16: {  	s1 =	simm.s32 $0x3;
	s3 =	simm.s32 $0x0;
	[dreg:$0x7] =	wrdreg s26  }
0x17: {  	s25 =	simm.s32 $0xA;
	s26 =	simm.s32 $0x11000;
	[dreg:$0xa] =	wrdreg s3  }
.LBB2_1:
0x18: {  	s3 =	rddreg [dreg:$0x3]  }
0x19: {  	[spmem:s11], [sflag:s6] =	dma.local [hbm:s3], $0x13C0  }
0x1a: {  	_ =	swait.ge [sflag:s12], $0x13C0  }
0x1b: {  	[sflag:s12] =	ssyncset.done $0x0  }
0x1c: {  	s3 =	simm.s32 $0x0;
	s11 =	rddreg [dreg:$0x5];
	[sflag:s12] =	ssyncadd.s32 $0xFFFFEC40  }
0x1d: {  	[tilespmem:s3], [sflag:$0x11] =	stream.linear.gather [hbm4b:s11+s3], $0x2800, $0x38;
	[tilespmem:$0x1EE00] =	vst v63  }
0x1e: {  	_ =	swait.ge [sflag:s12], $0x2800  }
0x1f: {  	[sflag:s12] =	ssyncset.done $0x0  }
0x20: {  	s11 =	simm.s32 $0x2800;
	s6 =	rddreg [dreg:$0x6];
	[sflag:s12] =	ssyncadd.s32 $0xFFFFD800  }
0x21: {  	[tilespmem:s11], [sflag:$0x11] =	stream.linear.gather [hbm4b:s6+s3], $0x2800, $0x38;
	[tilespmem:$0x1EE00] =	vst v63  }
0x22: {  	_ =	swait.ge [sflag:s12], $0x2800  }
0x23: {  	[sflag:s12] =	ssyncset.done $0x0  }
0x24: {  	[sflag:s12] =	ssyncadd.s32 $0xFFFFD800  }
0x25: {  	[bflag:$0x0] =	sbarrier.arrive $0xFFFF  }
0x26: {  	[tilespmem:s15], [sflag:$0x1] =	stream.indirect.gather [hbm4b:s4+s14], $0x40, s3, s14, $0xb8;
	[tilespmem:$0x1EE00] =	vst v63  }
0x27: {  	_ = 	snop  }
0x28: {  	[tilespmem:s16], [sflag:$0x2] =	stream.indirect.gather [hbm4b:s4+s14], $0x40, s14, s14, $0xb8;
	[tilespmem:$0x1EE00] =	vst v63  }
0x29: {  	s11 =	simm.s32 $0x100  }
0x2a: {  	[tilespmem:s18], [sflag:$0x3] =	stream.indirect.gather [hbm4b:s4+s14], $0x40, s11, s14, $0xb8;
	[tilespmem:$0x1EE00] =	vst v63  }
0x2b: {  	s6 =	simm.s32 $0x180  }
0x2c: {  	[tilespmem:s20], [sflag:$0x4] =	stream.indirect.gather [hbm4b:s4+s14], $0x40, s6, s14, $0xb8;
	[tilespmem:$0x1EE00] =	vst v63  }
0x2d: {  	s11 =	simm.s32 $0x200  }
0x2e: {  	[tilespmem:s22], [sflag:$0x5] =	stream.indirect.gather [hbm4b:s4+s14], $0x40, s11, s14, $0xb8;
	[tilespmem:$0x1EE00] =	vst v63  }
0x2f: {  	s6 =	simm.s32 $0x280  }
0x30: {  	[tilespmem:s24], [sflag:$0x6] =	stream.indirect.gather [hbm4b:s4+s14], $0x40, s6, s14, $0xb8;
	[tilespmem:$0x1EE00] =	vst v63  }
0x31: {  	s11 =	simm.s32 $0x300  }
0x32: {  	[tilespmem:s26], [sflag:$0x7] =	stream.indirect.gather [hbm4b:s4+s14], $0x40, s11, s14, $0xb8;
	[tilespmem:$0x1EE00] =	vst v63  }
0x33: {  	s6 =	simm.s32 $0x380  }
0x34: {  	[tilespmem:s29], [sflag:$0x8] =	stream.indirect.gather [hbm4b:s4+s14], $0x40, s6, s14, $0xb8;
	[tilespmem:$0x1EE00] =	vst v63  }
0x35: {  	_ =	swait.ge [sflag:s30], $0x2000  }
0x36: {  	[sflag:s30] =	ssyncset.done $0x0  }
0x37: {  	s11 =	simm.s32 $0x2800;
	[sflag:s30] =	ssyncadd.s32 $0xFFFFE000  }
0x38: {  	[spmem:s2] =	stream.indirect.scatter.add.f32 [tilespmem:s15], [sflag:$0x9], $0x40, s11, s14, $0xb8;
	[tilespmem:$0x1EE00] =	vst v63  }
0x39: {  	_ =	swait.ge [sflag:s31], $0x2000  }
0x3a: {  	[sflag:s31] =	ssyncset.done $0x0  }
0x3b: {  	s3 =	simm.s32 $0x2880;
	[sflag:s31] =	ssyncadd.s32 $0xFFFFE000  }
0x3c: {  	[spmem:s2] =	stream.indirect.scatter.add.f32 [tilespmem:s16], [sflag:$0xA], $0x40, s3, s14, $0xb8;
	[tilespmem:$0x1EE00] =	vst v63  }
0x3d: {  	_ =	swait.ge [sflag:s1], $0x2000  }
0x3e: {  	[sflag:s1] =	ssyncset.done $0x0  }
0x3f: {  	s11 =	simm.s32 $0x2900;
	[sflag:s1] =	ssyncadd.s32 $0xFFFFE000  }
0x40: {  	[spmem:s2] =	stream.indirect.scatter.add.f32 [tilespmem:s18], [sflag:$0xB], $0x40, s11, s14, $0xb8;
	[tilespmem:$0x1EE00] =	vst v63  }
0x41: {  	_ =	swait.ge [sflag:s0], $0x2000  }
0x42: {  	[sflag:s0] =	ssyncset.done $0x0  }
0x43: {  	s3 =	simm.s32 $0x2980;
	[sflag:s0] =	ssyncadd.s32 $0xFFFFE000  }
0x44: {  	[spmem:s2] =	stream.indirect.scatter.add.f32 [tilespmem:s20], [sflag:$0xC], $0x40, s3, s14, $0xb8;
	[tilespmem:$0x1EE00] =	vst v63  }
0x45: {  	_ =	swait.ge [sflag:s13], $0x2000  }
0x46: {  	[sflag:s13] =	ssyncset.done $0x0  }
0x47: {  	s11 =	simm.s32 $0x2A00;
	[sflag:s13] =	ssyncadd.s32 $0xFFFFE000  }
0x48: {  	[spmem:s2] =	stream.indirect.scatter.add.f32 [tilespmem:s22], [sflag:$0xD], $0x40, s11, s14, $0xb8;
	[tilespmem:$0x1EE00] =	vst v63  }
0x49: {  	_ =	swait.ge [sflag:s17], $0x2000  }
0x4a: {  	[sflag:s17] =	ssyncset.done $0x0  }
0x4b: {  	s3 =	simm.s32 $0x2A80;
	[sflag:s17] =	ssyncadd.s32 $0xFFFFE000  }
0x4c: {  	[spmem:s2] =	stream.indirect.scatter.add.f32 [tilespmem:s24], [sflag:$0xE], $0x40, s3, s14, $0xb8;
	[tilespmem:$0x1EE00] =	vst v63  }
0x4d: {  	_ =	swait.ge [sflag:s19], $0x2000  }
0x4e: {  	[sflag:s19] =	ssyncset.done $0x0  }
0x4f: {  	s11 =	simm.s32 $0x2B00;
	[sflag:s19] =	ssyncadd.s32 $0xFFFFE000  }
0x50: {  	[spmem:s2] =	stream.indirect.scatter.add.f32 [tilespmem:s26], [sflag:$0xF], $0x40, s11, s14, $0xb8;
	[tilespmem:$0x1EE00] =	vst v63  }
0x51: {  	_ =	swait.ge [sflag:s21], $0x2000  }
0x52: {  	[sflag:s21] =	ssyncset.done $0x0  }
0x53: {  	s3 =	simm.s32 $0x2B80;
	[sflag:s21] =	ssyncadd.s32 $0xFFFFE000  }
0x54: {  	[spmem:s2] =	stream.indirect.scatter.add.f32 [tilespmem:s29], [sflag:$0x10], $0x40, s3, s14, $0xb8;
	[tilespmem:$0x1EE00] =	vst v63  }
0x55: {  	_ =	swait.ge [sflag:s23], $0x2000  }
0x56: {  	[sflag:s23] =	ssyncset.done $0x0  }
0x57: {  	s11 =	simm.s32 $0x400;
	[sflag:s23] =	ssyncadd.s32 $0xFFFFE000  }
0x58: {  	[tilespmem:s15], [sflag:$0x1] =	stream.indirect.gather [hbm4b:s4+s14], $0x40, s11, s14, $0xb8;
	[tilespmem:$0x1EE00] =	vst v63  }
0x59: {  	_ =	swait.ge [sflag:s25], $0x2000  }
0x5a: {  	[sflag:s25] =	ssyncset.done $0x0  }
0x5b: {  	s3 =	simm.s32 $0x480;
	[sflag:s25] =	ssyncadd.s32 $0xFFFFE000  }
0x5c: {  	[tilespmem:s16], [sflag:$0x2] =	stream.indirect.gather [hbm4b:s4+s14], $0x40, s3, s14, $0xb8;
	[tilespmem:$0x1EE00] =	vst v63  }
0x5d: {  	_ =	swait.ge [sflag:s28], $0x2000  }
0x5e: {  	[sflag:s28] =	ssyncset.done $0x0  }
0x5f: {  	s11 =	simm.s32 $0x500;
	[sflag:s28] =	ssyncadd.s32 $0xFFFFE000  }
0x60: {  	[tilespmem:s18], [sflag:$0x3] =	stream.indirect.gather [hbm4b:s4+s14], $0x40, s11, s14, $0xb8;
	[tilespmem:$0x1EE00] =	vst v63  }
0x61: {  	_ =	swait.ge [sflag:s5], $0x2000  }
0x62: {  	[sflag:s5] =	ssyncset.done $0x0  }
0x63: {  	s3 =	simm.s32 $0x580;
	[sflag:s5] =	ssyncadd.s32 $0xFFFFE000  }
0x64: {  	[tilespmem:s20], [sflag:$0x4] =	stream.indirect.gather [hbm4b:s4+s14], $0x40, s3, s14, $0xb8;
	[tilespmem:$0x1EE00] =	vst v63  }
0x65: {  	_ =	swait.ge [sflag:s7], $0x2000  }
0x66: {  	[sflag:s7] =	ssyncset.done $0x0  }
0x67: {  	s11 =	simm.s32 $0x600;
	[sflag:s7] =	ssyncadd.s32 $0xFFFFE000  }
0x68: {  	[tilespmem:s22], [sflag:$0x5] =	stream.indirect.gather [hbm4b:s4+s14], $0x40, s11, s14, $0xb8;
	[tilespmem:$0x1EE00] =	vst v63  }
0x69: {  	_ =	swait.ge [sflag:s8], $0x2000  }
0x6a: {  	[sflag:s8] =	ssyncset.done $0x0  }
0x6b: {  	s3 =	simm.s32 $0x680;
	[sflag:s8] =	ssyncadd.s32 $0xFFFFE000  }
0x6c: {  	[tilespmem:s24], [sflag:$0x6] =	stream.indirect.gather [hbm4b:s4+s14], $0x40, s3, s14, $0xb8;
	[tilespmem:$0x1EE00] =	vst v63  }
0x6d: {  	_ =	swait.ge [sflag:s9], $0x2000  }
0x6e: {  	[sflag:s9] =	ssyncset.done $0x0  }
0x6f: {  	s11 =	simm.s32 $0x700;
	[sflag:s9] =	ssyncadd.s32 $0xFFFFE000  }
0x70: {  	[tilespmem:s26], [sflag:$0x7] =	stream.indirect.gather [hbm4b:s4+s14], $0x40, s11, s14, $0xb8;
	[tilespmem:$0x1EE00] =	vst v63  }
0x71: {  	_ =	swait.ge [sflag:s10], $0x2000  }
0x72: {  	[sflag:s10] =	ssyncset.done $0x0  }
0x73: {  	s6 =	simm.s32 $0x1000;
	s11 =	simm.s32 $0x780;
	[sflag:s10] =	ssyncadd.s32 $0xFFFFE000  }
.LBB2_2:
0x74: {  	[tilespmem:s29], [sflag:$0x8] =	stream.indirect.gather [hbm4b:s4+s14], $0x40, s11, s14, $0xb8;
	[tilespmem:$0x1EE00] =	vst v63  }
0x75: {  	s11 =	smov.u32 s6  }
0x76: {  	p0 =	sne.s32 s6, $0x8000;
	s6 =	sadd.s32 $0x1000, s6;
	_ =	swait.ge [sflag:s30], $0x2000  }
0x77: {  	s11 =	sshra.s32 s11, $0x2;
	[sflag:s30] =	ssyncset.done $0x0  }
0x78: {  	s3 =	sadd.s32 $0x2800, s11;
	[sflag:s30] =	ssyncadd.s32 $0xFFFFE000  }
0x79: {  	[spmem:s2] =	stream.indirect.scatter.add.f32 [tilespmem:s15], [sflag:$0x9], $0x40, s3, s14, $0xb8;
	[tilespmem:$0x1EE00] =	vst v63  }
0x7a: {  	_ =	swait.ge [sflag:s31], $0x2000  }
0x7b: {  	[sflag:s31] =	ssyncset.done $0x0  }
0x7c: {  	s3 =	sadd.s32 $0x2880, s11;
	[sflag:s31] =	ssyncadd.s32 $0xFFFFE000  }
0x7d: {  	[spmem:s2] =	stream.indirect.scatter.add.f32 [tilespmem:s16], [sflag:$0xA], $0x40, s3, s14, $0xb8;
	[tilespmem:$0x1EE00] =	vst v63  }
0x7e: {  	_ =	swait.ge [sflag:s1], $0x2000  }
0x7f: {  	[sflag:s1] =	ssyncset.done $0x0  }
0x80: {  	s3 =	sadd.s32 $0x2900, s11;
	[sflag:s1] =	ssyncadd.s32 $0xFFFFE000  }
0x81: {  	[spmem:s2] =	stream.indirect.scatter.add.f32 [tilespmem:s18], [sflag:$0xB], $0x40, s3, s14, $0xb8;
	[tilespmem:$0x1EE00] =	vst v63  }
0x82: {  	_ =	swait.ge [sflag:s0], $0x2000  }
0x83: {  	[sflag:s0] =	ssyncset.done $0x0  }
0x84: {  	s3 =	sadd.s32 $0x2980, s11;
	[sflag:s0] =	ssyncadd.s32 $0xFFFFE000  }
0x85: {  	[spmem:s2] =	stream.indirect.scatter.add.f32 [tilespmem:s20], [sflag:$0xC], $0x40, s3, s14, $0xb8;
	[tilespmem:$0x1EE00] =	vst v63  }
0x86: {  	_ =	swait.ge [sflag:s13], $0x2000  }
0x87: {  	[sflag:s13] =	ssyncset.done $0x0  }
0x88: {  	s3 =	sadd.s32 $0x2A00, s11;
	[sflag:s13] =	ssyncadd.s32 $0xFFFFE000  }
0x89: {  	[spmem:s2] =	stream.indirect.scatter.add.f32 [tilespmem:s22], [sflag:$0xD], $0x40, s3, s14, $0xb8;
	[tilespmem:$0x1EE00] =	vst v63  }
0x8a: {  	_ =	swait.ge [sflag:s17], $0x2000  }
0x8b: {  	[sflag:s17] =	ssyncset.done $0x0  }
0x8c: {  	s3 =	sadd.s32 $0x2A80, s11;
	[sflag:s17] =	ssyncadd.s32 $0xFFFFE000  }
0x8d: {  	[spmem:s2] =	stream.indirect.scatter.add.f32 [tilespmem:s24], [sflag:$0xE], $0x40, s3, s14, $0xb8;
	[tilespmem:$0x1EE00] =	vst v63  }
0x8e: {  	_ =	swait.ge [sflag:s19], $0x2000  }
0x8f: {  	[sflag:s19] =	ssyncset.done $0x0  }
0x90: {  	s3 =	sadd.s32 $0x2B00, s11;
	[sflag:s19] =	ssyncadd.s32 $0xFFFFE000  }
0x91: {  	[spmem:s2] =	stream.indirect.scatter.add.f32 [tilespmem:s26], [sflag:$0xF], $0x40, s3, s14, $0xb8;
	[tilespmem:$0x1EE00] =	vst v63  }
0x92: {  	_ =	swait.ge [sflag:s21], $0x2000  }
0x93: {  	[sflag:s21] =	ssyncset.done $0x0  }
0x94: {  	s3 =	sadd.s32 $0x2B80, s11;
	[sflag:s21] =	ssyncadd.s32 $0xFFFFE000  }
0x95: {  	[spmem:s2] =	stream.indirect.scatter.add.f32 [tilespmem:s29], [sflag:$0x10], $0x40, s3, s14, $0xb8;
	[tilespmem:$0x1EE00] =	vst v63  }
0x96: {  	_ =	swait.ge [sflag:s23], $0x2000  }
0x97: {  	[sflag:s23] =	ssyncset.done $0x0  }
0x98: {  	s3 =	sadd.s32 $0x400, s11;
	[sflag:s23] =	ssyncadd.s32 $0xFFFFE000  }
0x99: {  	[tilespmem:s15], [sflag:$0x1] =	stream.indirect.gather [hbm4b:s4+s14], $0x40, s3, s14, $0xb8;
	[tilespmem:$0x1EE00] =	vst v63  }
0x9a: {  	_ =	swait.ge [sflag:s25], $0x2000  }
0x9b: {  	[sflag:s25] =	ssyncset.done $0x0  }
0x9c: {  	s3 =	sadd.s32 $0x480, s11;
	[sflag:s25] =	ssyncadd.s32 $0xFFFFE000  }
0x9d: {  	[tilespmem:s16], [sflag:$0x2] =	stream.indirect.gather [hbm4b:s4+s14], $0x40, s3, s14, $0xb8;
	[tilespmem:$0x1EE00] =	vst v63  }
0x9e: {  	_ =	swait.ge [sflag:s28], $0x2000  }
0x9f: {  	[sflag:s28] =	ssyncset.done $0x0  }
0xa0: {  	s3 =	sadd.s32 $0x500, s11;
	[sflag:s28] =	ssyncadd.s32 $0xFFFFE000  }
0xa1: {  	[tilespmem:s18], [sflag:$0x3] =	stream.indirect.gather [hbm4b:s4+s14], $0x40, s3, s14, $0xb8;
	[tilespmem:$0x1EE00] =	vst v63  }
0xa2: {  	_ =	swait.ge [sflag:s5], $0x2000  }
0xa3: {  	[sflag:s5] =	ssyncset.done $0x0  }
0xa4: {  	s3 =	sadd.s32 $0x580, s11;
	[sflag:s5] =	ssyncadd.s32 $0xFFFFE000  }
0xa5: {  	[tilespmem:s20], [sflag:$0x4] =	stream.indirect.gather [hbm4b:s4+s14], $0x40, s3, s14, $0xb8;
	[tilespmem:$0x1EE00] =	vst v63  }
0xa6: {  	_ =	swait.ge [sflag:s7], $0x2000  }
0xa7: {  	[sflag:s7] =	ssyncset.done $0x0  }
0xa8: {  	s3 =	sadd.s32 $0x600, s11;
	[sflag:s7] =	ssyncadd.s32 $0xFFFFE000  }
0xa9: {  	[tilespmem:s22], [sflag:$0x5] =	stream.indirect.gather [hbm4b:s4+s14], $0x40, s3, s14, $0xb8;
	[tilespmem:$0x1EE00] =	vst v63  }
0xaa: {  	_ =	swait.ge [sflag:s8], $0x2000  }
0xab: {  	[sflag:s8] =	ssyncset.done $0x0  }
0xac: {  	s3 =	sadd.s32 $0x680, s11;
	[sflag:s8] =	ssyncadd.s32 $0xFFFFE000  }
0xad: {  	[tilespmem:s24], [sflag:$0x6] =	stream.indirect.gather [hbm4b:s4+s14], $0x40, s3, s14, $0xb8;
	[tilespmem:$0x1EE00] =	vst v63  }
0xae: {  	_ =	swait.ge [sflag:s9], $0x2000  }
0xaf: {  	[sflag:s9] =	ssyncset.done $0x0  }
.Ltmp0:
0xb0: {  	s3 =	sadd.s32 $0x700, s11;
	[sflag:s9] =	ssyncadd.s32 $0xFFFFE000;
	(pc) =	sbr.rel @p0 .LBB2_2-.Ltmp0, $4  }
0xb1: {  	[tilespmem:s26], [sflag:$0x7] =	stream.indirect.gather [hbm4b:s4+s14], $0x40, s3, s14, $0xb8;
	[tilespmem:$0x1EE00] =	vst v63  }
0xb2: {  	_ =	swait.ge [sflag:s10], $0x2000  }
0xb3: {  	[sflag:s10] =	ssyncset.done $0x0  }
0xb4: {  	s11 =	sadd.s32 $0x780, s11;
	[sflag:s10] =	ssyncadd.s32 $0xFFFFE000  }
0xb5: {  	[tilespmem:s29], [sflag:$0x8] =	stream.indirect.gather [hbm4b:s4+s14], $0x40, s11, s14, $0xb8;
	[tilespmem:$0x1EE00] =	vst v63  }
0xb6: {  	_ =	swait.ge [sflag:s30], $0x2000  }
0xb7: {  	[sflag:s30] =	ssyncset.done $0x0  }
0xb8: {  	s3 =	simm.s32 $0x4C00;
	[sflag:s30] =	ssyncadd.s32 $0xFFFFE000  }
0xb9: {  	[spmem:s2] =	stream.indirect.scatter.add.f32 [tilespmem:s15], [sflag:$0x11], $0x40, s3, s14, $0xb8;
	[tilespmem:$0x1EE00] =	vst v63  }
0xba: {  	_ =	swait.ge [sflag:s12], $0x2000  }
0xbb: {  	[sflag:s12] =	ssyncset.done $0x0  }
0xbc: {  	[sflag:s12] =	ssyncadd.s32 $0xFFFFE000  }
0xbd: {  	_ =	swait.ge [sflag:s31], $0x2000  }
0xbe: {  	[sflag:s31] =	ssyncset.done $0x0  }
0xbf: {  	s11 =	simm.s32 $0x4C80;
	[sflag:s31] =	ssyncadd.s32 $0xFFFFE000  }
0xc0: {  	[spmem:s2] =	stream.indirect.scatter.add.f32 [tilespmem:s16], [sflag:$0x11], $0x40, s11, s14, $0xb8;
	[tilespmem:$0x1EE00] =	vst v63  }
0xc1: {  	_ =	swait.ge [sflag:s12], $0x2000  }
0xc2: {  	[sflag:s12] =	ssyncset.done $0x0  }
0xc3: {  	[sflag:s12] =	ssyncadd.s32 $0xFFFFE000  }
0xc4: {  	_ =	swait.ge [sflag:s1], $0x2000  }
0xc5: {  	[sflag:s1] =	ssyncset.done $0x0  }
0xc6: {  	s6 =	simm.s32 $0x4D00;
	[sflag:s1] =	ssyncadd.s32 $0xFFFFE000  }
0xc7: {  	[spmem:s2] =	stream.indirect.scatter.add.f32 [tilespmem:s18], [sflag:$0x11], $0x40, s6, s14, $0xb8;
	[tilespmem:$0x1EE00] =	vst v63  }
0xc8: {  	_ =	swait.ge [sflag:s12], $0x2000  }
0xc9: {  	[sflag:s12] =	ssyncset.done $0x0  }
0xca: {  	[sflag:s12] =	ssyncadd.s32 $0xFFFFE000  }
0xcb: {  	_ =	swait.ge [sflag:s0], $0x2000  }
0xcc: {  	[sflag:s0] =	ssyncset.done $0x0  }
0xcd: {  	s11 =	simm.s32 $0x4D80;
	[sflag:s0] =	ssyncadd.s32 $0xFFFFE000  }
0xce: {  	[spmem:s2] =	stream.indirect.scatter.add.f32 [tilespmem:s20], [sflag:$0x11], $0x40, s11, s14, $0xb8;
	[tilespmem:$0x1EE00] =	vst v63  }
0xcf: {  	_ =	swait.ge [sflag:s12], $0x2000  }
0xd0: {  	[sflag:s12] =	ssyncset.done $0x0  }
0xd1: {  	[sflag:s12] =	ssyncadd.s32 $0xFFFFE000  }
0xd2: {  	_ =	swait.ge [sflag:s13], $0x2000  }
0xd3: {  	[sflag:s13] =	ssyncset.done $0x0  }
0xd4: {  	s6 =	simm.s32 $0x4E00;
	[sflag:s13] =	ssyncadd.s32 $0xFFFFE000  }
0xd5: {  	[spmem:s2] =	stream.indirect.scatter.add.f32 [tilespmem:s22], [sflag:$0x11], $0x40, s6, s14, $0xb8;
	[tilespmem:$0x1EE00] =	vst v63  }
0xd6: {  	_ =	swait.ge [sflag:s12], $0x2000  }
0xd7: {  	[sflag:s12] =	ssyncset.done $0x0  }
0xd8: {  	[sflag:s12] =	ssyncadd.s32 $0xFFFFE000  }
0xd9: {  	_ =	swait.ge [sflag:s17], $0x2000  }
0xda: {  	[sflag:s17] =	ssyncset.done $0x0  }
0xdb: {  	s11 =	simm.s32 $0x4E80;
	[sflag:s17] =	ssyncadd.s32 $0xFFFFE000  }
0xdc: {  	[spmem:s2] =	stream.indirect.scatter.add.f32 [tilespmem:s24], [sflag:$0x11], $0x40, s11, s14, $0xb8;
	[tilespmem:$0x1EE00] =	vst v63  }
0xdd: {  	_ =	swait.ge [sflag:s12], $0x2000  }
0xde: {  	[sflag:s12] =	ssyncset.done $0x0  }
0xdf: {  	[sflag:s12] =	ssyncadd.s32 $0xFFFFE000  }
0xe0: {  	_ =	swait.ge [sflag:s19], $0x2000  }
0xe1: {  	[sflag:s19] =	ssyncset.done $0x0  }
0xe2: {  	s6 =	simm.s32 $0x4F00;
	[sflag:s19] =	ssyncadd.s32 $0xFFFFE000  }
0xe3: {  	[spmem:s2] =	stream.indirect.scatter.add.f32 [tilespmem:s26], [sflag:$0x11], $0x40, s6, s14, $0xb8;
	[tilespmem:$0x1EE00] =	vst v63  }
0xe4: {  	_ =	swait.ge [sflag:s12], $0x2000  }
0xe5: {  	[sflag:s12] =	ssyncset.done $0x0  }
0xe6: {  	[sflag:s12] =	ssyncadd.s32 $0xFFFFE000  }
0xe7: {  	_ =	swait.ge [sflag:s21], $0x2000  }
0xe8: {  	[sflag:s21] =	ssyncset.done $0x0  }
0xe9: {  	s11 =	simm.s32 $0x4F80;
	[sflag:s21] =	ssyncadd.s32 $0xFFFFE000  }
0xea: {  	[spmem:s2] =	stream.indirect.scatter.add.f32 [tilespmem:s29], [sflag:$0x11], $0x40, s11, s14, $0xb8;
	[tilespmem:$0x1EE00] =	vst v63  }
0xeb: {  	_ =	swait.ge [sflag:s12], $0x2000  }
0xec: {  	[sflag:s12] =	ssyncset.done $0x0  }
0xed: {  	[sflag:s12] =	ssyncadd.s32 $0xFFFFE000  }
0xee: {  	[bflag:$0x0] =	sbarrier.arrive $0xFFFF  }
0xef: {  	s6 =	rddreg [dreg:$0x4]  }
0xf0: {  	s3 =	rddreg [dreg:$0x7]  }
0xf1: {  	s11 =	rddreg [dreg:$0x9]  }
0xf2: {  	[hbm:s3], [sflag:s6] =	dma.local [spmem:s11], $0x13C0  }
0xf3: {  	_ =	swait.ge [sflag:s12], $0x13C0  }
0xf4: {  	s3 =	simm.s32 $0x11;
	s12 =	rddreg [dreg:$0xa]  }
0xf5: {  	[sflag:s3] =	ssyncset.done $0x0;
	s3 =	rddreg [dreg:$0x8];
	s12 =	sadd.s32 $0x1, s12  }
0xf6: {  	p0 =	sne.s32 s12, s3  }
.Ltmp1:
0xf7: {  	_ = 	snop;
	(pc) =	sbr.rel @p0 .LBB2_1-.Ltmp1, $3  }
0xf8: {  	_ =	sdelay $0x1  }
0xf9: {  	[dreg:$0xa] =	wrdreg s12;
	s12 =	simm.s32 $0x11  }
0xfa: {  	[sflag:s12] =	ssyncadd.s32 $0xFFFFEC40  }
0xfb: {  	_ =	sfence.sel $0x180000  }
0xfc: {  	[bflag:$0x0] =	sbarrier.arrive $0xFFFF  }
0xfd: {  	_ =	strace $0x9000004A  }
0xfe: {  	s0 =	stileid.u32;
	[bflag:$0x2] =	sbarrier.arrive $0xFFFF  }
0xff: {  	p0 =	sne.s32 s0, $0x0;
	s0 =	rddreg [dreg:$0x2]  }
0x100: {  	s0 =	sadd.s32 @!p0 $0x100000, s0  }
0x101: {  	[sflag:s0] =	ssyncadd.tile.s32 @!p0 $0x1;
	_ =	shalt  }
.Lfunc_end2:
_tile_overlayer_lowered:
.L_overlay_start_2:
0x102: {  	(tag) =	ssettag $0x2  }
0x103: {  	s0 =	rddreg [dreg:$0x0];
	s2 =	stileid.u32  }
0x104: {  	s1 =	rddreg [dreg:$0x1];
	p0 =	sne.s32 s2, $0x0  }
0x105: {  	s3 =	rddreg [dreg:$0x2];
	[bflag:$0x3] =	sbarrier.arrive $0xFFFF;
	s2 =	simm.s32 @!p0 $0x1C11  }
0x106: {  	[timem:s3], [sflag:s2] =	dma.local @!p0 [hbm:s0], s1  }
0x107: {  	s0 =	simm.s32 @!p0 $0x11  }
0x108: {  	_ =	swait.ge @!p0 [sflag:s0], s1  }
0x109: {  	s1 =	ssub.s32 @!p0 $0x0, s1;
	[sflag:s0] =	ssyncset.done @!p0 $0x0  }
0x10a: {  	[sflag:s0] =	ssyncadd.s32 @!p0 s1  }
0x10b: {  	[bflag:$0x3] =	sbarrier.arrive $0xFFFF  }
0x10c: {  	_ =	shalt  }

// kernel: kernel.7.cloned.1.call-start
scs
__scs_entry_jumppad:
0x0: {  	(pc) =	sbr.rel $0x88, $3  }
0x1: {  	(tag) =	ssettag $0x0;
	lr =	simm.s32 $0x1  }
0x2: {  	[smem:$0x3F8C] =	sst lr;
	_ =	strace $0xD0000000  }
0x3: {  	_ = 	snop  }
0x4: {  	_ = 	snop  }
0x5: {  	_ = 	snop  }
0x6: {  	_ = 	snop  }
0x7: {  	_ = 	snop  }
__scs_overlays_trampoline_lowered:
0x8: {  	[smem:$0x3F9B] =	sst s0  }
0x9: {  	[smem:$0x3F9C] =	sst s1  }
0xa: {  	[smem:$0x3F9D] =	sst s2  }
0xb: {  	[smem:$0x3F9E] =	sst s3  }
0xc: {  	[smem:$0x3F9F] =	sst s4  }
0xd: {  	[smem:$0x3FA0] =	sst s5  }
0xe: {  	[smem:$0x3FA1] =	sst s6  }
0xf: {  	[smem:$0x3FA2] =	sst s7  }
0x10: {  	[smem:$0x3FA3] =	sst s8  }
0x11: {  	[smem:$0x3FA4] =	sst s9;
	s0 =	simm.s32 @!p0 $0x0  }
0x12: {  	s1 =	sld [smem:$0x3F8A];
	s0 =	simm.s32 @p0 $0x1  }
0x13: {  	[smem:$0x3FA5] =	sst s0;
	s0 =	simm.s32 @!p1 $0x0  }
0x14: {  	s2 =	sld [smem:$0x3F89];
	s0 =	simm.s32 @p1 $0x1  }
0x15: {  	[smem:$0x3FA6] =	sst s0;
	s0 =	simm.s32 @!p2 $0x0  }
0x16: {  	s3 =	sld [smem:$0x3FDB];
	s0 =	simm.s32 @p2 $0x1  }
0x17: {  	s4 =	simm.s32 $0x1BF5;
	[smem:$0x3FA8] =	sst s0  }
0x18: {  	s0 =	sld [smem:$0x3F8B];
	_ =	swait.ge [sflag:s4], $0x0  }
0x19: {  	s7 =	sld [smem:$0x3F8C]  }
0x1a: {  	s8 =	sadd.s32 $0xFFFFE003, lr  }
0x1b: {  	s9 =	sadd.s32 $0xFFFFFEF7, lr;
	s5 =	simm.s32 $0xFFFFFFFF;
	p2 =	slt.u32 s8, $0xFFFFF086  }
0x1c: {  	p1 =	slt.u32 s9, $0xF7A;
	s5 =	simm.s32 @!p2 $0x0  }
0x1d: {  	s5 =	simm.s32 @p1 $0x1;
	p0 =	seq.s32 s7, s2  }
0x1e: {  	s7 =	smul.u32 @!p0 $0xF7A, s2;
	p2 =	seq.s32 @!p0 s5, $0x0  }
0x1f: {  	s9 =	smul.u32 $0xF7A, s1;
	s8 =	simm.s32 @!p0 $0x1BF5;
	p2 =	por !p2, p0  }
0x20: {  	[sflag:s8] =	ssyncset.s32 @!p0 $0xFFFFF086;
	s6 =	sadd.s32 @!p0 s3, s7;
	s7 =	simm.s32 @!p0 $0x108  }
0x21: {  	s3 =	sadd.s32 s3, s9;
	s6 =	sadd.s32 @!p0 $0x88, s6;
	s7 =	simm.s32 @p2 $0x1082  }
0x22: {  	[simem:s7], [sflag:s8] =	dma.local @!p0 [hbm:s6], $0xF7A  }
0x23: {  	s9 =	sor.u32 $0xD0000000, s2;
	s6 =	simm.s32 $0x108;
	_ =	swait.ge @!p0 [sflag:s8], $0x0  }
0x24: {  	s3 =	sadd.s32 $0x88, s3;
	s6 =	simm.s32 @!p1 $0x1082;
	[sflag:s4] =	ssyncset.s32 $0xFFFFF086  }
0x25: {  	[simem:s6], [sflag:s4] =	dma.local [hbm:s3], $0xF7A  }
0x26: {  	[smem:$0x3F8C] =	sst s1;
	(tag) =	ssettag s2;
	_ =	strace s9  }
0x27: {  	s1 =	sld [smem:$0x3F9C]  }
0x28: {  	s2 =	sld [smem:$0x3F9D]  }
0x29: {  	s4 =	sld [smem:$0x3F9F]  }
0x2a: {  	p0 =	seq.s32 s5, $0x0;
	s5 =	sld [smem:$0x3FA0]  }
0x2b: {  	s6 =	sld [smem:$0x3FA1]  }
0x2c: {  	s7 =	sld [smem:$0x3FA2]  }
0x2d: {  	s3 =	simm.s32 $0x108;
	s8 =	sld [smem:$0x3FA3]  }
0x2e: {  	s3 =	simm.s32 @!p0 $0x1082;
	s9 =	sld [smem:$0x3FA4]  }
0x2f: {  	lr =	sadd.s32 s0, s3;
	s0 =	sld [smem:$0x3F9B]  }
0x30: {  	s3 =	sld [smem:$0x3F9E]  }
0x31: {  	[smem:$0x3FA7] =	sst s10  }
0x32: {  	s10 =	sld [smem:$0x3FA5];
	_ =	sdelay $0x3  }
0x33: {  	p0 =	seq.s32 s10, $0x1;
	s10 =	sld [smem:$0x3FA7];
	_ =	sdelay $0x3  }
0x34: {  	[smem:$0x3FA7] =	sst s10  }
0x35: {  	s10 =	sld [smem:$0x3FA6];
	_ =	sdelay $0x3  }
0x36: {  	p1 =	seq.s32 s10, $0x1;
	s10 =	sld [smem:$0x3FA7];
	_ =	sdelay $0x3  }
0x37: {  	[smem:$0x3FA7] =	sst s10  }
0x38: {  	s10 =	sld [smem:$0x3FA8]  }
0x39: {  	_ = 	snop;
	(pc) =	sbr.ind lr, $3  }
0x3a: {  	_ = 	snop  }
0x3b: {  	_ = 	snop  }
0x3c: {  	p2 =	seq.s32 s10, $0x1;
	s10 =	sld [smem:$0x3FA7]  }
0x3d: {  	_ =	shalt  }
0x3e: {  	_ =	shalt  }
0x3f: {  	_ =	shalt  }
0x40: {  	_ =	shalt  }
0x41: {  	_ =	shalt  }
0x42: {  	_ =	shalt  }
0x43: {  	_ =	shalt  }
0x44: {  	_ =	shalt  }
0x45: {  	_ =	shalt  }
0x46: {  	_ =	shalt  }
0x47: {  	_ =	shalt  }
0x48: {  	_ =	shalt  }
0x49: {  	_ =	shalt  }
0x4a: {  	_ =	shalt  }
0x4b: {  	_ =	shalt  }
0x4c: {  	_ =	shalt  }
0x4d: {  	_ =	shalt  }
0x4e: {  	_ =	shalt  }
0x4f: {  	_ =	shalt  }
0x50: {  	_ =	shalt  }
0x51: {  	_ =	shalt  }
0x52: {  	_ =	shalt  }
0x53: {  	_ =	shalt  }
0x54: {  	_ =	shalt  }
0x55: {  	_ =	shalt  }
0x56: {  	_ =	shalt  }
0x57: {  	_ =	shalt  }
0x58: {  	_ =	shalt  }
0x59: {  	_ =	shalt  }
0x5a: {  	_ =	shalt  }
0x5b: {  	_ =	shalt  }
0x5c: {  	_ =	shalt  }
0x5d: {  	_ =	shalt  }
0x5e: {  	_ =	shalt  }
0x5f: {  	_ =	shalt  }
0x60: {  	_ =	shalt  }
0x61: {  	_ =	shalt  }
0x62: {  	_ =	shalt  }
0x63: {  	_ =	shalt  }
0x64: {  	_ =	shalt  }
0x65: {  	_ =	shalt  }
0x66: {  	_ =	shalt  }
0x67: {  	_ =	shalt  }
0x68: {  	_ =	shalt  }
0x69: {  	_ =	shalt  }
0x6a: {  	_ =	shalt  }
0x6b: {  	_ =	shalt  }
0x6c: {  	_ =	shalt  }
0x6d: {  	_ =	shalt  }
0x6e: {  	_ =	shalt  }
0x6f: {  	_ =	shalt  }
0x70: {  	_ =	shalt  }
0x71: {  	_ =	shalt  }
0x72: {  	_ =	shalt  }
0x73: {  	_ =	shalt  }
0x74: {  	_ =	shalt  }
0x75: {  	_ =	shalt  }
0x76: {  	_ =	shalt  }
0x77: {  	_ =	shalt  }
0x78: {  	_ =	shalt  }
0x79: {  	_ =	shalt  }
0x7a: {  	_ =	shalt  }
0x7b: {  	_ =	shalt  }
0x7c: {  	_ =	shalt  }
0x7d: {  	_ =	shalt  }
0x7e: {  	_ =	shalt  }
0x7f: {  	_ =	shalt  }
0x80: {  	_ =	shalt  }
0x81: {  	_ =	shalt  }
0x82: {  	_ =	shalt  }
0x83: {  	_ =	shalt  }
0x84: {  	_ =	shalt  }
0x85: {  	_ =	shalt  }
0x86: {  	_ =	shalt  }
0x87: {  	_ =	shalt  }
.Lfunc_end0:
.L_simem_size_0:
called_computation_lowered:
.L_overlay_start_0:
0x88: {  	s2 =	sld [smem:$0x3FD9]  }
0x89: {  	s3 =	sld [smem:$0x3FFE];
	_ =	sdelay $0x1  }
0x8a: {  	s1 =	srdreg.scid  }
0x8b: {  	s0 =	sand.u32 $0x1, s1  }
0x8c: {  	s16 =	sshll.u32 s0, $0xA;
	s2 =	sadd.s32 s3, s2  }
0x8d: {  	s2 =	sadd.s32 s2, s16  }
0x8e: {  	[smem:$0x3FB3] =	sst s2  }
0x8f: {  	_ = 	snop  }
0x90: {  	(tm) =	ssettm $0x1  }
0x91: {  	s17 =	sld [smem:$0x3FFB];
	_ =	sdelay $0x3  }
0x92: {  	_ =	strace s17  }
0x93: {  	s2 =	sld [smem:$0x3FFC];
	_ =	sdelay $0x3  }
0x94: {  	_ =	strace s2  }
0x95: {  	s2 =	sld [smem:$0x3FFD];
	_ =	sdelay $0x3  }
0x96: {  	_ =	strace s2  }
0x97: {  	_ =	strace $0x8FFFFFFF  }
0x98: {  	s18 =	sld [smem:$0x3FDB];
	_ =	sdelay $0x1  }
0x99: {  	s19 =	simm.s32 $_scs_section_size  }
0x9a: {  	s4 =	simm.s32 $_size__tile_overlayer_lowered;
	s5 =	simm.s32 $_tile_overlayer_lowered  }
0x9b: {  	s22 =	simm.s32 $0x1BFF;
	s21 =	sshll.u32 s5, $0x1;
	s2 =	sadd.s32 s19, s18  }
0x9c: {  	s6 =	simm.s32 $0x0;
	s20 =	sshll.u32 s4, $0x1;
	s4 =	sadd.s32 s21, s2  }
0x9d: {  	[timem:s6], [sflag:s22] =	dma.local [hbm:s4], s20  }
0x9e: {  	_ =	swait.ge [sflag:s22], s20  }
0x9f: {  	s3 =	ssub.s32 $0x0, s20;
	[sflag:s22] =	ssyncset.done $0x0  }
0xa0: {  	[sflag:s22] =	ssyncadd.s32 s3;
	_ =	sdelay $0x1  }
0xa1: {  	s23 =	simm.s32 $0x1B8B  }
0xa2: {  	_ =	swait.ge [sflag:s23], $0x1  }
0xa3: {  	[sflag:s23] =	ssyncset.done $0x0  }
0xa4: {  	s25 =	simm.s32 $0x1B8E;
	s24 =	sld [smem:$0x3FFE];
	[sflag:s23] =	ssyncadd.s32 $0xFFFFFFFF  }
0xa5: {  	s26 =	simm.s32 $execute0_lowered;
	[smem:$0x3FD2] =	sst s25  }
0xa6: {  	s4 =	sshll.u32 s26, $0x1;
	_ =	strace $0x80000046;
	[dreg:$0x1] =	wrdreg $0xFFFFFFFF  }
0xa7: {  	s28 =	simm.s32 $_size_execute0_lowered;
	s2 =	sadd.s32 s2, s4;
	[dreg:$0x0] =	wrdreg $0x0  }
0xa8: {  	s4 =	sshll.u32 s28, $0x1;
	[dreg:$0x2] =	wrdreg s2  }
0xa9: {  	[dreg:$0x3] =	wrdreg s4  }
0xaa: {  	[dreg:$0x4] =	wrdreg $0xC0  }
0xab: {  	_ =	task [dreg:s6], $0x5FFFF  }
0xac: {  	[dreg:$0x1] =	wrdreg $0xFFFFFFFF  }
0xad: {  	[dreg:$0x0] =	wrdreg $0x60  }
0xae: {  	[dreg:$0x2] =	wrdreg s24  }
0xaf: {  	[dreg:$0x3] =	wrdreg $0x150000  }
0xb0: {  	[dreg:$0x4] =	wrdreg $0x9  }
0xb1: {  	_ =	task.clear_ibuf [dreg:s6], $0x5FFFF;
	_ =	strace $0x90000046  }
0xb2: {  	s29 =	simm.s32 $0x9;
	_ =	strace $0x80000048  }
0xb3: {  	_ =	swait.ge [sflag:s29], $0x1  }
0xb4: {  	[sflag:s29] =	ssyncadd.s32 $0xFFFFFFFF  }
0xb5: {  	_ =	strace $0x90000048  }
0xb6: {  	_ =	sfence  }
0xb7: {  	s30 =	sld [smem:$0x0];
	_ =	sdelay $0x2  }
0xb8: {  	s31 =	sshll.u32 s1, $0xD;
	s1 =	sshrl.u32 s1, $0x2  }
0xb9: {  	s3 =	sand.u32 $0x4000, s31;
	s1 =	sadd.s32 s1, s30  }
0xba: {  	s0 =	sor.u32 s3, s0;
	s1 =	sshll.u32 s1, $0x11  }
0xbb: {  	s0 =	sor.u32 s1, s0  }
0xbc: {  	s0 =	sadd.s32 $0x8F2B, s0  }
0xbd: {  	[sflag:s0] =	ssyncadd.remote.s32 $0x1  }
0xbe: {  	_ =	sfence.sel $0xFFFF  }
0xbf: {  	[dreg:$0x0] =	wrdreg $0xFFFFFFFF;
	(pc) =	sbr.abs _section_cstart, $3  }
0xc0: {  	[dreg:$0x1] =	wrdreg $0xFFFFFFFF  }
0xc1: {  	_ =	task.clear_ibuf [dreg:s6], $0x2FFFF;
	_ =	strace $0x9FFFFFFF  }
0xc2: {  	(tm) =	ssettm $0x7FFFFFFF  }
0xc3: {  	_ =	shalt  }
tec
execute0_lowered:
.L_overlay_start_1:
0x0: {  	(tag) =	ssettag $0x1  }
0x1: {  	s0 =	srdreg.scid;
	s3 =	rddreg [dreg:$0x0]  }
0x2: {  	s9 =	stileid.u32;
	s2 =	rddreg [dreg:$0x1]  }
0x3: {  	s4 =	simm.s32 $0x0;
	s12 =	simm.s32 $0x11;
	s14 =	simm.s32 $0x80  }
0x4: {  	s15 =	simm.s32 $0x5000;
	s16 =	simm.s32 $0x7000;
	s18 =	simm.s32 $0x9000  }
0x5: {  	s20 =	simm.s32 $0xB000;
	s22 =	simm.s32 $0xD000;
	s29 =	simm.s32 $0x13000  }
0x6: {  	s30 =	simm.s32 $0x1;
	s31 =	simm.s32 $0x2;
	s13 =	simm.s32 $0x5  }
0x7: {  	s17 =	simm.s32 $0x6;
	s19 =	simm.s32 $0x7;
	s21 =	simm.s32 $0x8  }
0x8: {  	s28 =	simm.s32 $0xB;
	s10 =	simm.s32 $0x10;
	s0 =	sand.u32 $0x1, s0  }
0x9: {  	s1 =	sshll.u32 s9, $0x1;
	s5 =	smul.u32 $0x9E00, s9;
	[smem:$0x7FF] =	sst s4  }
0xa: {  	s4 =	sadd.s32 $0x17000, s3;
	s24 =	sshll.u32 s9, $0x6;
	s9 =	simm.s32 $0xF  }
0xb: {  	s1 =	sor.u32 s0, s1;
	s6 =	smul.u32 $0x9E000, s0;
	_ =	strace $0x80000047  }
0xc: {  	s0 =	ssub.s32 $0x2, s0;
	s1 =	smul.u32 $0x500, s1;
	s7 =	sshrl.u32 s5, $0x3  }
0xd: {  	s8 =	sshrl.u32 s0, $0x1;
	s6 =	sadd.s32 s5, s6;
	s7 =	sadd.s32 s7, s3  }
0xe: {  	s0 =	ssub.s32 s0, s8;
	s5 =	sadd.s32 s5, s2;
	s8 =	simm.s32 $0xE  }
0xf: {  	s1 =	sadd.s32 s1, s3;
	s6 =	sshrl.u32 s6, $0x3;
	s23 =	sadd.s32 $0x2AC00, s7  }
0x10: {  	s0 =	smax.u32 s0, $0x1;
	s11 =	sshrl.u32 s5, $0x3;
	[dreg:$0x3] =	wrdreg s23  }
0x11: {  	s5 =	simm.s32 $0xC;
	s7 =	simm.s32 $0xD;
	[dreg:$0x8] =	wrdreg s0  }
0x12: {  	s3 =	sadd.s32 s6, s3;
	s25 =	sadd.s32 $0x3000, s1;
	[dreg:$0x9] =	wrdreg s11  }
0x13: {  	s6 =	sor.u32 $0x1C11, s24;
	s1 =	sadd.s32 $0xD000, s1;
	[dreg:$0x5] =	wrdreg s25  }
0x14: {  	s24 =	simm.s32 $0xF000;
	s0 =	simm.s32 $0x4;
	[dreg:$0x6] =	wrdreg s1  }
0x15: {  	s23 =	simm.s32 $0x9;
	s26 =	sadd.s32 $0x3E800, s3;
	[dreg:$0x4] =	wrdreg s6  }
0x16: {  	s1 =	simm.s32 $0x3;
	s3 =	simm.s32 $0x0;
	[dreg:$0x7] =	wrdreg s26  }
0x17: {  	s25 =	simm.s32 $0xA;
	s26 =	simm.s32 $0x11000;
	[dreg:$0xa] =	wrdreg s3  }
.LBB2_1:
0x18: {  	s3 =	rddreg [dreg:$0x3]  }
0x19: {  	[spmem:s11], [sflag:s6] =	dma.local [hbm:s3], $0x13C0  }
0x1a: {  	_ =	swait.ge [sflag:s12], $0x13C0  }
0x1b: {  	[sflag:s12] =	ssyncset.done $0x0  }
0x1c: {  	s3 =	simm.s32 $0x0;
	s11 =	rddreg [dreg:$0x5];
	[sflag:s12] =	ssyncadd.s32 $0xFFFFEC40  }
0x1d: {  	[tilespmem:s3], [sflag:$0x11] =	stream.linear.gather [hbm4b:s11+s3], $0x2800, $0x38;
	[tilespmem:$0x1EE00] =	vst v63  }
0x1e: {  	_ =	swait.ge [sflag:s12], $0x2800  }
0x1f: {  	[sflag:s12] =	ssyncset.done $0x0  }
0x20: {  	s11 =	simm.s32 $0x2800;
	s6 =	rddreg [dreg:$0x6];
	[sflag:s12] =	ssyncadd.s32 $0xFFFFD800  }
0x21: {  	[tilespmem:s11], [sflag:$0x11] =	stream.linear.gather [hbm4b:s6+s3], $0x2800, $0x38;
	[tilespmem:$0x1EE00] =	vst v63  }
0x22: {  	_ =	swait.ge [sflag:s12], $0x2800  }
0x23: {  	[sflag:s12] =	ssyncset.done $0x0  }
0x24: {  	[sflag:s12] =	ssyncadd.s32 $0xFFFFD800  }
0x25: {  	[bflag:$0x0] =	sbarrier.arrive $0xFFFF  }
0x26: {  	[tilespmem:s15], [sflag:$0x1] =	stream.indirect.gather [hbm4b:s4+s14], $0x40, s3, s14, $0xb8;
	[tilespmem:$0x1EE00] =	vst v63  }
0x27: {  	_ = 	snop  }
0x28: {  	[tilespmem:s16], [sflag:$0x2] =	stream.indirect.gather [hbm4b:s4+s14], $0x40, s14, s14, $0xb8;
	[tilespmem:$0x1EE00] =	vst v63  }
0x29: {  	s11 =	simm.s32 $0x100  }
0x2a: {  	[tilespmem:s18], [sflag:$0x3] =	stream.indirect.gather [hbm4b:s4+s14], $0x40, s11, s14, $0xb8;
	[tilespmem:$0x1EE00] =	vst v63  }
0x2b: {  	s6 =	simm.s32 $0x180  }
0x2c: {  	[tilespmem:s20], [sflag:$0x4] =	stream.indirect.gather [hbm4b:s4+s14], $0x40, s6, s14, $0xb8;
	[tilespmem:$0x1EE00] =	vst v63  }
0x2d: {  	s11 =	simm.s32 $0x200  }
0x2e: {  	[tilespmem:s22], [sflag:$0x5] =	stream.indirect.gather [hbm4b:s4+s14], $0x40, s11, s14, $0xb8;
	[tilespmem:$0x1EE00] =	vst v63  }
0x2f: {  	s6 =	simm.s32 $0x280  }
0x30: {  	[tilespmem:s24], [sflag:$0x6] =	stream.indirect.gather [hbm4b:s4+s14], $0x40, s6, s14, $0xb8;
	[tilespmem:$0x1EE00] =	vst v63  }
0x31: {  	s11 =	simm.s32 $0x300  }
0x32: {  	[tilespmem:s26], [sflag:$0x7] =	stream.indirect.gather [hbm4b:s4+s14], $0x40, s11, s14, $0xb8;
	[tilespmem:$0x1EE00] =	vst v63  }
0x33: {  	s6 =	simm.s32 $0x380  }
0x34: {  	[tilespmem:s29], [sflag:$0x8] =	stream.indirect.gather [hbm4b:s4+s14], $0x40, s6, s14, $0xb8;
	[tilespmem:$0x1EE00] =	vst v63  }
0x35: {  	_ =	swait.ge [sflag:s30], $0x2000  }
0x36: {  	[sflag:s30] =	ssyncset.done $0x0  }
0x37: {  	s11 =	simm.s32 $0x2800;
	[sflag:s30] =	ssyncadd.s32 $0xFFFFE000  }
0x38: {  	[spmem:s2] =	stream.indirect.scatter.add.f32 [tilespmem:s15], [sflag:$0x9], $0x40, s11, s14, $0xb8;
	[tilespmem:$0x1EE00] =	vst v63  }
0x39: {  	_ =	swait.ge [sflag:s31], $0x2000  }
0x3a: {  	[sflag:s31] =	ssyncset.done $0x0  }
0x3b: {  	s3 =	simm.s32 $0x2880;
	[sflag:s31] =	ssyncadd.s32 $0xFFFFE000  }
0x3c: {  	[spmem:s2] =	stream.indirect.scatter.add.f32 [tilespmem:s16], [sflag:$0xA], $0x40, s3, s14, $0xb8;
	[tilespmem:$0x1EE00] =	vst v63  }
0x3d: {  	_ =	swait.ge [sflag:s1], $0x2000  }
0x3e: {  	[sflag:s1] =	ssyncset.done $0x0  }
0x3f: {  	s11 =	simm.s32 $0x2900;
	[sflag:s1] =	ssyncadd.s32 $0xFFFFE000  }
0x40: {  	[spmem:s2] =	stream.indirect.scatter.add.f32 [tilespmem:s18], [sflag:$0xB], $0x40, s11, s14, $0xb8;
	[tilespmem:$0x1EE00] =	vst v63  }
0x41: {  	_ =	swait.ge [sflag:s0], $0x2000  }
0x42: {  	[sflag:s0] =	ssyncset.done $0x0  }
0x43: {  	s3 =	simm.s32 $0x2980;
	[sflag:s0] =	ssyncadd.s32 $0xFFFFE000  }
0x44: {  	[spmem:s2] =	stream.indirect.scatter.add.f32 [tilespmem:s20], [sflag:$0xC], $0x40, s3, s14, $0xb8;
	[tilespmem:$0x1EE00] =	vst v63  }
0x45: {  	_ =	swait.ge [sflag:s13], $0x2000  }
0x46: {  	[sflag:s13] =	ssyncset.done $0x0  }
0x47: {  	s11 =	simm.s32 $0x2A00;
	[sflag:s13] =	ssyncadd.s32 $0xFFFFE000  }
0x48: {  	[spmem:s2] =	stream.indirect.scatter.add.f32 [tilespmem:s22], [sflag:$0xD], $0x40, s11, s14, $0xb8;
	[tilespmem:$0x1EE00] =	vst v63  }
0x49: {  	_ =	swait.ge [sflag:s17], $0x2000  }
0x4a: {  	[sflag:s17] =	ssyncset.done $0x0  }
0x4b: {  	s3 =	simm.s32 $0x2A80;
	[sflag:s17] =	ssyncadd.s32 $0xFFFFE000  }
0x4c: {  	[spmem:s2] =	stream.indirect.scatter.add.f32 [tilespmem:s24], [sflag:$0xE], $0x40, s3, s14, $0xb8;
	[tilespmem:$0x1EE00] =	vst v63  }
0x4d: {  	_ =	swait.ge [sflag:s19], $0x2000  }
0x4e: {  	[sflag:s19] =	ssyncset.done $0x0  }
0x4f: {  	s11 =	simm.s32 $0x2B00;
	[sflag:s19] =	ssyncadd.s32 $0xFFFFE000  }
0x50: {  	[spmem:s2] =	stream.indirect.scatter.add.f32 [tilespmem:s26], [sflag:$0xF], $0x40, s11, s14, $0xb8;
	[tilespmem:$0x1EE00] =	vst v63  }
0x51: {  	_ =	swait.ge [sflag:s21], $0x2000  }
0x52: {  	[sflag:s21] =	ssyncset.done $0x0  }
0x53: {  	s3 =	simm.s32 $0x2B80;
	[sflag:s21] =	ssyncadd.s32 $0xFFFFE000  }
0x54: {  	[spmem:s2] =	stream.indirect.scatter.add.f32 [tilespmem:s29], [sflag:$0x10], $0x40, s3, s14, $0xb8;
	[tilespmem:$0x1EE00] =	vst v63  }
0x55: {  	_ =	swait.ge [sflag:s23], $0x2000  }
0x56: {  	[sflag:s23] =	ssyncset.done $0x0  }
0x57: {  	s11 =	simm.s32 $0x400;
	[sflag:s23] =	ssyncadd.s32 $0xFFFFE000  }
0x58: {  	[tilespmem:s15], [sflag:$0x1] =	stream.indirect.gather [hbm4b:s4+s14], $0x40, s11, s14, $0xb8;
	[tilespmem:$0x1EE00] =	vst v63  }
0x59: {  	_ =	swait.ge [sflag:s25], $0x2000  }
0x5a: {  	[sflag:s25] =	ssyncset.done $0x0  }
0x5b: {  	s3 =	simm.s32 $0x480;
	[sflag:s25] =	ssyncadd.s32 $0xFFFFE000  }
0x5c: {  	[tilespmem:s16], [sflag:$0x2] =	stream.indirect.gather [hbm4b:s4+s14], $0x40, s3, s14, $0xb8;
	[tilespmem:$0x1EE00] =	vst v63  }
0x5d: {  	_ =	swait.ge [sflag:s28], $0x2000  }
0x5e: {  	[sflag:s28] =	ssyncset.done $0x0  }
0x5f: {  	s11 =	simm.s32 $0x500;
	[sflag:s28] =	ssyncadd.s32 $0xFFFFE000  }
0x60: {  	[tilespmem:s18], [sflag:$0x3] =	stream.indirect.gather [hbm4b:s4+s14], $0x40, s11, s14, $0xb8;
	[tilespmem:$0x1EE00] =	vst v63  }
0x61: {  	_ =	swait.ge [sflag:s5], $0x2000  }
0x62: {  	[sflag:s5] =	ssyncset.done $0x0  }
0x63: {  	s3 =	simm.s32 $0x580;
	[sflag:s5] =	ssyncadd.s32 $0xFFFFE000  }
0x64: {  	[tilespmem:s20], [sflag:$0x4] =	stream.indirect.gather [hbm4b:s4+s14], $0x40, s3, s14, $0xb8;
	[tilespmem:$0x1EE00] =	vst v63  }
0x65: {  	_ =	swait.ge [sflag:s7], $0x2000  }
0x66: {  	[sflag:s7] =	ssyncset.done $0x0  }
0x67: {  	s11 =	simm.s32 $0x600;
	[sflag:s7] =	ssyncadd.s32 $0xFFFFE000  }
0x68: {  	[tilespmem:s22], [sflag:$0x5] =	stream.indirect.gather [hbm4b:s4+s14], $0x40, s11, s14, $0xb8;
	[tilespmem:$0x1EE00] =	vst v63  }
0x69: {  	_ =	swait.ge [sflag:s8], $0x2000  }
0x6a: {  	[sflag:s8] =	ssyncset.done $0x0  }
0x6b: {  	s3 =	simm.s32 $0x680;
	[sflag:s8] =	ssyncadd.s32 $0xFFFFE000  }
0x6c: {  	[tilespmem:s24], [sflag:$0x6] =	stream.indirect.gather [hbm4b:s4+s14], $0x40, s3, s14, $0xb8;
	[tilespmem:$0x1EE00] =	vst v63  }
0x6d: {  	_ =	swait.ge [sflag:s9], $0x2000  }
0x6e: {  	[sflag:s9] =	ssyncset.done $0x0  }
0x6f: {  	s11 =	simm.s32 $0x700;
	[sflag:s9] =	ssyncadd.s32 $0xFFFFE000  }
0x70: {  	[tilespmem:s26], [sflag:$0x7] =	stream.indirect.gather [hbm4b:s4+s14], $0x40, s11, s14, $0xb8;
	[tilespmem:$0x1EE00] =	vst v63  }
0x71: {  	_ =	swait.ge [sflag:s10], $0x2000  }
0x72: {  	[sflag:s10] =	ssyncset.done $0x0  }
0x73: {  	s6 =	simm.s32 $0x1000;
	s11 =	simm.s32 $0x780;
	[sflag:s10] =	ssyncadd.s32 $0xFFFFE000  }
.LBB2_2:
0x74: {  	[tilespmem:s29], [sflag:$0x8] =	stream.indirect.gather [hbm4b:s4+s14], $0x40, s11, s14, $0xb8;
	[tilespmem:$0x1EE00] =	vst v63  }
0x75: {  	s11 =	smov.u32 s6  }
0x76: {  	p0 =	sne.s32 s6, $0x8000;
	s6 =	sadd.s32 $0x1000, s6;
	_ =	swait.ge [sflag:s30], $0x2000  }
0x77: {  	s11 =	sshra.s32 s11, $0x2;
	[sflag:s30] =	ssyncset.done $0x0  }
0x78: {  	s3 =	sadd.s32 $0x2800, s11;
	[sflag:s30] =	ssyncadd.s32 $0xFFFFE000  }
0x79: {  	[spmem:s2] =	stream.indirect.scatter.add.f32 [tilespmem:s15], [sflag:$0x9], $0x40, s3, s14, $0xb8;
	[tilespmem:$0x1EE00] =	vst v63  }
0x7a: {  	_ =	swait.ge [sflag:s31], $0x2000  }
0x7b: {  	[sflag:s31] =	ssyncset.done $0x0  }
0x7c: {  	s3 =	sadd.s32 $0x2880, s11;
	[sflag:s31] =	ssyncadd.s32 $0xFFFFE000  }
0x7d: {  	[spmem:s2] =	stream.indirect.scatter.add.f32 [tilespmem:s16], [sflag:$0xA], $0x40, s3, s14, $0xb8;
	[tilespmem:$0x1EE00] =	vst v63  }
0x7e: {  	_ =	swait.ge [sflag:s1], $0x2000  }
0x7f: {  	[sflag:s1] =	ssyncset.done $0x0  }
0x80: {  	s3 =	sadd.s32 $0x2900, s11;
	[sflag:s1] =	ssyncadd.s32 $0xFFFFE000  }
0x81: {  	[spmem:s2] =	stream.indirect.scatter.add.f32 [tilespmem:s18], [sflag:$0xB], $0x40, s3, s14, $0xb8;
	[tilespmem:$0x1EE00] =	vst v63  }
0x82: {  	_ =	swait.ge [sflag:s0], $0x2000  }
0x83: {  	[sflag:s0] =	ssyncset.done $0x0  }
0x84: {  	s3 =	sadd.s32 $0x2980, s11;
	[sflag:s0] =	ssyncadd.s32 $0xFFFFE000  }
0x85: {  	[spmem:s2] =	stream.indirect.scatter.add.f32 [tilespmem:s20], [sflag:$0xC], $0x40, s3, s14, $0xb8;
	[tilespmem:$0x1EE00] =	vst v63  }
0x86: {  	_ =	swait.ge [sflag:s13], $0x2000  }
0x87: {  	[sflag:s13] =	ssyncset.done $0x0  }
0x88: {  	s3 =	sadd.s32 $0x2A00, s11;
	[sflag:s13] =	ssyncadd.s32 $0xFFFFE000  }
0x89: {  	[spmem:s2] =	stream.indirect.scatter.add.f32 [tilespmem:s22], [sflag:$0xD], $0x40, s3, s14, $0xb8;
	[tilespmem:$0x1EE00] =	vst v63  }
0x8a: {  	_ =	swait.ge [sflag:s17], $0x2000  }
0x8b: {  	[sflag:s17] =	ssyncset.done $0x0  }
0x8c: {  	s3 =	sadd.s32 $0x2A80, s11;
	[sflag:s17] =	ssyncadd.s32 $0xFFFFE000  }
0x8d: {  	[spmem:s2] =	stream.indirect.scatter.add.f32 [tilespmem:s24], [sflag:$0xE], $0x40, s3, s14, $0xb8;
	[tilespmem:$0x1EE00] =	vst v63  }
0x8e: {  	_ =	swait.ge [sflag:s19], $0x2000  }
0x8f: {  	[sflag:s19] =	ssyncset.done $0x0  }
0x90: {  	s3 =	sadd.s32 $0x2B00, s11;
	[sflag:s19] =	ssyncadd.s32 $0xFFFFE000  }
0x91: {  	[spmem:s2] =	stream.indirect.scatter.add.f32 [tilespmem:s26], [sflag:$0xF], $0x40, s3, s14, $0xb8;
	[tilespmem:$0x1EE00] =	vst v63  }
0x92: {  	_ =	swait.ge [sflag:s21], $0x2000  }
0x93: {  	[sflag:s21] =	ssyncset.done $0x0  }
0x94: {  	s3 =	sadd.s32 $0x2B80, s11;
	[sflag:s21] =	ssyncadd.s32 $0xFFFFE000  }
0x95: {  	[spmem:s2] =	stream.indirect.scatter.add.f32 [tilespmem:s29], [sflag:$0x10], $0x40, s3, s14, $0xb8;
	[tilespmem:$0x1EE00] =	vst v63  }
0x96: {  	_ =	swait.ge [sflag:s23], $0x2000  }
0x97: {  	[sflag:s23] =	ssyncset.done $0x0  }
0x98: {  	s3 =	sadd.s32 $0x400, s11;
	[sflag:s23] =	ssyncadd.s32 $0xFFFFE000  }
0x99: {  	[tilespmem:s15], [sflag:$0x1] =	stream.indirect.gather [hbm4b:s4+s14], $0x40, s3, s14, $0xb8;
	[tilespmem:$0x1EE00] =	vst v63  }
0x9a: {  	_ =	swait.ge [sflag:s25], $0x2000  }
0x9b: {  	[sflag:s25] =	ssyncset.done $0x0  }
0x9c: {  	s3 =	sadd.s32 $0x480, s11;
	[sflag:s25] =	ssyncadd.s32 $0xFFFFE000  }
0x9d: {  	[tilespmem:s16], [sflag:$0x2] =	stream.indirect.gather [hbm4b:s4+s14], $0x40, s3, s14, $0xb8;
	[tilespmem:$0x1EE00] =	vst v63  }
0x9e: {  	_ =	swait.ge [sflag:s28], $0x2000  }
0x9f: {  	[sflag:s28] =	ssyncset.done $0x0  }
0xa0: {  	s3 =	sadd.s32 $0x500, s11;
	[sflag:s28] =	ssyncadd.s32 $0xFFFFE000  }
0xa1: {  	[tilespmem:s18], [sflag:$0x3] =	stream.indirect.gather [hbm4b:s4+s14], $0x40, s3, s14, $0xb8;
	[tilespmem:$0x1EE00] =	vst v63  }
0xa2: {  	_ =	swait.ge [sflag:s5], $0x2000  }
0xa3: {  	[sflag:s5] =	ssyncset.done $0x0  }
0xa4: {  	s3 =	sadd.s32 $0x580, s11;
	[sflag:s5] =	ssyncadd.s32 $0xFFFFE000  }
0xa5: {  	[tilespmem:s20], [sflag:$0x4] =	stream.indirect.gather [hbm4b:s4+s14], $0x40, s3, s14, $0xb8;
	[tilespmem:$0x1EE00] =	vst v63  }
0xa6: {  	_ =	swait.ge [sflag:s7], $0x2000  }
0xa7: {  	[sflag:s7] =	ssyncset.done $0x0  }
0xa8: {  	s3 =	sadd.s32 $0x600, s11;
	[sflag:s7] =	ssyncadd.s32 $0xFFFFE000  }
0xa9: {  	[tilespmem:s22], [sflag:$0x5] =	stream.indirect.gather [hbm4b:s4+s14], $0x40, s3, s14, $0xb8;
	[tilespmem:$0x1EE00] =	vst v63  }
0xaa: {  	_ =	swait.ge [sflag:s8], $0x2000  }
0xab: {  	[sflag:s8] =	ssyncset.done $0x0  }
0xac: {  	s3 =	sadd.s32 $0x680, s11;
	[sflag:s8] =	ssyncadd.s32 $0xFFFFE000  }
0xad: {  	[tilespmem:s24], [sflag:$0x6] =	stream.indirect.gather [hbm4b:s4+s14], $0x40, s3, s14, $0xb8;
	[tilespmem:$0x1EE00] =	vst v63  }
0xae: {  	_ =	swait.ge [sflag:s9], $0x2000  }
0xaf: {  	[sflag:s9] =	ssyncset.done $0x0  }
.Ltmp0:
0xb0: {  	s3 =	sadd.s32 $0x700, s11;
	[sflag:s9] =	ssyncadd.s32 $0xFFFFE000;
	(pc) =	sbr.rel @p0 .LBB2_2-.Ltmp0, $4  }
0xb1: {  	[tilespmem:s26], [sflag:$0x7] =	stream.indirect.gather [hbm4b:s4+s14], $0x40, s3, s14, $0xb8;
	[tilespmem:$0x1EE00] =	vst v63  }
0xb2: {  	_ =	swait.ge [sflag:s10], $0x2000  }
0xb3: {  	[sflag:s10] =	ssyncset.done $0x0  }
0xb4: {  	s11 =	sadd.s32 $0x780, s11;
	[sflag:s10] =	ssyncadd.s32 $0xFFFFE000  }
0xb5: {  	[tilespmem:s29], [sflag:$0x8] =	stream.indirect.gather [hbm4b:s4+s14], $0x40, s11, s14, $0xb8;
	[tilespmem:$0x1EE00] =	vst v63  }
0xb6: {  	_ =	swait.ge [sflag:s30], $0x2000  }
0xb7: {  	[sflag:s30] =	ssyncset.done $0x0  }
0xb8: {  	s3 =	simm.s32 $0x4C00;
	[sflag:s30] =	ssyncadd.s32 $0xFFFFE000  }
0xb9: {  	[spmem:s2] =	stream.indirect.scatter.add.f32 [tilespmem:s15], [sflag:$0x11], $0x40, s3, s14, $0xb8;
	[tilespmem:$0x1EE00] =	vst v63  }
0xba: {  	_ =	swait.ge [sflag:s12], $0x2000  }
0xbb: {  	[sflag:s12] =	ssyncset.done $0x0  }
0xbc: {  	[sflag:s12] =	ssyncadd.s32 $0xFFFFE000  }
0xbd: {  	_ =	swait.ge [sflag:s31], $0x2000  }
0xbe: {  	[sflag:s31] =	ssyncset.done $0x0  }
0xbf: {  	s11 =	simm.s32 $0x4C80;
	[sflag:s31] =	ssyncadd.s32 $0xFFFFE000  }
0xc0: {  	[spmem:s2] =	stream.indirect.scatter.add.f32 [tilespmem:s16], [sflag:$0x11], $0x40, s11, s14, $0xb8;
	[tilespmem:$0x1EE00] =	vst v63  }
0xc1: {  	_ =	swait.ge [sflag:s12], $0x2000  }
0xc2: {  	[sflag:s12] =	ssyncset.done $0x0  }
0xc3: {  	[sflag:s12] =	ssyncadd.s32 $0xFFFFE000  }
0xc4: {  	_ =	swait.ge [sflag:s1], $0x2000  }
0xc5: {  	[sflag:s1] =	ssyncset.done $0x0  }
0xc6: {  	s6 =	simm.s32 $0x4D00;
	[sflag:s1] =	ssyncadd.s32 $0xFFFFE000  }
0xc7: {  	[spmem:s2] =	stream.indirect.scatter.add.f32 [tilespmem:s18], [sflag:$0x11], $0x40, s6, s14, $0xb8;
	[tilespmem:$0x1EE00] =	vst v63  }
0xc8: {  	_ =	swait.ge [sflag:s12], $0x2000  }
0xc9: {  	[sflag:s12] =	ssyncset.done $0x0  }
0xca: {  	[sflag:s12] =	ssyncadd.s32 $0xFFFFE000  }
0xcb: {  	_ =	swait.ge [sflag:s0], $0x2000  }
0xcc: {  	[sflag:s0] =	ssyncset.done $0x0  }
0xcd: {  	s11 =	simm.s32 $0x4D80;
	[sflag:s0] =	ssyncadd.s32 $0xFFFFE000  }
0xce: {  	[spmem:s2] =	stream.indirect.scatter.add.f32 [tilespmem:s20], [sflag:$0x11], $0x40, s11, s14, $0xb8;
	[tilespmem:$0x1EE00] =	vst v63  }
0xcf: {  	_ =	swait.ge [sflag:s12], $0x2000  }
0xd0: {  	[sflag:s12] =	ssyncset.done $0x0  }
0xd1: {  	[sflag:s12] =	ssyncadd.s32 $0xFFFFE000  }
0xd2: {  	_ =	swait.ge [sflag:s13], $0x2000  }
0xd3: {  	[sflag:s13] =	ssyncset.done $0x0  }
0xd4: {  	s6 =	simm.s32 $0x4E00;
	[sflag:s13] =	ssyncadd.s32 $0xFFFFE000  }
0xd5: {  	[spmem:s2] =	stream.indirect.scatter.add.f32 [tilespmem:s22], [sflag:$0x11], $0x40, s6, s14, $0xb8;
	[tilespmem:$0x1EE00] =	vst v63  }
0xd6: {  	_ =	swait.ge [sflag:s12], $0x2000  }
0xd7: {  	[sflag:s12] =	ssyncset.done $0x0  }
0xd8: {  	[sflag:s12] =	ssyncadd.s32 $0xFFFFE000  }
0xd9: {  	_ =	swait.ge [sflag:s17], $0x2000  }
0xda: {  	[sflag:s17] =	ssyncset.done $0x0  }
0xdb: {  	s11 =	simm.s32 $0x4E80;
	[sflag:s17] =	ssyncadd.s32 $0xFFFFE000  }
0xdc: {  	[spmem:s2] =	stream.indirect.scatter.add.f32 [tilespmem:s24], [sflag:$0x11], $0x40, s11, s14, $0xb8;
	[tilespmem:$0x1EE00] =	vst v63  }
0xdd: {  	_ =	swait.ge [sflag:s12], $0x2000  }
0xde: {  	[sflag:s12] =	ssyncset.done $0x0  }
0xdf: {  	[sflag:s12] =	ssyncadd.s32 $0xFFFFE000  }
0xe0: {  	_ =	swait.ge [sflag:s19], $0x2000  }
0xe1: {  	[sflag:s19] =	ssyncset.done $0x0  }
0xe2: {  	s6 =	simm.s32 $0x4F00;
	[sflag:s19] =	ssyncadd.s32 $0xFFFFE000  }
0xe3: {  	[spmem:s2] =	stream.indirect.scatter.add.f32 [tilespmem:s26], [sflag:$0x11], $0x40, s6, s14, $0xb8;
	[tilespmem:$0x1EE00] =	vst v63  }
0xe4: {  	_ =	swait.ge [sflag:s12], $0x2000  }
0xe5: {  	[sflag:s12] =	ssyncset.done $0x0  }
0xe6: {  	[sflag:s12] =	ssyncadd.s32 $0xFFFFE000  }
0xe7: {  	_ =	swait.ge [sflag:s21], $0x2000  }
0xe8: {  	[sflag:s21] =	ssyncset.done $0x0  }
0xe9: {  	s11 =	simm.s32 $0x4F80;
	[sflag:s21] =	ssyncadd.s32 $0xFFFFE000  }
0xea: {  	[spmem:s2] =	stream.indirect.scatter.add.f32 [tilespmem:s29], [sflag:$0x11], $0x40, s11, s14, $0xb8;
	[tilespmem:$0x1EE00] =	vst v63  }
0xeb: {  	_ =	swait.ge [sflag:s12], $0x2000  }
0xec: {  	[sflag:s12] =	ssyncset.done $0x0  }
0xed: {  	[sflag:s12] =	ssyncadd.s32 $0xFFFFE000  }
0xee: {  	[bflag:$0x0] =	sbarrier.arrive $0xFFFF  }
0xef: {  	s6 =	rddreg [dreg:$0x4]  }
0xf0: {  	s3 =	rddreg [dreg:$0x7]  }
0xf1: {  	s11 =	rddreg [dreg:$0x9]  }
0xf2: {  	[hbm:s3], [sflag:s6] =	dma.local [spmem:s11], $0x13C0  }
0xf3: {  	_ =	swait.ge [sflag:s12], $0x13C0  }
0xf4: {  	s3 =	simm.s32 $0x11;
	s12 =	rddreg [dreg:$0xa]  }
0xf5: {  	[sflag:s3] =	ssyncset.done $0x0;
	s3 =	rddreg [dreg:$0x8];
	s12 =	sadd.s32 $0x1, s12  }
0xf6: {  	p0 =	sne.s32 s12, s3  }
.Ltmp1:
0xf7: {  	_ = 	snop;
	(pc) =	sbr.rel @p0 .LBB2_1-.Ltmp1, $3  }
0xf8: {  	_ =	sdelay $0x1  }
0xf9: {  	[dreg:$0xa] =	wrdreg s12;
	s12 =	simm.s32 $0x11  }
0xfa: {  	[sflag:s12] =	ssyncadd.s32 $0xFFFFEC40  }
0xfb: {  	_ =	sfence.sel $0x180000  }
0xfc: {  	[bflag:$0x0] =	sbarrier.arrive $0xFFFF  }
0xfd: {  	_ =	strace $0x90000047  }
0xfe: {  	s0 =	stileid.u32;
	[bflag:$0x2] =	sbarrier.arrive $0xFFFF  }
0xff: {  	p0 =	sne.s32 s0, $0x0;
	s0 =	rddreg [dreg:$0x2]  }
0x100: {  	s0 =	sadd.s32 @!p0 $0x100000, s0  }
0x101: {  	[sflag:s0] =	ssyncadd.tile.s32 @!p0 $0x1;
	_ =	shalt  }
.Lfunc_end2:
_tile_overlayer_lowered:
.L_overlay_start_2:
0x102: {  	(tag) =	ssettag $0x2  }
0x103: {  	s0 =	rddreg [dreg:$0x0];
	s2 =	stileid.u32  }
0x104: {  	s1 =	rddreg [dreg:$0x1];
	p0 =	sne.s32 s2, $0x0  }
0x105: {  	s3 =	rddreg [dreg:$0x2];
	[bflag:$0x3] =	sbarrier.arrive $0xFFFF;
	s2 =	simm.s32 @!p0 $0x1C11  }
0x106: {  	[timem:s3], [sflag:s2] =	dma.local @!p0 [hbm:s0], s1  }
0x107: {  	s0 =	simm.s32 @!p0 $0x11  }
0x108: {  	_ =	swait.ge @!p0 [sflag:s0], s1  }
0x109: {  	s1 =	ssub.s32 @!p0 $0x0, s1;
	[sflag:s0] =	ssyncset.done @!p0 $0x0  }
0x10a: {  	[sflag:s0] =	ssyncadd.s32 @!p0 s1  }
0x10b: {  	[bflag:$0x3] =	sbarrier.arrive $0xFFFF  }
0x10c: {  	_ =	shalt  }

</sc_bundles>
